<compile_context>
chip_gen: v7x
topology: tpu7x:2x2x1
jax: 0.10.2.dev20260603
libtpu: 0.0.44.dev20260713+nightly
codegen_flags: <defaults>
</compile_context>

<pallas_src>
import functools

import jax
import jax.numpy as jnp
from jax import lax
from jax.experimental import pallas as pl
from jax.experimental.pallas import tpu as pltpu
from jax.experimental.pallas import tpu_sc as plsc

N = 10000
E = 320000
D = 128

NC = 2
NS = 16
NW = NC * NS
R = 320
N_PAD = NW * R
EC = 800
NCHUNK = E // EC
VPC = EC // 16
G = 16

NEG = float("-inf")


def _seg_max(x, src, dst):
  mesh = plsc.VectorSubcoreMesh(core_axis_name="c", subcore_axis_name="s")

  @functools.partial(
      pl.kernel,
      mesh=mesh,
      out_type=jax.ShapeDtypeStruct((N_PAD * D,), jnp.float32),
      compiler_params=pltpu.CompilerParams(needs_layout_passes=False),
      scratch_types=[
          pltpu.VMEM((R * D,), jnp.float32),
          pltpu.VMEM((2 * EC,), jnp.int32),
          pltpu.VMEM((2 * EC,), jnp.int32),
          pltpu.VMEM((EC + G,), jnp.int32),
          pltpu.VMEM((2, G), jnp.int32),
          pltpu.VMEM((2, G, D), jnp.float32),
          pltpu.VMEM_SHARED((N, D), jnp.float32),
          pltpu.SemaphoreType.DMA((2,)),
          pltpu.SemaphoreType.DMA((2,)),
          pltpu.SemaphoreType.DMA((2,)),
      ],
  )
  def k(x_hbm, src_hbm, dst_hbm, out_hbm,
        acc, srcv, dstv, pend, gidx, rows, xs, sem_c, sem_d, sem_g):
    sid = lax.axis_index("s")
    wid = sid * NC + lax.axis_index("c")
    lo = wid * R

    @pl.when(sid < NS - 1)
    def _():
      pltpu.sync_copy(x_hbm.at[pl.ds(sid * 632, 632)],
                      xs.at[pl.ds(sid * 632, 632)])

    @pl.when(sid == NS - 1)
    def _():
      pltpu.sync_copy(x_hbm.at[pl.ds((NS - 1) * 632, N - (NS - 1) * 632)],
                      xs.at[pl.ds((NS - 1) * 632, N - (NS - 1) * 632)])

    neg = jnp.full((16,), NEG, jnp.float32)

    def init_a(i, carry):
      acc[pl.ds(i * 16, 16)] = neg
      return carry

    lax.fori_loop(0, R * D // 16, init_a, 0)

    ones = jnp.full((16,), 1, jnp.int32)
    nines = jnp.full((16,), 9, jnp.int32)
    nmax = jnp.full((16,), N - 1, jnp.int32)

    def chunk_copies(c, slot):
      a = pltpu.make_async_copy(
          src_hbm.at[pl.ds(c * EC, EC)],
          srcv.at[pl.ds(slot * EC, EC)], sem_c.at[slot])
      b = pltpu.make_async_copy(
          dst_hbm.at[pl.ds(c * EC, EC)],
          dstv.at[pl.ds(slot * EC, EC)], sem_d.at[slot])
      return a, b

    a0, b0 = chunk_copies(0, 0)
    a0.start()
    b0.start()

    plsc.subcore_barrier()

    def do_chunk(c, carry):
      slot = c & 1
      aw, bw = chunk_copies(c, slot)
      aw.wait()
      bw.wait()

      @pl.when(c + 1 < NCHUNK)
      def _():
        an, bn = chunk_copies(c + 1, 1 - slot)
        an.start()
        bn.start()

      lo_v = jnp.broadcast_to(lo, (16,))
      hi_v = jnp.broadcast_to(lo + R, (16,))

      def gather_copy(gslot):
        return pltpu.make_async_copy(
            xs.at[gidx.at[gslot]], rows.at[gslot], sem_g.at[gslot])

      def prep_start(bi, gslot):
        base = bi * G
        for t in range(G // 16):
          v = pend[pl.ds(base + t * 16, 16)]
          sidx = lax.shift_right_logical(v, nines)
          gidx[gslot, pl.ds(t * 16, 16)] = jnp.minimum(sidx, nmax)
        gather_copy(gslot).start()

      def scan_v(i, cnt):
        off = i * 16
        d = dstv[pl.ds(slot * EC + off, 16)]
        s = srcv[pl.ds(slot * EC + off, 16)]
        m = (d >= lo_v) & (d < hi_v)
        cum = plsc.cumsum(jnp.where(m, ones, jnp.zeros((16,), jnp.int32)))
        pos = jnp.broadcast_to(cnt - 1, (16,)) + cum
        packed = jnp.left_shift(s, nines) | (d - lo_v)
        plsc.store_scatter(pend, [pos], packed, mask=m)
        return cnt + cum[15]

      cnt_a = lax.fori_loop(0, VPC * 3 // 4, scan_v, 0)
      fired = cnt_a >= G
      @pl.when(fired)
      def _():
        prep_start(0, 0)

      cnt = lax.fori_loop(VPC * 3 // 4, VPC, scan_v, cnt_a)
      nb = (cnt + G - 1) // G

      @pl.when((nb > 0) & jnp.logical_not(fired))
      def _():
        prep_start(0, 0)

      def do_batch(bi, carry2):
        gslot = bi & 1
        gather_copy(gslot).wait()

        @pl.when(bi + 1 < nb)
        def _():
          prep_start(bi + 1, 1 - gslot)

        base = bi * G
        nhere = jnp.minimum(cnt - base, G)

        def accum4(t, c2):
          j = t * 4
          pv = pend[pl.ds(base + j, 16)]
          lds = [pv[u] & 511 for u in range(4)]
          for f in range(D // 16):
            fs = pl.ds(f * 16, 16)
            for u in range(4):
              o = lds[u] * D + f * 16
              acc[pl.ds(o, 16)] = jnp.maximum(
                  acc[pl.ds(o, 16)], rows[gslot, j + u, fs])
          return c2

        lax.fori_loop(0, nhere // 4, accum4, 0)

        def accum1(j, c2):
          p = pend[pl.ds(base + j, 16)][0]
          ld = p & 511
          for f in range(D // 16):
            off = ld * D + f * 16
            acc[pl.ds(off, 16)] = jnp.maximum(
                acc[pl.ds(off, 16)], rows[gslot, j, pl.ds(f * 16, 16)])
          return c2

        lax.fori_loop(nhere // 4 * 4, nhere, accum1, 0)
        return carry2

      lax.fori_loop(0, nb, do_batch, 0)
      return carry

    lax.fori_loop(0, NCHUNK, do_chunk, 0)

    pltpu.sync_copy(acc, out_hbm.at[pl.ds(lo * D, R * D)])

  return k(x, src, dst)


def _mlp(x, m, w, b):
  blk = 2000

  def body(x_ref, m_ref, w_ref, b_ref, o_ref):
    xb = x_ref[...]
    mb = m_ref[...]
    xj = jnp.where(jnp.isfinite(mb), mb - xb, 0.0)
    h = jnp.concatenate([xb, xj], axis=1)
    out = jnp.dot(h, w_ref[...], preferred_element_type=jnp.float32)
    o_ref[...] = jnp.maximum(out + b_ref[...], 0.0)

  return pl.pallas_call(
      body,
      grid=(N // blk,),
      in_specs=[
          pl.BlockSpec((blk, D), lambda i: (i, 0)),
          pl.BlockSpec((blk, D), lambda i: (i, 0)),
          pl.BlockSpec((2 * D, D), lambda i: (0, 0)),
          pl.BlockSpec((1, D), lambda i: (0, 0)),
      ],
      out_specs=pl.BlockSpec((blk, D), lambda i: (i, 0)),
      out_shape=jax.ShapeDtypeStruct((N, D), jnp.float32),
  )(x, m, w, b.reshape(1, D))


def kernel(x, edge_index, W, b):
  src = edge_index[0].astype(jnp.int32)
  dst = edge_index[1].astype(jnp.int32)
  m_flat = _seg_max(x, src, dst)
  m = m_flat.reshape(N_PAD, D)[:N]
  return _mlp(x, m, W, b)

# --- scband reference (transcript-rebuilt; emitter-appended) ---
"""Pipeline reference for scband-mrconv-18159121728105 (READ-ONLY COPY).

The authoritative reference and input builder live on the scoring server;
editing this copy changes nothing except your own understanding.
"""

import jax, jax.numpy as jnp
import numpy as np

N_NODES = 10000
N_EDGES = 320000
D_IN = 128
D_OUT = 128


def setup_inputs(seed: int = 0) -> dict:
    key = jax.random.key(seed)
    k1, k2, k3, k4 = jax.random.split(key, 4)
    x = jax.random.normal(k1, (N_NODES, D_IN), dtype=jnp.float32)
    edge_index = jax.random.randint(k2, (2, N_EDGES), 0, N_NODES, dtype=jnp.int64)
    # MLP([in_channels*2, out_channels]) -> Linear(2*D_IN, D_OUT) + ReLU
    W = jax.random.normal(k3, (2 * D_IN, D_OUT), dtype=jnp.float32) * (1.0 / np.sqrt(2 * D_IN))
    b = jax.random.normal(k4, (D_OUT,), dtype=jnp.float32) * 0.01
    return {"x": x, "edge_index": edge_index, "W": W, "b": b}


def reference(x, edge_index, W, b):
    src = edge_index[0]
    dst = edge_index[1]
    # relative features gathered per edge
    diff = jnp.take(x, src, axis=0) - jnp.take(x, dst, axis=0)
    # max-aggregate onto destination nodes (scatter-max)
    x_j = jax.ops.segment_max(diff, dst, num_segments=x.shape[0])
    # torch scatter_ 'max' fills empty segments with 0; jax fills with -inf
    x_j = jnp.where(jnp.isfinite(x_j), x_j, 0.0)
    h = jnp.concatenate([x, x_j], axis=1)
    out = h @ W + b
    return jax.nn.relu(out)

if __name__ == "__main__":
    import jax
    _d = setup_inputs()
    print(jax.jit(kernel)(*tuple(_d.values())))

</pallas_src>

<mosaic_0001>
#map = affine_map<(d0, d1) -> (0, 0)>
#map1 = affine_map<(d0, d1) -> (0)>
module attributes {stable_mosaic.version = 14 : i64} {
  func.func @k(%arg0: i32, %arg1: i32, %arg2: memref<10000x128xf32, #tpu.memory_space<hbm>>, %arg3: memref<320000xi32, #tpu.memory_space<hbm>>, %arg4: memref<320000xi32, #tpu.memory_space<hbm>>, %arg5: memref<1310720xf32, #tpu.memory_space<hbm>>, %arg6: memref<40960xf32, #tpu.memory_space<vmem>>, %arg7: memref<1600xi32, #tpu.memory_space<vmem>>, %arg8: memref<1600xi32, #tpu.memory_space<vmem>>, %arg9: memref<816xi32, #tpu.memory_space<vmem>>, %arg10: memref<2x16xi32, #tpu.memory_space<vmem>>, %arg11: memref<2x16x128xf32, #tpu.memory_space<vmem>>, %arg12: memref<10000x128xf32, #tpu.memory_space<vmem_shared>>, %arg13: memref<2x!tpu.dma_semaphore, #tpu.memory_space<semaphore_mem>>, %arg14: memref<2x!tpu.dma_semaphore, #tpu.memory_space<semaphore_mem>>, %arg15: memref<2x!tpu.dma_semaphore, #tpu.memory_space<semaphore_mem>>) attributes {dimension_semantics = [#tpu.dimension_semantics<core_parallel>, #tpu.dimension_semantics<subcore_parallel>], iteration_bounds = array<i64: 2, 16>, scalar_prefetch = 0 : i64, scratch_operands = 10 : i64, tpu.core_type = #tpu.core_type<sc_vector_subcore>, window_params = [{transform_indices = #map}, {transform_indices = #map1}, {transform_indices = #map1}, {transform_indices = #map1}]} {
    %mul3A = arith.constant 2 : i32
    %mul3A_0 = arith.muli %arg1, %mul3A : i32
    %add3A = arith.addi %mul3A_0, %arg0 : i32
    %mul3A_1 = arith.constant 320 : i32
    %mul3A_2 = arith.muli %add3A, %mul3A_1 : i32
    %lt3A = arith.constant 15 : i32
    %lt3A_3 = arith.cmpi slt, %arg1, %lt3A : i32
    %convert_element_type3A = arith.extui %lt3A_3 : i1 to i32
    %cond3A = arith.constant 0 : i32
    %cond3A_4 = arith.cmpi ne, %convert_element_type3A, %cond3A : i32
    scf.if %cond3A_4 {
      %mul3A_50 = arith.constant 632 : i32
      %mul3A_51 = arith.muli %arg1, %mul3A_50 : i32
      %mul3A_52 = arith.constant 632 : i32
      %mul3A_53 = arith.muli %arg1, %mul3A_52 : i32
      "tpu.region"() ({
        %run_scoped3A = tpu.sem_alloc : memref<!tpu.dma_semaphore, #tpu.memory_space<semaphore_mem>>
        %dma_start3A_54 = arith.constant 0 : i32
        %dma_start3A_55 = tpu.memref_slice %arg12[%mul3A_53, %dma_start3A_54] : memref<10000x128xf32, #tpu.memory_space<vmem_shared>> -> memref<632x128xf32, #tpu.memory_space<vmem_shared>>
        %dma_start3A_56 = arith.constant 0 : i32
        %dma_start3A_57 = tpu.memref_slice %arg2[%mul3A_51, %dma_start3A_56] : memref<10000x128xf32, #tpu.memory_space<hbm>> -> memref<632x128xf32, #tpu.memory_space<hbm>>
        tpu.enqueue_dma source(%dma_start3A_57 : memref<632x128xf32, #tpu.memory_space<hbm>>) target(%dma_start3A_55 : memref<632x128xf32, #tpu.memory_space<vmem_shared>>) target_semaphore(%run_scoped3A : memref<!tpu.dma_semaphore, #tpu.memory_space<semaphore_mem>>)
        %dma_wait3A = arith.constant 0 : i32
        %dma_wait3A_58 = tpu.memref_slice %arg12[%mul3A_53, %dma_wait3A] : memref<10000x128xf32, #tpu.memory_space<vmem_shared>> -> memref<632x128xf32, #tpu.memory_space<vmem_shared>>
        %dma_wait3A_59 = arith.constant 0 : i32
        %dma_wait3A_60 = tpu.memref_slice %arg2[%mul3A_51, %dma_wait3A_59] : memref<10000x128xf32, #tpu.memory_space<hbm>> -> memref<632x128xf32, #tpu.memory_space<hbm>>
        tpu.wait_dma2 semaphore(%run_scoped3A : memref<!tpu.dma_semaphore, #tpu.memory_space<semaphore_mem>>) src(%dma_wait3A_60 : memref<632x128xf32, #tpu.memory_space<hbm>>) dst(%dma_wait3A_58 : memref<632x128xf32, #tpu.memory_space<vmem_shared>>)
        tpu.yield
      }) : () -> ()
    } else {
    }
    %eq3A = arith.constant 15 : i32
    %eq3A_5 = arith.cmpi eq, %arg1, %eq3A : i32
    %convert_element_type3A_6 = arith.extui %eq3A_5 : i1 to i32
    %cond3A_7 = arith.constant 0 : i32
    %cond3A_8 = arith.cmpi ne, %convert_element_type3A_6, %cond3A_7 : i32
    scf.if %cond3A_8 {
      "tpu.region"() ({
        %run_scoped3A = tpu.sem_alloc : memref<!tpu.dma_semaphore, #tpu.memory_space<semaphore_mem>>
        %dma_start3A_50 = arith.constant 9480 : i32
        %dma_start3A_51 = arith.constant 0 : i32
        %dma_start3A_52 = tpu.memref_slice %arg12[%dma_start3A_50, %dma_start3A_51] : memref<10000x128xf32, #tpu.memory_space<vmem_shared>> -> memref<520x128xf32, #tpu.memory_space<vmem_shared>>
        %dma_start3A_53 = arith.constant 9480 : i32
        %dma_start3A_54 = arith.constant 0 : i32
        %dma_start3A_55 = tpu.memref_slice %arg2[%dma_start3A_53, %dma_start3A_54] : memref<10000x128xf32, #tpu.memory_space<hbm>> -> memref<520x128xf32, #tpu.memory_space<hbm>>
        tpu.enqueue_dma source(%dma_start3A_55 : memref<520x128xf32, #tpu.memory_space<hbm>>) target(%dma_start3A_52 : memref<520x128xf32, #tpu.memory_space<vmem_shared>>) target_semaphore(%run_scoped3A : memref<!tpu.dma_semaphore, #tpu.memory_space<semaphore_mem>>)
        %dma_wait3A = arith.constant 9480 : i32
        %dma_wait3A_56 = arith.constant 0 : i32
        %dma_wait3A_57 = tpu.memref_slice %arg12[%dma_wait3A, %dma_wait3A_56] : memref<10000x128xf32, #tpu.memory_space<vmem_shared>> -> memref<520x128xf32, #tpu.memory_space<vmem_shared>>
        %dma_wait3A_58 = arith.constant 9480 : i32
        %dma_wait3A_59 = arith.constant 0 : i32
        %dma_wait3A_60 = tpu.memref_slice %arg2[%dma_wait3A_58, %dma_wait3A_59] : memref<10000x128xf32, #tpu.memory_space<hbm>> -> memref<520x128xf32, #tpu.memory_space<hbm>>
        tpu.wait_dma2 semaphore(%run_scoped3A : memref<!tpu.dma_semaphore, #tpu.memory_space<semaphore_mem>>) src(%dma_wait3A_60 : memref<520x128xf32, #tpu.memory_space<hbm>>) dst(%dma_wait3A_57 : memref<520x128xf32, #tpu.memory_space<vmem_shared>>)
        tpu.yield
      }) : () -> ()
    } else {
    }
    %broadcast_in_dim3A = arith.constant 0xFF800000 : f32
    %broadcast_in_dim3A_9 = vector.broadcast %broadcast_in_dim3A : f32 to vector<16xf32>
    %scan3A = arith.constant 0 : i32
    %scan3A_10 = arith.constant 0 : i32
    %scan3A_11 = arith.constant 2560 : i32
    %scan3A_12 = arith.addi %scan3A_10, %scan3A_11 : i32
    %scan3A_13 = arith.constant 1 : i32
    scf.for %scan3A_50 = %scan3A_10 to %scan3A_12 step %scan3A_13  : i32 {
      %mul3A_51 = arith.constant 16 : i32
      %mul3A_52 = arith.muli %scan3A_50, %mul3A_51 : i32
      %swap3A = arith.index_cast %mul3A_52 : i32 to index
      %swap3A_53 = tpu.vector_load %arg6[%swap3A] {strides = array<i32>} : memref<40960xf32, #tpu.memory_space<vmem>>, vector<16xf32>,
      tpu.vector_store %arg6[%swap3A], %broadcast_in_dim3A_9 {strides = array<i32>} : memref<40960xf32, #tpu.memory_space<vmem>>, vector<16xf32>,
    }
    %scan3A_14 = arith.constant 2560 : i32
    %broadcast_in_dim3A_15 = arith.constant 1 : i32
    %broadcast_in_dim3A_16 = vector.broadcast %broadcast_in_dim3A_15 : i32 to vector<16xi32>
    %broadcast_in_dim3A_17 = arith.constant 9 : i32
    %broadcast_in_dim3A_18 = vector.broadcast %broadcast_in_dim3A_17 : i32 to vector<16xi32>
    %broadcast_in_dim3A_19 = arith.constant 9999 : i32
    %broadcast_in_dim3A_20 = vector.broadcast %broadcast_in_dim3A_19 : i32 to vector<16xi32>
    %dma_start3A = arith.constant 0 : i32
    %dma_start3A_21 = arith.constant 0 : i32
    %dma_start3A_22 = tpu.memref_slice %arg7[%dma_start3A_21] : memref<1600xi32, #tpu.memory_space<vmem>> -> memref<800xi32, #tpu.memory_space<vmem>>
    %dma_start3A_23 = arith.constant 0 : i32
    %dma_start3A_24 = tpu.memref_slice %arg3[%dma_start3A_23] : memref<320000xi32, #tpu.memory_space<hbm>> -> memref<800xi32, #tpu.memory_space<hbm>>
    %dma_start3A_25 = tpu.memref_slice %arg13[%dma_start3A] : memref<2x!tpu.dma_semaphore, #tpu.memory_space<semaphore_mem>> -> memref<1x!tpu.dma_semaphore, #tpu.memory_space<semaphore_mem>>
    %dma_start3A_26 = tpu.memref_squeeze %dma_start3A_25 : memref<1x!tpu.dma_semaphore, #tpu.memory_space<semaphore_mem>> -> memref<!tpu.dma_semaphore, #tpu.memory_space<semaphore_mem>>
    %dma_start3A_27 = arith.constant 0 : i32
    %dma_start3A_28 = tpu.memref_slice %arg7[%dma_start3A_27] : memref<1600xi32, #tpu.memory_space<vmem>> -> memref<800xi32, #tpu.memory_space<vmem>>
    %dma_start3A_29 = arith.constant 0 : i32
    %dma_start3A_30 = tpu.memref_slice %arg3[%dma_start3A_29] : memref<320000xi32, #tpu.memory_space<hbm>> -> memref<800xi32, #tpu.memory_space<hbm>>
    tpu.enqueue_dma source(%dma_start3A_30 : memref<800xi32, #tpu.memory_space<hbm>>) target(%dma_start3A_28 : memref<800xi32, #tpu.memory_space<vmem>>) target_semaphore(%dma_start3A_26 : memref<!tpu.dma_semaphore, #tpu.memory_space<semaphore_mem>>)
    %dma_start3A_31 = arith.constant 0 : i32
    %dma_start3A_32 = arith.constant 0 : i32
    %dma_start3A_33 = tpu.memref_slice %arg8[%dma_start3A_32] : memref<1600xi32, #tpu.memory_space<vmem>> -> memref<800xi32, #tpu.memory_space<vmem>>
    %dma_start3A_34 = arith.constant 0 : i32
    %dma_start3A_35 = tpu.memref_slice %arg4[%dma_start3A_34] : memref<320000xi32, #tpu.memory_space<hbm>> -> memref<800xi32, #tpu.memory_space<hbm>>
    %dma_start3A_36 = tpu.memref_slice %arg14[%dma_start3A_31] : memref<2x!tpu.dma_semaphore, #tpu.memory_space<semaphore_mem>> -> memref<1x!tpu.dma_semaphore, #tpu.memory_space<semaphore_mem>>
    %dma_start3A_37 = tpu.memref_squeeze %dma_start3A_36 : memref<1x!tpu.dma_semaphore, #tpu.memory_space<semaphore_mem>> -> memref<!tpu.dma_semaphore, #tpu.memory_space<semaphore_mem>>
    %dma_start3A_38 = arith.constant 0 : i32
    %dma_start3A_39 = tpu.memref_slice %arg8[%dma_start3A_38] : memref<1600xi32, #tpu.memory_space<vmem>> -> memref<800xi32, #tpu.memory_space<vmem>>
    %dma_start3A_40 = arith.constant 0 : i32
    %dma_start3A_41 = tpu.memref_slice %arg4[%dma_start3A_40] : memref<320000xi32, #tpu.memory_space<hbm>> -> memref<800xi32, #tpu.memory_space<hbm>>
    tpu.enqueue_dma source(%dma_start3A_41 : memref<800xi32, #tpu.memory_space<hbm>>) target(%dma_start3A_39 : memref<800xi32, #tpu.memory_space<vmem>>) target_semaphore(%dma_start3A_37 : memref<!tpu.dma_semaphore, #tpu.memory_space<semaphore_mem>>)
    %barrier3A = arith.constant 0 : index
    tpu.barrier barrier_id(%barrier3A)
    %scan3A_42 = arith.constant 0 : i32
    %scan3A_43 = arith.constant 0 : i32
    %scan3A_44 = arith.constant 400 : i32
    %scan3A_45 = arith.addi %scan3A_43, %scan3A_44 : i32
    %scan3A_46 = arith.constant 1 : i32
    scf.for %scan3A_50 = %scan3A_43 to %scan3A_45 step %scan3A_46  : i32 {
      %and3A = arith.constant 1 : i32
      %and3A_51 = arith.andi %scan3A_50, %and3A : i32
      %mul3A_52 = arith.constant 800 : i32
      %mul3A_53 = arith.muli %scan3A_50, %mul3A_52 : i32
      %mul3A_54 = arith.constant 800 : i32
      %mul3A_55 = arith.muli %and3A_51, %mul3A_54 : i32
      %mul3A_56 = arith.constant 800 : i32
      %mul3A_57 = arith.muli %scan3A_50, %mul3A_56 : i32
      %mul3A_58 = arith.constant 800 : i32
      %mul3A_59 = arith.muli %and3A_51, %mul3A_58 : i32
      %dma_wait3A = tpu.memref_slice %arg7[%mul3A_55] : memref<1600xi32, #tpu.memory_space<vmem>> -> memref<800xi32, #tpu.memory_space<vmem>>
      %dma_wait3A_60 = tpu.memref_slice %arg3[%mul3A_53] : memref<320000xi32, #tpu.memory_space<hbm>> -> memref<800xi32, #tpu.memory_space<hbm>>
      %dma_wait3A_61 = tpu.memref_slice %arg13[%and3A_51] : memref<2x!tpu.dma_semaphore, #tpu.memory_space<semaphore_mem>> -> memref<1x!tpu.dma_semaphore, #tpu.memory_space<semaphore_mem>>
      %dma_wait3A_62 = tpu.memref_squeeze %dma_wait3A_61 : memref<1x!tpu.dma_semaphore, #tpu.memory_space<semaphore_mem>> -> memref<!tpu.dma_semaphore, #tpu.memory_space<semaphore_mem>>
      %dma_wait3A_63 = tpu.memref_slice %arg7[%mul3A_55] : memref<1600xi32, #tpu.memory_space<vmem>> -> memref<800xi32, #tpu.memory_space<vmem>>
      %dma_wait3A_64 = tpu.memref_slice %arg3[%mul3A_53] : memref<320000xi32, #tpu.memory_space<hbm>> -> memref<800xi32, #tpu.memory_space<hbm>>
      tpu.wait_dma2 semaphore(%dma_wait3A_62 : memref<!tpu.dma_semaphore, #tpu.memory_space<semaphore_mem>>) src(%dma_wait3A_64 : memref<800xi32, #tpu.memory_space<hbm>>) dst(%dma_wait3A_63 : memref<800xi32, #tpu.memory_space<vmem>>)
      %dma_wait3A_65 = tpu.memref_slice %arg8[%mul3A_59] : memref<1600xi32, #tpu.memory_space<vmem>> -> memref<800xi32, #tpu.memory_space<vmem>>
      %dma_wait3A_66 = tpu.memref_slice %arg4[%mul3A_57] : memref<320000xi32, #tpu.memory_space<hbm>> -> memref<800xi32, #tpu.memory_space<hbm>>
      %dma_wait3A_67 = tpu.memref_slice %arg14[%and3A_51] : memref<2x!tpu.dma_semaphore, #tpu.memory_space<semaphore_mem>> -> memref<1x!tpu.dma_semaphore, #tpu.memory_space<semaphore_mem>>
      %dma_wait3A_68 = tpu.memref_squeeze %dma_wait3A_67 : memref<1x!tpu.dma_semaphore, #tpu.memory_space<semaphore_mem>> -> memref<!tpu.dma_semaphore, #tpu.memory_space<semaphore_mem>>
      %dma_wait3A_69 = tpu.memref_slice %arg8[%mul3A_59] : memref<1600xi32, #tpu.memory_space<vmem>> -> memref<800xi32, #tpu.memory_space<vmem>>
      %dma_wait3A_70 = tpu.memref_slice %arg4[%mul3A_57] : memref<320000xi32, #tpu.memory_space<hbm>> -> memref<800xi32, #tpu.memory_space<hbm>>
      tpu.wait_dma2 semaphore(%dma_wait3A_68 : memref<!tpu.dma_semaphore, #tpu.memory_space<semaphore_mem>>) src(%dma_wait3A_70 : memref<800xi32, #tpu.memory_space<hbm>>) dst(%dma_wait3A_69 : memref<800xi32, #tpu.memory_space<vmem>>)
      %add3A_71 = arith.constant 1 : i32
      %add3A_72 = arith.addi %scan3A_50, %add3A_71 : i32
      %lt3A_73 = arith.constant 400 : i32
      %lt3A_74 = arith.cmpi slt, %add3A_72, %lt3A_73 : i32
      %convert_element_type3A_75 = arith.extui %lt3A_74 : i1 to i32
      %cond3A_76 = arith.constant 0 : i32
      %cond3A_77 = arith.cmpi ne, %convert_element_type3A_75, %cond3A_76 : i32
      scf.if %cond3A_77 {
        %add3A_135 = arith.constant 1 : i32
        %add3A_136 = arith.addi %scan3A_50, %add3A_135 : i32
        %sub3A_137 = arith.constant 1 : i32
        %sub3A_138 = arith.subi %sub3A_137, %and3A_51 : i32
        %mul3A_139 = arith.constant 800 : i32
        %mul3A_140 = arith.muli %add3A_136, %mul3A_139 : i32
        %mul3A_141 = arith.constant 800 : i32
        %mul3A_142 = arith.muli %sub3A_138, %mul3A_141 : i32
        %mul3A_143 = arith.constant 800 : i32
        %mul3A_144 = arith.muli %add3A_136, %mul3A_143 : i32
        %mul3A_145 = arith.constant 800 : i32
        %mul3A_146 = arith.muli %sub3A_138, %mul3A_145 : i32
        %dma_start3A_147 = tpu.memref_slice %arg7[%mul3A_142] : memref<1600xi32, #tpu.memory_space<vmem>> -> memref<800xi32, #tpu.memory_space<vmem>>
        %dma_start3A_148 = tpu.memref_slice %arg3[%mul3A_140] : memref<320000xi32, #tpu.memory_space<hbm>> -> memref<800xi32, #tpu.memory_space<hbm>>
        %dma_start3A_149 = tpu.memref_slice %arg13[%sub3A_138] : memref<2x!tpu.dma_semaphore, #tpu.memory_space<semaphore_mem>> -> memref<1x!tpu.dma_semaphore, #tpu.memory_space<semaphore_mem>>
        %dma_start3A_150 = tpu.memref_squeeze %dma_start3A_149 : memref<1x!tpu.dma_semaphore, #tpu.memory_space<semaphore_mem>> -> memref<!tpu.dma_semaphore, #tpu.memory_space<semaphore_mem>>
        %dma_start3A_151 = tpu.memref_slice %arg7[%mul3A_142] : memref<1600xi32, #tpu.memory_space<vmem>> -> memref<800xi32, #tpu.memory_space<vmem>>
        %dma_start3A_152 = tpu.memref_slice %arg3[%mul3A_140] : memref<320000xi32, #tpu.memory_space<hbm>> -> memref<800xi32, #tpu.memory_space<hbm>>
        tpu.enqueue_dma source(%dma_start3A_152 : memref<800xi32, #tpu.memory_space<hbm>>) target(%dma_start3A_151 : memref<800xi32, #tpu.memory_space<vmem>>) target_semaphore(%dma_start3A_150 : memref<!tpu.dma_semaphore, #tpu.memory_space<semaphore_mem>>)
        %dma_start3A_153 = tpu.memref_slice %arg8[%mul3A_146] : memref<1600xi32, #tpu.memory_space<vmem>> -> memref<800xi32, #tpu.memory_space<vmem>>
        %dma_start3A_154 = tpu.memref_slice %arg4[%mul3A_144] : memref<320000xi32, #tpu.memory_space<hbm>> -> memref<800xi32, #tpu.memory_space<hbm>>
        %dma_start3A_155 = tpu.memref_slice %arg14[%sub3A_138] : memref<2x!tpu.dma_semaphore, #tpu.memory_space<semaphore_mem>> -> memref<1x!tpu.dma_semaphore, #tpu.memory_space<semaphore_mem>>
        %dma_start3A_156 = tpu.memref_squeeze %dma_start3A_155 : memref<1x!tpu.dma_semaphore, #tpu.memory_space<semaphore_mem>> -> memref<!tpu.dma_semaphore, #tpu.memory_space<semaphore_mem>>
        %dma_start3A_157 = tpu.memref_slice %arg8[%mul3A_146] : memref<1600xi32, #tpu.memory_space<vmem>> -> memref<800xi32, #tpu.memory_space<vmem>>
        %dma_start3A_158 = tpu.memref_slice %arg4[%mul3A_144] : memref<320000xi32, #tpu.memory_space<hbm>> -> memref<800xi32, #tpu.memory_space<hbm>>
        tpu.enqueue_dma source(%dma_start3A_158 : memref<800xi32, #tpu.memory_space<hbm>>) target(%dma_start3A_157 : memref<800xi32, #tpu.memory_space<vmem>>) target_semaphore(%dma_start3A_156 : memref<!tpu.dma_semaphore, #tpu.memory_space<semaphore_mem>>)
      } else {
      }
      %broadcast_in_dim3A_78 = vector.broadcast %mul3A_2 : i32 to vector<16xi32>
      %add3A_79 = arith.constant 320 : i32
      %add3A_80 = arith.addi %mul3A_2, %add3A_79 : i32
      %broadcast_in_dim3A_81 = vector.broadcast %add3A_80 : i32 to vector<16xi32>
      %scan3A_82 = arith.constant 0 : i32
      %scan3A_83 = arith.constant 0 : i32
      %scan3A_84 = arith.constant 37 : i32
      %scan3A_85 = arith.addi %scan3A_83, %scan3A_84 : i32
      %scan3A_86 = arith.constant 1 : i32
      %scan3A_87 = scf.for %scan3A_135 = %scan3A_83 to %scan3A_85 step %scan3A_86 iter_args(%scan3A_136 = %scan3A_82) -> (i32)  : i32 {
        %mul3A_137 = arith.constant 16 : i32
        %mul3A_138 = arith.muli %scan3A_135, %mul3A_137 : i32
        %mul3A_139 = arith.constant 800 : i32
        %mul3A_140 = arith.muli %and3A_51, %mul3A_139 : i32
        %add3A_141 = arith.addi %mul3A_140, %mul3A_138 : i32
        %get3A = arith.index_cast %add3A_141 : i32 to index
        %get3A_142 = tpu.vector_load %arg8[%get3A] {strides = array<i32>} : memref<1600xi32, #tpu.memory_space<vmem>>, vector<16xi32>,
        %mul3A_143 = arith.constant 800 : i32
        %mul3A_144 = arith.muli %and3A_51, %mul3A_143 : i32
        %add3A_145 = arith.addi %mul3A_144, %mul3A_138 : i32
        %get3A_146 = arith.index_cast %add3A_145 : i32 to index
        %get3A_147 = tpu.vector_load %arg7[%get3A_146] {strides = array<i32>} : memref<1600xi32, #tpu.memory_space<vmem>>, vector<16xi32>,
        %ge3A_148 = arith.cmpi sge, %get3A_142, %broadcast_in_dim3A_78 : vector<16xi32>
        %lt3A_149 = arith.cmpi slt, %get3A_142, %broadcast_in_dim3A_81 : vector<16xi32>
        %and3A_150 = arith.andi %ge3A_148, %lt3A_149 : vector<16xi1>
        %broadcast_in_dim3A_151 = arith.constant 0 : i32
        %broadcast_in_dim3A_152 = vector.broadcast %broadcast_in_dim3A_151 : i32 to vector<16xi32>
        %select_n3A_153 = arith.select %and3A_150, %broadcast_in_dim3A_16, %broadcast_in_dim3A_152 : vector<16xi1>, vector<16xi32>
        %broadcast_in_dim3A_154 = arith.constant true
        %broadcast_in_dim3A_155 = vector.broadcast %broadcast_in_dim3A_154 : i1 to vector<16xi1>
        %masked_cumsum3A = tpu.scan <sum>, %select_n3A_153 masked %broadcast_in_dim3A_155 : vector<16xi32>, vector<16xi1> -> vector<16xi32>
        %sub3A_156 = arith.constant 1 : i32
        %sub3A_157 = arith.subi %scan3A_136, %sub3A_156 : i32
        %broadcast_in_dim3A_158 = vector.broadcast %sub3A_157 : i32 to vector<16xi32>
        %add3A_159 = arith.addi %broadcast_in_dim3A_158, %masked_cumsum3A : vector<16xi32>
        %shift_left3A = arith.shli %get3A_147, %broadcast_in_dim3A_18 : vector<16xi32>
        %sub3A_160 = arith.subi %get3A_142, %broadcast_in_dim3A_78 : vector<16xi32>
        %or3A = arith.ori %shift_left3A, %sub3A_160 : vector<16xi32>
        tpu.vector_store_idx %arg9[%add3A_159], %or3A masked %and3A_150 : memref<816xi32, #tpu.memory_space<vmem>>[vector<16xi32>], vector<16xi32>, vector<16xi1>
        %slice3A = vector.extract_strided_slice %masked_cumsum3A {offsets = [15], sizes = [1], strides = [1]} : vector<16xi32> to vector<1xi32>
        %squeeze3A = vector.extract %slice3A[0] : i32 from vector<1xi32>
        %add3A_161 = arith.addi %scan3A_136, %squeeze3A : i32
        scf.yield %add3A_161 : i32
      }
      %scan3A_88 = arith.constant 37 : i32
      %ge3A = arith.constant 16 : i32
      %ge3A_89 = arith.cmpi sge, %scan3A_87, %ge3A : i32
      %convert_element_type3A_90 = arith.extui %ge3A_89 : i1 to i32
      %cond3A_91 = arith.constant 0 : i32
      %cond3A_92 = arith.cmpi ne, %convert_element_type3A_90, %cond3A_91 : i32
      scf.if %cond3A_92 {
        %get3A = arith.constant 0 : index
        %get3A_135 = tpu.vector_load %arg9[%get3A] {strides = array<i32>} : memref<816xi32, #tpu.memory_space<vmem>>, vector<16xi32>,
        %shift_right_logical3A = arith.shrui %get3A_135, %broadcast_in_dim3A_18 : vector<16xi32>
        %min3A = arith.minsi %shift_right_logical3A, %broadcast_in_dim3A_20 : vector<16xi32>
        %swap3A = arith.constant 0 : i32
        %swap3A_136 = arith.index_cast %swap3A : i32 to index
        %swap3A_137 = arith.constant 0 : index
        %swap3A_138 = tpu.vector_load %arg10[%swap3A_136, %swap3A_137] {strides = array<i32>} : memref<2x16xi32, #tpu.memory_space<vmem>>, vector<16xi32>,
        tpu.vector_store %arg10[%swap3A_136, %swap3A_137], %min3A {strides = array<i32>} : memref<2x16xi32, #tpu.memory_space<vmem>>, vector<16xi32>,
        %dma_start3A_139 = arith.constant 0 : i32
        %dma_start3A_140 = arith.constant 0 : i32
        %dma_start3A_141 = arith.constant 0 : i32
        %dma_start3A_142 = arith.constant 0 : i32
        %dma_start3A_143 = arith.constant 0 : i32
        %dma_start3A_144 = tpu.memref_slice %arg11[%dma_start3A_140, %dma_start3A_142, %dma_start3A_143] : memref<2x16x128xf32, #tpu.memory_space<vmem>> -> memref<1x16x128xf32, #tpu.memory_space<vmem>>
        %dma_start3A_145 = tpu.memref_squeeze %dma_start3A_144 : memref<1x16x128xf32, #tpu.memory_space<vmem>> -> memref<16x128xf32, #tpu.memory_space<vmem>>
        %dma_start3A_146 = arith.constant 0 : i32
        %dma_start3A_147 = tpu.memref_slice %arg10[%dma_start3A_139, %dma_start3A_146] : memref<2x16xi32, #tpu.memory_space<vmem>> -> memref<1x16xi32, #tpu.memory_space<vmem>>
        %dma_start3A_148 = tpu.memref_squeeze %dma_start3A_147 : memref<1x16xi32, #tpu.memory_space<vmem>> -> memref<16xi32, #tpu.memory_space<vmem>>
        %dma_start3A_149 = arith.constant 0 : i32
        %dma_start3A_150 = arith.constant 0 : i32
        %dma_start3A_151 = tpu.memref_slice %arg12[%dma_start3A_149, %dma_start3A_150] : memref<10000x128xf32, #tpu.memory_space<vmem_shared>> -> memref<10000x128xf32, #tpu.memory_space<vmem_shared>>
        %dma_start3A_152 = tpu.memref_slice %arg15[%dma_start3A_141] : memref<2x!tpu.dma_semaphore, #tpu.memory_space<semaphore_mem>> -> memref<1x!tpu.dma_semaphore, #tpu.memory_space<semaphore_mem>>
        %dma_start3A_153 = tpu.memref_squeeze %dma_start3A_152 : memref<1x!tpu.dma_semaphore, #tpu.memory_space<semaphore_mem>> -> memref<!tpu.dma_semaphore, #tpu.memory_space<semaphore_mem>>
        tpu.enqueue_indirect_dma source(%dma_start3A_151 : memref<10000x128xf32, #tpu.memory_space<vmem_shared>>) target(%dma_start3A_145 : memref<16x128xf32, #tpu.memory_space<vmem>>) offsets(%dma_start3A_148 : memref<16xi32, #tpu.memory_space<vmem>>) semaphore(%dma_start3A_153 : memref<!tpu.dma_semaphore, #tpu.memory_space<semaphore_mem>>)
      } else {
      }
      %scan3A_93 = arith.constant 37 : i32
      %scan3A_94 = arith.constant 13 : i32
      %scan3A_95 = arith.addi %scan3A_93, %scan3A_94 : i32
      %scan3A_96 = arith.constant 1 : i32
      %scan3A_97 = scf.for %scan3A_135 = %scan3A_93 to %scan3A_95 step %scan3A_96 iter_args(%scan3A_136 = %scan3A_87) -> (i32)  : i32 {
        %mul3A_137 = arith.constant 16 : i32
        %mul3A_138 = arith.muli %scan3A_135, %mul3A_137 : i32
        %mul3A_139 = arith.constant 800 : i32
        %mul3A_140 = arith.muli %and3A_51, %mul3A_139 : i32
        %add3A_141 = arith.addi %mul3A_140, %mul3A_138 : i32
        %get3A = arith.index_cast %add3A_141 : i32 to index
        %get3A_142 = tpu.vector_load %arg8[%get3A] {strides = array<i32>} : memref<1600xi32, #tpu.memory_space<vmem>>, vector<16xi32>,
        %mul3A_143 = arith.constant 800 : i32
        %mul3A_144 = arith.muli %and3A_51, %mul3A_143 : i32
        %add3A_145 = arith.addi %mul3A_144, %mul3A_138 : i32
        %get3A_146 = arith.index_cast %add3A_145 : i32 to index
        %get3A_147 = tpu.vector_load %arg7[%get3A_146] {strides = array<i32>} : memref<1600xi32, #tpu.memory_space<vmem>>, vector<16xi32>,
        %ge3A_148 = arith.cmpi sge, %get3A_142, %broadcast_in_dim3A_78 : vector<16xi32>
        %lt3A_149 = arith.cmpi slt, %get3A_142, %broadcast_in_dim3A_81 : vector<16xi32>
        %and3A_150 = arith.andi %ge3A_148, %lt3A_149 : vector<16xi1>
        %broadcast_in_dim3A_151 = arith.constant 0 : i32
        %broadcast_in_dim3A_152 = vector.broadcast %broadcast_in_dim3A_151 : i32 to vector<16xi32>
        %select_n3A_153 = arith.select %and3A_150, %broadcast_in_dim3A_16, %broadcast_in_dim3A_152 : vector<16xi1>, vector<16xi32>
        %broadcast_in_dim3A_154 = arith.constant true
        %broadcast_in_dim3A_155 = vector.broadcast %broadcast_in_dim3A_154 : i1 to vector<16xi1>
        %masked_cumsum3A = tpu.scan <sum>, %select_n3A_153 masked %broadcast_in_dim3A_155 : vector<16xi32>, vector<16xi1> -> vector<16xi32>
        %sub3A_156 = arith.constant 1 : i32
        %sub3A_157 = arith.subi %scan3A_136, %sub3A_156 : i32
        %broadcast_in_dim3A_158 = vector.broadcast %sub3A_157 : i32 to vector<16xi32>
        %add3A_159 = arith.addi %broadcast_in_dim3A_158, %masked_cumsum3A : vector<16xi32>
        %shift_left3A = arith.shli %get3A_147, %broadcast_in_dim3A_18 : vector<16xi32>
        %sub3A_160 = arith.subi %get3A_142, %broadcast_in_dim3A_78 : vector<16xi32>
        %or3A = arith.ori %shift_left3A, %sub3A_160 : vector<16xi32>
        tpu.vector_store_idx %arg9[%add3A_159], %or3A masked %and3A_150 : memref<816xi32, #tpu.memory_space<vmem>>[vector<16xi32>], vector<16xi32>, vector<16xi1>
        %slice3A = vector.extract_strided_slice %masked_cumsum3A {offsets = [15], sizes = [1], strides = [1]} : vector<16xi32> to vector<1xi32>
        %squeeze3A = vector.extract %slice3A[0] : i32 from vector<1xi32>
        %add3A_161 = arith.addi %scan3A_136, %squeeze3A : i32
        scf.yield %add3A_161 : i32
      }
      %scan3A_98 = arith.constant 13 : i32
      %add3A_99 = arith.constant 16 : i32
      %add3A_100 = arith.addi %scan3A_97, %add3A_99 : i32
      %sub3A = arith.constant 1 : i32
      %sub3A_101 = arith.subi %add3A_100, %sub3A : i32
      %jit3A = arith.constant 16 : i32
      %div3A = arith.divsi %sub3A_101, %jit3A : i32
      %sign3A = arith.constant 0 : i32
      %sign3A_102 = arith.cmpi sgt, %sub3A_101, %sign3A : i32
      %sign3A_103 = arith.extui %sign3A_102 : i1 to i32
      %sign3A_104 = arith.constant 0 : i32
      %sign3A_105 = arith.cmpi slt, %sub3A_101, %sign3A_104 : i32
      %sign3A_106 = arith.extui %sign3A_105 : i1 to i32
      %sign3A_107 = arith.subi %sign3A_103, %sign3A_106 : i32
      %sign3A_108 = arith.constant 0 : i32
      %sign3A_109 = arith.cmpi sgt, %jit3A, %sign3A_108 : i32
      %sign3A_110 = arith.extui %sign3A_109 : i1 to i32
      %sign3A_111 = arith.constant 0 : i32
      %sign3A_112 = arith.cmpi slt, %jit3A, %sign3A_111 : i32
      %sign3A_113 = arith.extui %sign3A_112 : i1 to i32
      %sign3A_114 = arith.subi %sign3A_110, %sign3A_113 : i32
      %ne3A = arith.cmpi ne, %sign3A_107, %sign3A_114 : i32
      %rem3A = arith.remsi %sub3A_101, %jit3A : i32
      %ne3A_115 = arith.constant 0 : i32
      %ne3A_116 = arith.cmpi ne, %rem3A, %ne3A_115 : i32
      %and3A_117 = arith.andi %ne3A, %ne3A_116 : i1
      %sub3A_118 = arith.constant 1 : i32
      %sub3A_119 = arith.subi %div3A, %sub3A_118 : i32
      %select_n3A = arith.select %and3A_117, %sub3A_119, %div3A : i32
      %gt3A = arith.constant 0 : i32
      %gt3A_120 = arith.cmpi sgt, %select_n3A, %gt3A : i32
      %not3A = arith.constant true
      %not3A_121 = arith.xori %ge3A_89, %not3A : i1
      %and3A_122 = arith.andi %gt3A_120, %not3A_121 : i1
      %convert_element_type3A_123 = arith.extui %and3A_122 : i1 to i32
      %cond3A_124 = arith.constant 0 : i32
      %cond3A_125 = arith.cmpi ne, %convert_element_type3A_123, %cond3A_124 : i32
      scf.if %cond3A_125 {
        %get3A = arith.constant 0 : index
        %get3A_135 = tpu.vector_load %arg9[%get3A] {strides = array<i32>} : memref<816xi32, #tpu.memory_space<vmem>>, vector<16xi32>,
        %shift_right_logical3A = arith.shrui %get3A_135, %broadcast_in_dim3A_18 : vector<16xi32>
        %min3A = arith.minsi %shift_right_logical3A, %broadcast_in_dim3A_20 : vector<16xi32>
        %swap3A = arith.constant 0 : i32
        %swap3A_136 = arith.index_cast %swap3A : i32 to index
        %swap3A_137 = arith.constant 0 : index
        %swap3A_138 = tpu.vector_load %arg10[%swap3A_136, %swap3A_137] {strides = array<i32>} : memref<2x16xi32, #tpu.memory_space<vmem>>, vector<16xi32>,
        tpu.vector_store %arg10[%swap3A_136, %swap3A_137], %min3A {strides = array<i32>} : memref<2x16xi32, #tpu.memory_space<vmem>>, vector<16xi32>,
        %dma_start3A_139 = arith.constant 0 : i32
        %dma_start3A_140 = arith.constant 0 : i32
        %dma_start3A_141 = arith.constant 0 : i32
        %dma_start3A_142 = arith.constant 0 : i32
        %dma_start3A_143 = arith.constant 0 : i32
        %dma_start3A_144 = tpu.memref_slice %arg11[%dma_start3A_140, %dma_start3A_142, %dma_start3A_143] : memref<2x16x128xf32, #tpu.memory_space<vmem>> -> memref<1x16x128xf32, #tpu.memory_space<vmem>>
        %dma_start3A_145 = tpu.memref_squeeze %dma_start3A_144 : memref<1x16x128xf32, #tpu.memory_space<vmem>> -> memref<16x128xf32, #tpu.memory_space<vmem>>
        %dma_start3A_146 = arith.constant 0 : i32
        %dma_start3A_147 = tpu.memref_slice %arg10[%dma_start3A_139, %dma_start3A_146] : memref<2x16xi32, #tpu.memory_space<vmem>> -> memref<1x16xi32, #tpu.memory_space<vmem>>
        %dma_start3A_148 = tpu.memref_squeeze %dma_start3A_147 : memref<1x16xi32, #tpu.memory_space<vmem>> -> memref<16xi32, #tpu.memory_space<vmem>>
        %dma_start3A_149 = arith.constant 0 : i32
        %dma_start3A_150 = arith.constant 0 : i32
        %dma_start3A_151 = tpu.memref_slice %arg12[%dma_start3A_149, %dma_start3A_150] : memref<10000x128xf32, #tpu.memory_space<vmem_shared>> -> memref<10000x128xf32, #tpu.memory_space<vmem_shared>>
        %dma_start3A_152 = tpu.memref_slice %arg15[%dma_start3A_141] : memref<2x!tpu.dma_semaphore, #tpu.memory_space<semaphore_mem>> -> memref<1x!tpu.dma_semaphore, #tpu.memory_space<semaphore_mem>>
        %dma_start3A_153 = tpu.memref_squeeze %dma_start3A_152 : memref<1x!tpu.dma_semaphore, #tpu.memory_space<semaphore_mem>> -> memref<!tpu.dma_semaphore, #tpu.memory_space<semaphore_mem>>
        tpu.enqueue_indirect_dma source(%dma_start3A_151 : memref<10000x128xf32, #tpu.memory_space<vmem_shared>>) target(%dma_start3A_145 : memref<16x128xf32, #tpu.memory_space<vmem>>) offsets(%dma_start3A_148 : memref<16xi32, #tpu.memory_space<vmem>>) semaphore(%dma_start3A_153 : memref<!tpu.dma_semaphore, #tpu.memory_space<semaphore_mem>>)
      } else {
      }
      %while3A = arith.constant 0 : i32
      %while3A_126 = arith.constant 0 : i32
      %while3A_127 = arith.subi %select_n3A, %while3A_126 : i32
      %while3A_128 = arith.addi %while3A_126, %while3A_127 : i32
      %while3A_129 = arith.constant 1 : i32
      %while3A_130 = arith.divsi %while3A_127, %while3A_129 : i32
      %while3A_131 = arith.muli %while3A_130, %while3A_129 : i32
      %while3A_132 = arith.addi %while3A_126, %while3A_131 : i32
      %while3A_133 = arith.constant 1 : i32
      scf.for %while3A_135 = %while3A_126 to %while3A_132 step %while3A_133  : i32 {
        %and3A_136 = arith.constant 1 : i32
        %and3A_137 = arith.andi %while3A_135, %and3A_136 : i32
        %dma_wait3A_138 = arith.constant 0 : i32
        %dma_wait3A_139 = arith.constant 0 : i32
        %dma_wait3A_140 = tpu.memref_slice %arg11[%and3A_137, %dma_wait3A_138, %dma_wait3A_139] : memref<2x16x128xf32, #tpu.memory_space<vmem>> -> memref<1x16x128xf32, #tpu.memory_space<vmem>>
        %dma_wait3A_141 = tpu.memref_squeeze %dma_wait3A_140 : memref<1x16x128xf32, #tpu.memory_space<vmem>> -> memref<16x128xf32, #tpu.memory_space<vmem>>
        %dma_wait3A_142 = arith.constant 0 : i32
        %dma_wait3A_143 = tpu.memref_slice %arg10[%and3A_137, %dma_wait3A_142] : memref<2x16xi32, #tpu.memory_space<vmem>> -> memref<1x16xi32, #tpu.memory_space<vmem>>
        %dma_wait3A_144 = tpu.memref_squeeze %dma_wait3A_143 : memref<1x16xi32, #tpu.memory_space<vmem>> -> memref<16xi32, #tpu.memory_space<vmem>>
        %dma_wait3A_145 = arith.constant 0 : i32
        %dma_wait3A_146 = arith.constant 0 : i32
        %dma_wait3A_147 = tpu.memref_slice %arg12[%dma_wait3A_145, %dma_wait3A_146] : memref<10000x128xf32, #tpu.memory_space<vmem_shared>> -> memref<10000x128xf32, #tpu.memory_space<vmem_shared>>
        %dma_wait3A_148 = tpu.memref_slice %arg15[%and3A_137] : memref<2x!tpu.dma_semaphore, #tpu.memory_space<semaphore_mem>> -> memref<1x!tpu.dma_semaphore, #tpu.memory_space<semaphore_mem>>
        %dma_wait3A_149 = tpu.memref_squeeze %dma_wait3A_148 : memref<1x!tpu.dma_semaphore, #tpu.memory_space<semaphore_mem>> -> memref<!tpu.dma_semaphore, #tpu.memory_space<semaphore_mem>>
        tpu.wait_indirect_dma semaphore(%dma_wait3A_149 : memref<!tpu.dma_semaphore, #tpu.memory_space<semaphore_mem>>) src(%dma_wait3A_147 : memref<10000x128xf32, #tpu.memory_space<vmem_shared>>) dst(%dma_wait3A_141 : memref<16x128xf32, #tpu.memory_space<vmem>>)
        %add3A_150 = arith.constant 1 : i32
        %add3A_151 = arith.addi %while3A_135, %add3A_150 : i32
        %lt3A_152 = arith.cmpi slt, %add3A_151, %select_n3A : i32
        %convert_element_type3A_153 = arith.extui %lt3A_152 : i1 to i32
        %cond3A_154 = arith.constant 0 : i32
        %cond3A_155 = arith.cmpi ne, %convert_element_type3A_153, %cond3A_154 : i32
        scf.if %cond3A_155 {
          %add3A_229 = arith.constant 1 : i32
          %add3A_230 = arith.addi %while3A_135, %add3A_229 : i32
          %sub3A_231 = arith.constant 1 : i32
          %sub3A_232 = arith.subi %sub3A_231, %and3A_137 : i32
          %mul3A_233 = arith.constant 16 : i32
          %mul3A_234 = arith.muli %add3A_230, %mul3A_233 : i32
          %add3A_235 = arith.constant 0 : i32
          %add3A_236 = arith.addi %mul3A_234, %add3A_235 : i32
          %get3A = arith.index_cast %add3A_236 : i32 to index
          %get3A_237 = tpu.vector_load %arg9[%get3A] {strides = array<i32>} : memref<816xi32, #tpu.memory_space<vmem>>, vector<16xi32>,
          %shift_right_logical3A = arith.shrui %get3A_237, %broadcast_in_dim3A_18 : vector<16xi32>
          %min3A_238 = arith.minsi %shift_right_logical3A, %broadcast_in_dim3A_20 : vector<16xi32>
          %swap3A = arith.index_cast %sub3A_232 : i32 to index
          %swap3A_239 = arith.constant 0 : index
          %swap3A_240 = tpu.vector_load %arg10[%swap3A, %swap3A_239] {strides = array<i32>} : memref<2x16xi32, #tpu.memory_space<vmem>>, vector<16xi32>,
          tpu.vector_store %arg10[%swap3A, %swap3A_239], %min3A_238 {strides = array<i32>} : memref<2x16xi32, #tpu.memory_space<vmem>>, vector<16xi32>,
          %dma_start3A_241 = arith.constant 0 : i32
          %dma_start3A_242 = arith.constant 0 : i32
          %dma_start3A_243 = tpu.memref_slice %arg11[%sub3A_232, %dma_start3A_241, %dma_start3A_242] : memref<2x16x128xf32, #tpu.memory_space<vmem>> -> memref<1x16x128xf32, #tpu.memory_space<vmem>>
          %dma_start3A_244 = tpu.memref_squeeze %dma_start3A_243 : memref<1x16x128xf32, #tpu.memory_space<vmem>> -> memref<16x128xf32, #tpu.memory_space<vmem>>
          %dma_start3A_245 = arith.constant 0 : i32
          %dma_start3A_246 = tpu.memref_slice %arg10[%sub3A_232, %dma_start3A_245] : memref<2x16xi32, #tpu.memory_space<vmem>> -> memref<1x16xi32, #tpu.memory_space<vmem>>
          %dma_start3A_247 = tpu.memref_squeeze %dma_start3A_246 : memref<1x16xi32, #tpu.memory_space<vmem>> -> memref<16xi32, #tpu.memory_space<vmem>>
          %dma_start3A_248 = arith.constant 0 : i32
          %dma_start3A_249 = arith.constant 0 : i32
          %dma_start3A_250 = tpu.memref_slice %arg12[%dma_start3A_248, %dma_start3A_249] : memref<10000x128xf32, #tpu.memory_space<vmem_shared>> -> memref<10000x128xf32, #tpu.memory_space<vmem_shared>>
          %dma_start3A_251 = tpu.memref_slice %arg15[%sub3A_232] : memref<2x!tpu.dma_semaphore, #tpu.memory_space<semaphore_mem>> -> memref<1x!tpu.dma_semaphore, #tpu.memory_space<semaphore_mem>>
          %dma_start3A_252 = tpu.memref_squeeze %dma_start3A_251 : memref<1x!tpu.dma_semaphore, #tpu.memory_space<semaphore_mem>> -> memref<!tpu.dma_semaphore, #tpu.memory_space<semaphore_mem>>
          tpu.enqueue_indirect_dma source(%dma_start3A_250 : memref<10000x128xf32, #tpu.memory_space<vmem_shared>>) target(%dma_start3A_244 : memref<16x128xf32, #tpu.memory_space<vmem>>) offsets(%dma_start3A_247 : memref<16xi32, #tpu.memory_space<vmem>>) semaphore(%dma_start3A_252 : memref<!tpu.dma_semaphore, #tpu.memory_space<semaphore_mem>>)
        } else {
        }
        %mul3A_156 = arith.constant 16 : i32
        %mul3A_157 = arith.muli %while3A_135, %mul3A_156 : i32
        %sub3A_158 = arith.subi %scan3A_97, %mul3A_157 : i32
        %min3A = arith.constant 16 : i32
        %min3A_159 = arith.minsi %sub3A_158, %min3A : i32
        %jit3A_160 = arith.constant 4 : i32
        %div3A_161 = arith.divsi %min3A_159, %jit3A_160 : i32
        %sign3A_162 = arith.constant 0 : i32
        %sign3A_163 = arith.cmpi sgt, %min3A_159, %sign3A_162 : i32
        %sign3A_164 = arith.extui %sign3A_163 : i1 to i32
        %sign3A_165 = arith.constant 0 : i32
        %sign3A_166 = arith.cmpi slt, %min3A_159, %sign3A_165 : i32
        %sign3A_167 = arith.extui %sign3A_166 : i1 to i32
        %sign3A_168 = arith.subi %sign3A_164, %sign3A_167 : i32
        %sign3A_169 = arith.constant 0 : i32
        %sign3A_170 = arith.cmpi sgt, %jit3A_160, %sign3A_169 : i32
        %sign3A_171 = arith.extui %sign3A_170 : i1 to i32
        %sign3A_172 = arith.constant 0 : i32
        %sign3A_173 = arith.cmpi slt, %jit3A_160, %sign3A_172 : i32
        %sign3A_174 = arith.extui %sign3A_173 : i1 to i32
        %sign3A_175 = arith.subi %sign3A_171, %sign3A_174 : i32
        %ne3A_176 = arith.cmpi ne, %sign3A_168, %sign3A_175 : i32
        %rem3A_177 = arith.remsi %min3A_159, %jit3A_160 : i32
        %ne3A_178 = arith.constant 0 : i32
        %ne3A_179 = arith.cmpi ne, %rem3A_177, %ne3A_178 : i32
        %and3A_180 = arith.andi %ne3A_176, %ne3A_179 : i1
        %sub3A_181 = arith.constant 1 : i32
        %sub3A_182 = arith.subi %div3A_161, %sub3A_181 : i32
        %select_n3A_183 = arith.select %and3A_180, %sub3A_182, %div3A_161 : i32
        %while3A_184 = arith.constant 0 : i32
        %while3A_185 = arith.constant 0 : i32
        %while3A_186 = arith.subi %select_n3A_183, %while3A_185 : i32
        %while3A_187 = arith.addi %while3A_185, %while3A_186 : i32
        %while3A_188 = arith.constant 1 : i32
        %while3A_189 = arith.divsi %while3A_186, %while3A_188 : i32
        %while3A_190 = arith.muli %while3A_189, %while3A_188 : i32
        %while3A_191 = arith.addi %while3A_185, %while3A_190 : i32
        %while3A_192 = arith.constant 1 : i32
        scf.for %while3A_229 = %while3A_185 to %while3A_191 step %while3A_192  : i32 {
          %mul3A_230 = arith.constant 4 : i32
          %mul3A_231 = arith.muli %while3A_229, %mul3A_230 : i32
          %add3A_232 = arith.addi %mul3A_157, %mul3A_231 : i32
          %get3A = arith.index_cast %add3A_232 : i32 to index
          %get3A_233 = tpu.vector_load %arg9[%get3A] {strides = array<i32>} : memref<816xi32, #tpu.memory_space<vmem>>, vector<16xi32>,
          %slice3A = vector.extract_strided_slice %get3A_233 {offsets = [0], sizes = [1], strides = [1]} : vector<16xi32> to vector<1xi32>
          %squeeze3A = vector.extract %slice3A[0] : i32 from vector<1xi32>
          %and3A_234 = arith.constant 511 : i32
          %and3A_235 = arith.andi %squeeze3A, %and3A_234 : i32
          %slice3A_236 = vector.extract_strided_slice %get3A_233 {offsets = [1], sizes = [1], strides = [1]} : vector<16xi32> to vector<1xi32>
          %squeeze3A_237 = vector.extract %slice3A_236[0] : i32 from vector<1xi32>
          %and3A_238 = arith.constant 511 : i32
          %and3A_239 = arith.andi %squeeze3A_237, %and3A_238 : i32
          %slice3A_240 = vector.extract_strided_slice %get3A_233 {offsets = [2], sizes = [1], strides = [1]} : vector<16xi32> to vector<1xi32>
          %squeeze3A_241 = vector.extract %slice3A_240[0] : i32 from vector<1xi32>
          %and3A_242 = arith.constant 511 : i32
          %and3A_243 = arith.andi %squeeze3A_241, %and3A_242 : i32
          %slice3A_244 = vector.extract_strided_slice %get3A_233 {offsets = [3], sizes = [1], strides = [1]} : vector<16xi32> to vector<1xi32>
          %squeeze3A_245 = vector.extract %slice3A_244[0] : i32 from vector<1xi32>
          %and3A_246 = arith.constant 511 : i32
          %and3A_247 = arith.andi %squeeze3A_245, %and3A_246 : i32
          %mul3A_248 = arith.constant 128 : i32
          %mul3A_249 = arith.muli %and3A_235, %mul3A_248 : i32
          %add3A_250 = arith.constant 0 : i32
          %add3A_251 = arith.addi %mul3A_249, %add3A_250 : i32
          %get3A_252 = arith.index_cast %add3A_251 : i32 to index
          %get3A_253 = tpu.vector_load %arg6[%get3A_252] {strides = array<i32>} : memref<40960xf32, #tpu.memory_space<vmem>>, vector<16xf32>,
          %add3A_254 = arith.constant 0 : i32
          %add3A_255 = arith.addi %mul3A_231, %add3A_254 : i32
          %get3A_256 = arith.index_cast %and3A_137 : i32 to index
          %get3A_257 = arith.index_cast %add3A_255 : i32 to index
          %get3A_258 = arith.constant 0 : index
          %get3A_259 = tpu.vector_load %arg11[%get3A_256, %get3A_257, %get3A_258] {strides = array<i32>} : memref<2x16x128xf32, #tpu.memory_space<vmem>>, vector<16xf32>,
          %max3A = arith.maximumf %get3A_253, %get3A_259 : vector<16xf32>
          %swap3A = arith.index_cast %add3A_251 : i32 to index
          %swap3A_260 = tpu.vector_load %arg6[%swap3A] {strides = array<i32>} : memref<40960xf32, #tpu.memory_space<vmem>>, vector<16xf32>,
          tpu.vector_store %arg6[%swap3A], %max3A {strides = array<i32>} : memref<40960xf32, #tpu.memory_space<vmem>>, vector<16xf32>,
          %mul3A_261 = arith.constant 128 : i32
          %mul3A_262 = arith.muli %and3A_239, %mul3A_261 : i32
          %add3A_263 = arith.constant 0 : i32
          %add3A_264 = arith.addi %mul3A_262, %add3A_263 : i32
          %get3A_265 = arith.index_cast %add3A_264 : i32 to index
          %get3A_266 = tpu.vector_load %arg6[%get3A_265] {strides = array<i32>} : memref<40960xf32, #tpu.memory_space<vmem>>, vector<16xf32>,
          %add3A_267 = arith.constant 1 : i32
          %add3A_268 = arith.addi %mul3A_231, %add3A_267 : i32
          %get3A_269 = arith.index_cast %and3A_137 : i32 to index
          %get3A_270 = arith.index_cast %add3A_268 : i32 to index
          %get3A_271 = arith.constant 0 : index
          %get3A_272 = tpu.vector_load %arg11[%get3A_269, %get3A_270, %get3A_271] {strides = array<i32>} : memref<2x16x128xf32, #tpu.memory_space<vmem>>, vector<16xf32>,
          %max3A_273 = arith.maximumf %get3A_266, %get3A_272 : vector<16xf32>
          %swap3A_274 = arith.index_cast %add3A_264 : i32 to index
          %swap3A_275 = tpu.vector_load %arg6[%swap3A_274] {strides = array<i32>} : memref<40960xf32, #tpu.memory_space<vmem>>, vector<16xf32>,
          tpu.vector_store %arg6[%swap3A_274], %max3A_273 {strides = array<i32>} : memref<40960xf32, #tpu.memory_space<vmem>>, vector<16xf32>,
          %mul3A_276 = arith.constant 128 : i32
          %mul3A_277 = arith.muli %and3A_243, %mul3A_276 : i32
          %add3A_278 = arith.constant 0 : i32
          %add3A_279 = arith.addi %mul3A_277, %add3A_278 : i32
          %get3A_280 = arith.index_cast %add3A_279 : i32 to index
          %get3A_281 = tpu.vector_load %arg6[%get3A_280] {strides = array<i32>} : memref<40960xf32, #tpu.memory_space<vmem>>, vector<16xf32>,
          %add3A_282 = arith.constant 2 : i32
          %add3A_283 = arith.addi %mul3A_231, %add3A_282 : i32
          %get3A_284 = arith.index_cast %and3A_137 : i32 to index
          %get3A_285 = arith.index_cast %add3A_283 : i32 to index
          %get3A_286 = arith.constant 0 : index
          %get3A_287 = tpu.vector_load %arg11[%get3A_284, %get3A_285, %get3A_286] {strides = array<i32>} : memref<2x16x128xf32, #tpu.memory_space<vmem>>, vector<16xf32>,
          %max3A_288 = arith.maximumf %get3A_281, %get3A_287 : vector<16xf32>
          %swap3A_289 = arith.index_cast %add3A_279 : i32 to index
          %swap3A_290 = tpu.vector_load %arg6[%swap3A_289] {strides = array<i32>} : memref<40960xf32, #tpu.memory_space<vmem>>, vector<16xf32>,
          tpu.vector_store %arg6[%swap3A_289], %max3A_288 {strides = array<i32>} : memref<40960xf32, #tpu.memory_space<vmem>>, vector<16xf32>,
          %mul3A_291 = arith.constant 128 : i32
          %mul3A_292 = arith.muli %and3A_247, %mul3A_291 : i32
          %add3A_293 = arith.constant 0 : i32
          %add3A_294 = arith.addi %mul3A_292, %add3A_293 : i32
          %get3A_295 = arith.index_cast %add3A_294 : i32 to index
          %get3A_296 = tpu.vector_load %arg6[%get3A_295] {strides = array<i32>} : memref<40960xf32, #tpu.memory_space<vmem>>, vector<16xf32>,
          %add3A_297 = arith.constant 3 : i32
          %add3A_298 = arith.addi %mul3A_231, %add3A_297 : i32
          %get3A_299 = arith.index_cast %and3A_137 : i32 to index
          %get3A_300 = arith.index_cast %add3A_298 : i32 to index
          %get3A_301 = arith.constant 0 : index
          %get3A_302 = tpu.vector_load %arg11[%get3A_299, %get3A_300, %get3A_301] {strides = array<i32>} : memref<2x16x128xf32, #tpu.memory_space<vmem>>, vector<16xf32>,
          %max3A_303 = arith.maximumf %get3A_296, %get3A_302 : vector<16xf32>
          %swap3A_304 = arith.index_cast %add3A_294 : i32 to index
          %swap3A_305 = tpu.vector_load %arg6[%swap3A_304] {strides = array<i32>} : memref<40960xf32, #tpu.memory_space<vmem>>, vector<16xf32>,
          tpu.vector_store %arg6[%swap3A_304], %max3A_303 {strides = array<i32>} : memref<40960xf32, #tpu.memory_space<vmem>>, vector<16xf32>,
          %mul3A_306 = arith.constant 128 : i32
          %mul3A_307 = arith.muli %and3A_235, %mul3A_306 : i32
          %add3A_308 = arith.constant 16 : i32
          %add3A_309 = arith.addi %mul3A_307, %add3A_308 : i32
          %get3A_310 = arith.index_cast %add3A_309 : i32 to index
          %get3A_311 = tpu.vector_load %arg6[%get3A_310] {strides = array<i32>} : memref<40960xf32, #tpu.memory_space<vmem>>, vector<16xf32>,
          %add3A_312 = arith.constant 0 : i32
          %add3A_313 = arith.addi %mul3A_231, %add3A_312 : i32
          %get3A_314 = arith.index_cast %and3A_137 : i32 to index
          %get3A_315 = arith.index_cast %add3A_313 : i32 to index
          %get3A_316 = arith.constant 16 : index
          %get3A_317 = tpu.vector_load %arg11[%get3A_314, %get3A_315, %get3A_316] {strides = array<i32>} : memref<2x16x128xf32, #tpu.memory_space<vmem>>, vector<16xf32>,
          %max3A_318 = arith.maximumf %get3A_311, %get3A_317 : vector<16xf32>
          %swap3A_319 = arith.index_cast %add3A_309 : i32 to index
          %swap3A_320 = tpu.vector_load %arg6[%swap3A_319] {strides = array<i32>} : memref<40960xf32, #tpu.memory_space<vmem>>, vector<16xf32>,
          tpu.vector_store %arg6[%swap3A_319], %max3A_318 {strides = array<i32>} : memref<40960xf32, #tpu.memory_space<vmem>>, vector<16xf32>,
          %mul3A_321 = arith.constant 128 : i32
          %mul3A_322 = arith.muli %and3A_239, %mul3A_321 : i32
          %add3A_323 = arith.constant 16 : i32
          %add3A_324 = arith.addi %mul3A_322, %add3A_323 : i32
          %get3A_325 = arith.index_cast %add3A_324 : i32 to index
          %get3A_326 = tpu.vector_load %arg6[%get3A_325] {strides = array<i32>} : memref<40960xf32, #tpu.memory_space<vmem>>, vector<16xf32>,
          %add3A_327 = arith.constant 1 : i32
          %add3A_328 = arith.addi %mul3A_231, %add3A_327 : i32
          %get3A_329 = arith.index_cast %and3A_137 : i32 to index
          %get3A_330 = arith.index_cast %add3A_328 : i32 to index
          %get3A_331 = arith.constant 16 : index
          %get3A_332 = tpu.vector_load %arg11[%get3A_329, %get3A_330, %get3A_331] {strides = array<i32>} : memref<2x16x128xf32, #tpu.memory_space<vmem>>, vector<16xf32>,
          %max3A_333 = arith.maximumf %get3A_326, %get3A_332 : vector<16xf32>
          %swap3A_334 = arith.index_cast %add3A_324 : i32 to index
          %swap3A_335 = tpu.vector_load %arg6[%swap3A_334] {strides = array<i32>} : memref<40960xf32, #tpu.memory_space<vmem>>, vector<16xf32>,
          tpu.vector_store %arg6[%swap3A_334], %max3A_333 {strides = array<i32>} : memref<40960xf32, #tpu.memory_space<vmem>>, vector<16xf32>,
          %mul3A_336 = arith.constant 128 : i32
          %mul3A_337 = arith.muli %and3A_243, %mul3A_336 : i32
          %add3A_338 = arith.constant 16 : i32
          %add3A_339 = arith.addi %mul3A_337, %add3A_338 : i32
          %get3A_340 = arith.index_cast %add3A_339 : i32 to index
          %get3A_341 = tpu.vector_load %arg6[%get3A_340] {strides = array<i32>} : memref<40960xf32, #tpu.memory_space<vmem>>, vector<16xf32>,
          %add3A_342 = arith.constant 2 : i32
          %add3A_343 = arith.addi %mul3A_231, %add3A_342 : i32
          %get3A_344 = arith.index_cast %and3A_137 : i32 to index
          %get3A_345 = arith.index_cast %add3A_343 : i32 to index
          %get3A_346 = arith.constant 16 : index
          %get3A_347 = tpu.vector_load %arg11[%get3A_344, %get3A_345, %get3A_346] {strides = array<i32>} : memref<2x16x128xf32, #tpu.memory_space<vmem>>, vector<16xf32>,
          %max3A_348 = arith.maximumf %get3A_341, %get3A_347 : vector<16xf32>
          %swap3A_349 = arith.index_cast %add3A_339 : i32 to index
          %swap3A_350 = tpu.vector_load %arg6[%swap3A_349] {strides = array<i32>} : memref<40960xf32, #tpu.memory_space<vmem>>, vector<16xf32>,
          tpu.vector_store %arg6[%swap3A_349], %max3A_348 {strides = array<i32>} : memref<40960xf32, #tpu.memory_space<vmem>>, vector<16xf32>,
          %mul3A_351 = arith.constant 128 : i32
          %mul3A_352 = arith.muli %and3A_247, %mul3A_351 : i32
          %add3A_353 = arith.constant 16 : i32
          %add3A_354 = arith.addi %mul3A_352, %add3A_353 : i32
          %get3A_355 = arith.index_cast %add3A_354 : i32 to index
          %get3A_356 = tpu.vector_load %arg6[%get3A_355] {strides = array<i32>} : memref<40960xf32, #tpu.memory_space<vmem>>, vector<16xf32>,
          %add3A_357 = arith.constant 3 : i32
          %add3A_358 = arith.addi %mul3A_231, %add3A_357 : i32
          %get3A_359 = arith.index_cast %and3A_137 : i32 to index
          %get3A_360 = arith.index_cast %add3A_358 : i32 to index
          %get3A_361 = arith.constant 16 : index
          %get3A_362 = tpu.vector_load %arg11[%get3A_359, %get3A_360, %get3A_361] {strides = array<i32>} : memref<2x16x128xf32, #tpu.memory_space<vmem>>, vector<16xf32>,
          %max3A_363 = arith.maximumf %get3A_356, %get3A_362 : vector<16xf32>
          %swap3A_364 = arith.index_cast %add3A_354 : i32 to index
          %swap3A_365 = tpu.vector_load %arg6[%swap3A_364] {strides = array<i32>} : memref<40960xf32, #tpu.memory_space<vmem>>, vector<16xf32>,
          tpu.vector_store %arg6[%swap3A_364], %max3A_363 {strides = array<i32>} : memref<40960xf32, #tpu.memory_space<vmem>>, vector<16xf32>,
          %mul3A_366 = arith.constant 128 : i32
          %mul3A_367 = arith.muli %and3A_235, %mul3A_366 : i32
          %add3A_368 = arith.constant 32 : i32
          %add3A_369 = arith.addi %mul3A_367, %add3A_368 : i32
          %get3A_370 = arith.index_cast %add3A_369 : i32 to index
          %get3A_371 = tpu.vector_load %arg6[%get3A_370] {strides = array<i32>} : memref<40960xf32, #tpu.memory_space<vmem>>, vector<16xf32>,
          %add3A_372 = arith.constant 0 : i32
          %add3A_373 = arith.addi %mul3A_231, %add3A_372 : i32
          %get3A_374 = arith.index_cast %and3A_137 : i32 to index
          %get3A_375 = arith.index_cast %add3A_373 : i32 to index
          %get3A_376 = arith.constant 32 : index
          %get3A_377 = tpu.vector_load %arg11[%get3A_374, %get3A_375, %get3A_376] {strides = array<i32>} : memref<2x16x128xf32, #tpu.memory_space<vmem>>, vector<16xf32>,
          %max3A_378 = arith.maximumf %get3A_371, %get3A_377 : vector<16xf32>
          %swap3A_379 = arith.index_cast %add3A_369 : i32 to index
          %swap3A_380 = tpu.vector_load %arg6[%swap3A_379] {strides = array<i32>} : memref<40960xf32, #tpu.memory_space<vmem>>, vector<16xf32>,
          tpu.vector_store %arg6[%swap3A_379], %max3A_378 {strides = array<i32>} : memref<40960xf32, #tpu.memory_space<vmem>>, vector<16xf32>,
          %mul3A_381 = arith.constant 128 : i32
          %mul3A_382 = arith.muli %and3A_239, %mul3A_381 : i32
          %add3A_383 = arith.constant 32 : i32
          %add3A_384 = arith.addi %mul3A_382, %add3A_383 : i32
          %get3A_385 = arith.index_cast %add3A_384 : i32 to index
          %get3A_386 = tpu.vector_load %arg6[%get3A_385] {strides = array<i32>} : memref<40960xf32, #tpu.memory_space<vmem>>, vector<16xf32>,
          %add3A_387 = arith.constant 1 : i32
          %add3A_388 = arith.addi %mul3A_231, %add3A_387 : i32
          %get3A_389 = arith.index_cast %and3A_137 : i32 to index
          %get3A_390 = arith.index_cast %add3A_388 : i32 to index
          %get3A_391 = arith.constant 32 : index
          %get3A_392 = tpu.vector_load %arg11[%get3A_389, %get3A_390, %get3A_391] {strides = array<i32>} : memref<2x16x128xf32, #tpu.memory_space<vmem>>, vector<16xf32>,
          %max3A_393 = arith.maximumf %get3A_386, %get3A_392 : vector<16xf32>
          %swap3A_394 = arith.index_cast %add3A_384 : i32 to index
          %swap3A_395 = tpu.vector_load %arg6[%swap3A_394] {strides = array<i32>} : memref<40960xf32, #tpu.memory_space<vmem>>, vector<16xf32>,
          tpu.vector_store %arg6[%swap3A_394], %max3A_393 {strides = array<i32>} : memref<40960xf32, #tpu.memory_space<vmem>>, vector<16xf32>,
          %mul3A_396 = arith.constant 128 : i32
          %mul3A_397 = arith.muli %and3A_243, %mul3A_396 : i32
          %add3A_398 = arith.constant 32 : i32
          %add3A_399 = arith.addi %mul3A_397, %add3A_398 : i32
          %get3A_400 = arith.index_cast %add3A_399 : i32 to index
          %get3A_401 = tpu.vector_load %arg6[%get3A_400] {strides = array<i32>} : memref<40960xf32, #tpu.memory_space<vmem>>, vector<16xf32>,
          %add3A_402 = arith.constant 2 : i32
          %add3A_403 = arith.addi %mul3A_231, %add3A_402 : i32
          %get3A_404 = arith.index_cast %and3A_137 : i32 to index
          %get3A_405 = arith.index_cast %add3A_403 : i32 to index
          %get3A_406 = arith.constant 32 : index
          %get3A_407 = tpu.vector_load %arg11[%get3A_404, %get3A_405, %get3A_406] {strides = array<i32>} : memref<2x16x128xf32, #tpu.memory_space<vmem>>, vector<16xf32>,
          %max3A_408 = arith.maximumf %get3A_401, %get3A_407 : vector<16xf32>
          %swap3A_409 = arith.index_cast %add3A_399 : i32 to index
          %swap3A_410 = tpu.vector_load %arg6[%swap3A_409] {strides = array<i32>} : memref<40960xf32, #tpu.memory_space<vmem>>, vector<16xf32>,
          tpu.vector_store %arg6[%swap3A_409], %max3A_408 {strides = array<i32>} : memref<40960xf32, #tpu.memory_space<vmem>>, vector<16xf32>,
          %mul3A_411 = arith.constant 128 : i32
          %mul3A_412 = arith.muli %and3A_247, %mul3A_411 : i32
          %add3A_413 = arith.constant 32 : i32
          %add3A_414 = arith.addi %mul3A_412, %add3A_413 : i32
          %get3A_415 = arith.index_cast %add3A_414 : i32 to index
          %get3A_416 = tpu.vector_load %arg6[%get3A_415] {strides = array<i32>} : memref<40960xf32, #tpu.memory_space<vmem>>, vector<16xf32>,
          %add3A_417 = arith.constant 3 : i32
          %add3A_418 = arith.addi %mul3A_231, %add3A_417 : i32
          %get3A_419 = arith.index_cast %and3A_137 : i32 to index
          %get3A_420 = arith.index_cast %add3A_418 : i32 to index
          %get3A_421 = arith.constant 32 : index
          %get3A_422 = tpu.vector_load %arg11[%get3A_419, %get3A_420, %get3A_421] {strides = array<i32>} : memref<2x16x128xf32, #tpu.memory_space<vmem>>, vector<16xf32>,
          %max3A_423 = arith.maximumf %get3A_416, %get3A_422 : vector<16xf32>
          %swap3A_424 = arith.index_cast %add3A_414 : i32 to index
          %swap3A_425 = tpu.vector_load %arg6[%swap3A_424] {strides = array<i32>} : memref<40960xf32, #tpu.memory_space<vmem>>, vector<16xf32>,
          tpu.vector_store %arg6[%swap3A_424], %max3A_423 {strides = array<i32>} : memref<40960xf32, #tpu.memory_space<vmem>>, vector<16xf32>,
          %mul3A_426 = arith.constant 128 : i32
          %mul3A_427 = arith.muli %and3A_235, %mul3A_426 : i32
          %add3A_428 = arith.constant 48 : i32
          %add3A_429 = arith.addi %mul3A_427, %add3A_428 : i32
          %get3A_430 = arith.index_cast %add3A_429 : i32 to index
          %get3A_431 = tpu.vector_load %arg6[%get3A_430] {strides = array<i32>} : memref<40960xf32, #tpu.memory_space<vmem>>, vector<16xf32>,
          %add3A_432 = arith.constant 0 : i32
          %add3A_433 = arith.addi %mul3A_231, %add3A_432 : i32
          %get3A_434 = arith.index_cast %and3A_137 : i32 to index
          %get3A_435 = arith.index_cast %add3A_433 : i32 to index
          %get3A_436 = arith.constant 48 : index
          %get3A_437 = tpu.vector_load %arg11[%get3A_434, %get3A_435, %get3A_436] {strides = array<i32>} : memref<2x16x128xf32, #tpu.memory_space<vmem>>, vector<16xf32>,
          %max3A_438 = arith.maximumf %get3A_431, %get3A_437 : vector<16xf32>
          %swap3A_439 = arith.index_cast %add3A_429 : i32 to index
          %swap3A_440 = tpu.vector_load %arg6[%swap3A_439] {strides = array<i32>} : memref<40960xf32, #tpu.memory_space<vmem>>, vector<16xf32>,
          tpu.vector_store %arg6[%swap3A_439], %max3A_438 {strides = array<i32>} : memref<40960xf32, #tpu.memory_space<vmem>>, vector<16xf32>,
          %mul3A_441 = arith.constant 128 : i32
          %mul3A_442 = arith.muli %and3A_239, %mul3A_441 : i32
          %add3A_443 = arith.constant 48 : i32
          %add3A_444 = arith.addi %mul3A_442, %add3A_443 : i32
          %get3A_445 = arith.index_cast %add3A_444 : i32 to index
          %get3A_446 = tpu.vector_load %arg6[%get3A_445] {strides = array<i32>} : memref<40960xf32, #tpu.memory_space<vmem>>, vector<16xf32>,
          %add3A_447 = arith.constant 1 : i32
          %add3A_448 = arith.addi %mul3A_231, %add3A_447 : i32
          %get3A_449 = arith.index_cast %and3A_137 : i32 to index
          %get3A_450 = arith.index_cast %add3A_448 : i32 to index
          %get3A_451 = arith.constant 48 : index
          %get3A_452 = tpu.vector_load %arg11[%get3A_449, %get3A_450, %get3A_451] {strides = array<i32>} : memref<2x16x128xf32, #tpu.memory_space<vmem>>, vector<16xf32>,
          %max3A_453 = arith.maximumf %get3A_446, %get3A_452 : vector<16xf32>
          %swap3A_454 = arith.index_cast %add3A_444 : i32 to index
          %swap3A_455 = tpu.vector_load %arg6[%swap3A_454] {strides = array<i32>} : memref<40960xf32, #tpu.memory_space<vmem>>, vector<16xf32>,
          tpu.vector_store %arg6[%swap3A_454], %max3A_453 {strides = array<i32>} : memref<40960xf32, #tpu.memory_space<vmem>>, vector<16xf32>,
          %mul3A_456 = arith.constant 128 : i32
          %mul3A_457 = arith.muli %and3A_243, %mul3A_456 : i32
          %add3A_458 = arith.constant 48 : i32
          %add3A_459 = arith.addi %mul3A_457, %add3A_458 : i32
          %get3A_460 = arith.index_cast %add3A_459 : i32 to index
          %get3A_461 = tpu.vector_load %arg6[%get3A_460] {strides = array<i32>} : memref<40960xf32, #tpu.memory_space<vmem>>, vector<16xf32>,
          %add3A_462 = arith.constant 2 : i32
          %add3A_463 = arith.addi %mul3A_231, %add3A_462 : i32
          %get3A_464 = arith.index_cast %and3A_137 : i32 to index
          %get3A_465 = arith.index_cast %add3A_463 : i32 to index
          %get3A_466 = arith.constant 48 : index
          %get3A_467 = tpu.vector_load %arg11[%get3A_464, %get3A_465, %get3A_466] {strides = array<i32>} : memref<2x16x128xf32, #tpu.memory_space<vmem>>, vector<16xf32>,
          %max3A_468 = arith.maximumf %get3A_461, %get3A_467 : vector<16xf32>
          %swap3A_469 = arith.index_cast %add3A_459 : i32 to index
          %swap3A_470 = tpu.vector_load %arg6[%swap3A_469] {strides = array<i32>} : memref<40960xf32, #tpu.memory_space<vmem>>, vector<16xf32>,
          tpu.vector_store %arg6[%swap3A_469], %max3A_468 {strides = array<i32>} : memref<40960xf32, #tpu.memory_space<vmem>>, vector<16xf32>,
          %mul3A_471 = arith.constant 128 : i32
          %mul3A_472 = arith.muli %and3A_247, %mul3A_471 : i32
          %add3A_473 = arith.constant 48 : i32
          %add3A_474 = arith.addi %mul3A_472, %add3A_473 : i32
          %get3A_475 = arith.index_cast %add3A_474 : i32 to index
          %get3A_476 = tpu.vector_load %arg6[%get3A_475] {strides = array<i32>} : memref<40960xf32, #tpu.memory_space<vmem>>, vector<16xf32>,
          %add3A_477 = arith.constant 3 : i32
          %add3A_478 = arith.addi %mul3A_231, %add3A_477 : i32
          %get3A_479 = arith.index_cast %and3A_137 : i32 to index
          %get3A_480 = arith.index_cast %add3A_478 : i32 to index
          %get3A_481 = arith.constant 48 : index
          %get3A_482 = tpu.vector_load %arg11[%get3A_479, %get3A_480, %get3A_481] {strides = array<i32>} : memref<2x16x128xf32, #tpu.memory_space<vmem>>, vector<16xf32>,
          %max3A_483 = arith.maximumf %get3A_476, %get3A_482 : vector<16xf32>
          %swap3A_484 = arith.index_cast %add3A_474 : i32 to index
          %swap3A_485 = tpu.vector_load %arg6[%swap3A_484] {strides = array<i32>} : memref<40960xf32, #tpu.memory_space<vmem>>, vector<16xf32>,
          tpu.vector_store %arg6[%swap3A_484], %max3A_483 {strides = array<i32>} : memref<40960xf32, #tpu.memory_space<vmem>>, vector<16xf32>,
          %mul3A_486 = arith.constant 128 : i32
          %mul3A_487 = arith.muli %and3A_235, %mul3A_486 : i32
          %add3A_488 = arith.constant 64 : i32
          %add3A_489 = arith.addi %mul3A_487, %add3A_488 : i32
          %get3A_490 = arith.index_cast %add3A_489 : i32 to index
          %get3A_491 = tpu.vector_load %arg6[%get3A_490] {strides = array<i32>} : memref<40960xf32, #tpu.memory_space<vmem>>, vector<16xf32>,
          %add3A_492 = arith.constant 0 : i32
          %add3A_493 = arith.addi %mul3A_231, %add3A_492 : i32
          %get3A_494 = arith.index_cast %and3A_137 : i32 to index
          %get3A_495 = arith.index_cast %add3A_493 : i32 to index
          %get3A_496 = arith.constant 64 : index
          %get3A_497 = tpu.vector_load %arg11[%get3A_494, %get3A_495, %get3A_496] {strides = array<i32>} : memref<2x16x128xf32, #tpu.memory_space<vmem>>, vector<16xf32>,
          %max3A_498 = arith.maximumf %get3A_491, %get3A_497 : vector<16xf32>
          %swap3A_499 = arith.index_cast %add3A_489 : i32 to index
          %swap3A_500 = tpu.vector_load %arg6[%swap3A_499] {strides = array<i32>} : memref<40960xf32, #tpu.memory_space<vmem>>, vector<16xf32>,
          tpu.vector_store %arg6[%swap3A_499], %max3A_498 {strides = array<i32>} : memref<40960xf32, #tpu.memory_space<vmem>>, vector<16xf32>,
          %mul3A_501 = arith.constant 128 : i32
          %mul3A_502 = arith.muli %and3A_239, %mul3A_501 : i32
          %add3A_503 = arith.constant 64 : i32
          %add3A_504 = arith.addi %mul3A_502, %add3A_503 : i32
          %get3A_505 = arith.index_cast %add3A_504 : i32 to index
          %get3A_506 = tpu.vector_load %arg6[%get3A_505] {strides = array<i32>} : memref<40960xf32, #tpu.memory_space<vmem>>, vector<16xf32>,
          %add3A_507 = arith.constant 1 : i32
          %add3A_508 = arith.addi %mul3A_231, %add3A_507 : i32
          %get3A_509 = arith.index_cast %and3A_137 : i32 to index
          %get3A_510 = arith.index_cast %add3A_508 : i32 to index
          %get3A_511 = arith.constant 64 : index
          %get3A_512 = tpu.vector_load %arg11[%get3A_509, %get3A_510, %get3A_511] {strides = array<i32>} : memref<2x16x128xf32, #tpu.memory_space<vmem>>, vector<16xf32>,
          %max3A_513 = arith.maximumf %get3A_506, %get3A_512 : vector<16xf32>
          %swap3A_514 = arith.index_cast %add3A_504 : i32 to index
          %swap3A_515 = tpu.vector_load %arg6[%swap3A_514] {strides = array<i32>} : memref<40960xf32, #tpu.memory_space<vmem>>, vector<16xf32>,
          tpu.vector_store %arg6[%swap3A_514], %max3A_513 {strides = array<i32>} : memref<40960xf32, #tpu.memory_space<vmem>>, vector<16xf32>,
          %mul3A_516 = arith.constant 128 : i32
          %mul3A_517 = arith.muli %and3A_243, %mul3A_516 : i32
          %add3A_518 = arith.constant 64 : i32
          %add3A_519 = arith.addi %mul3A_517, %add3A_518 : i32
          %get3A_520 = arith.index_cast %add3A_519 : i32 to index
          %get3A_521 = tpu.vector_load %arg6[%get3A_520] {strides = array<i32>} : memref<40960xf32, #tpu.memory_space<vmem>>, vector<16xf32>,
          %add3A_522 = arith.constant 2 : i32
          %add3A_523 = arith.addi %mul3A_231, %add3A_522 : i32
          %get3A_524 = arith.index_cast %and3A_137 : i32 to index
          %get3A_525 = arith.index_cast %add3A_523 : i32 to index
          %get3A_526 = arith.constant 64 : index
          %get3A_527 = tpu.vector_load %arg11[%get3A_524, %get3A_525, %get3A_526] {strides = array<i32>} : memref<2x16x128xf32, #tpu.memory_space<vmem>>, vector<16xf32>,
          %max3A_528 = arith.maximumf %get3A_521, %get3A_527 : vector<16xf32>
          %swap3A_529 = arith.index_cast %add3A_519 : i32 to index
          %swap3A_530 = tpu.vector_load %arg6[%swap3A_529] {strides = array<i32>} : memref<40960xf32, #tpu.memory_space<vmem>>, vector<16xf32>,
          tpu.vector_store %arg6[%swap3A_529], %max3A_528 {strides = array<i32>} : memref<40960xf32, #tpu.memory_space<vmem>>, vector<16xf32>,
          %mul3A_531 = arith.constant 128 : i32
          %mul3A_532 = arith.muli %and3A_247, %mul3A_531 : i32
          %add3A_533 = arith.constant 64 : i32
          %add3A_534 = arith.addi %mul3A_532, %add3A_533 : i32
          %get3A_535 = arith.index_cast %add3A_534 : i32 to index
          %get3A_536 = tpu.vector_load %arg6[%get3A_535] {strides = array<i32>} : memref<40960xf32, #tpu.memory_space<vmem>>, vector<16xf32>,
          %add3A_537 = arith.constant 3 : i32
          %add3A_538 = arith.addi %mul3A_231, %add3A_537 : i32
          %get3A_539 = arith.index_cast %and3A_137 : i32 to index
          %get3A_540 = arith.index_cast %add3A_538 : i32 to index
          %get3A_541 = arith.constant 64 : index
          %get3A_542 = tpu.vector_load %arg11[%get3A_539, %get3A_540, %get3A_541] {strides = array<i32>} : memref<2x16x128xf32, #tpu.memory_space<vmem>>, vector<16xf32>,
          %max3A_543 = arith.maximumf %get3A_536, %get3A_542 : vector<16xf32>
          %swap3A_544 = arith.index_cast %add3A_534 : i32 to index
          %swap3A_545 = tpu.vector_load %arg6[%swap3A_544] {strides = array<i32>} : memref<40960xf32, #tpu.memory_space<vmem>>, vector<16xf32>,
          tpu.vector_store %arg6[%swap3A_544], %max3A_543 {strides = array<i32>} : memref<40960xf32, #tpu.memory_space<vmem>>, vector<16xf32>,
          %mul3A_546 = arith.constant 128 : i32
          %mul3A_547 = arith.muli %and3A_235, %mul3A_546 : i32
          %add3A_548 = arith.constant 80 : i32
          %add3A_549 = arith.addi %mul3A_547, %add3A_548 : i32
          %get3A_550 = arith.index_cast %add3A_549 : i32 to index
          %get3A_551 = tpu.vector_load %arg6[%get3A_550] {strides = array<i32>} : memref<40960xf32, #tpu.memory_space<vmem>>, vector<16xf32>,
          %add3A_552 = arith.constant 0 : i32
          %add3A_553 = arith.addi %mul3A_231, %add3A_552 : i32
          %get3A_554 = arith.index_cast %and3A_137 : i32 to index
          %get3A_555 = arith.index_cast %add3A_553 : i32 to index
          %get3A_556 = arith.constant 80 : index
          %get3A_557 = tpu.vector_load %arg11[%get3A_554, %get3A_555, %get3A_556] {strides = array<i32>} : memref<2x16x128xf32, #tpu.memory_space<vmem>>, vector<16xf32>,
          %max3A_558 = arith.maximumf %get3A_551, %get3A_557 : vector<16xf32>
          %swap3A_559 = arith.index_cast %add3A_549 : i32 to index
          %swap3A_560 = tpu.vector_load %arg6[%swap3A_559] {strides = array<i32>} : memref<40960xf32, #tpu.memory_space<vmem>>, vector<16xf32>,
          tpu.vector_store %arg6[%swap3A_559], %max3A_558 {strides = array<i32>} : memref<40960xf32, #tpu.memory_space<vmem>>, vector<16xf32>,
          %mul3A_561 = arith.constant 128 : i32
          %mul3A_562 = arith.muli %and3A_239, %mul3A_561 : i32
          %add3A_563 = arith.constant 80 : i32
          %add3A_564 = arith.addi %mul3A_562, %add3A_563 : i32
          %get3A_565 = arith.index_cast %add3A_564 : i32 to index
          %get3A_566 = tpu.vector_load %arg6[%get3A_565] {strides = array<i32>} : memref<40960xf32, #tpu.memory_space<vmem>>, vector<16xf32>,
          %add3A_567 = arith.constant 1 : i32
          %add3A_568 = arith.addi %mul3A_231, %add3A_567 : i32
          %get3A_569 = arith.index_cast %and3A_137 : i32 to index
          %get3A_570 = arith.index_cast %add3A_568 : i32 to index
          %get3A_571 = arith.constant 80 : index
          %get3A_572 = tpu.vector_load %arg11[%get3A_569, %get3A_570, %get3A_571] {strides = array<i32>} : memref<2x16x128xf32, #tpu.memory_space<vmem>>, vector<16xf32>,
          %max3A_573 = arith.maximumf %get3A_566, %get3A_572 : vector<16xf32>
          %swap3A_574 = arith.index_cast %add3A_564 : i32 to index
          %swap3A_575 = tpu.vector_load %arg6[%swap3A_574] {strides = array<i32>} : memref<40960xf32, #tpu.memory_space<vmem>>, vector<16xf32>,
          tpu.vector_store %arg6[%swap3A_574], %max3A_573 {strides = array<i32>} : memref<40960xf32, #tpu.memory_space<vmem>>, vector<16xf32>,
          %mul3A_576 = arith.constant 128 : i32
          %mul3A_577 = arith.muli %and3A_243, %mul3A_576 : i32
          %add3A_578 = arith.constant 80 : i32
          %add3A_579 = arith.addi %mul3A_577, %add3A_578 : i32
          %get3A_580 = arith.index_cast %add3A_579 : i32 to index
          %get3A_581 = tpu.vector_load %arg6[%get3A_580] {strides = array<i32>} : memref<40960xf32, #tpu.memory_space<vmem>>, vector<16xf32>,
          %add3A_582 = arith.constant 2 : i32
          %add3A_583 = arith.addi %mul3A_231, %add3A_582 : i32
          %get3A_584 = arith.index_cast %and3A_137 : i32 to index
          %get3A_585 = arith.index_cast %add3A_583 : i32 to index
          %get3A_586 = arith.constant 80 : index
          %get3A_587 = tpu.vector_load %arg11[%get3A_584, %get3A_585, %get3A_586] {strides = array<i32>} : memref<2x16x128xf32, #tpu.memory_space<vmem>>, vector<16xf32>,
          %max3A_588 = arith.maximumf %get3A_581, %get3A_587 : vector<16xf32>
          %swap3A_589 = arith.index_cast %add3A_579 : i32 to index
          %swap3A_590 = tpu.vector_load %arg6[%swap3A_589] {strides = array<i32>} : memref<40960xf32, #tpu.memory_space<vmem>>, vector<16xf32>,
          tpu.vector_store %arg6[%swap3A_589], %max3A_588 {strides = array<i32>} : memref<40960xf32, #tpu.memory_space<vmem>>, vector<16xf32>,
          %mul3A_591 = arith.constant 128 : i32
          %mul3A_592 = arith.muli %and3A_247, %mul3A_591 : i32
          %add3A_593 = arith.constant 80 : i32
          %add3A_594 = arith.addi %mul3A_592, %add3A_593 : i32
          %get3A_595 = arith.index_cast %add3A_594 : i32 to index
          %get3A_596 = tpu.vector_load %arg6[%get3A_595] {strides = array<i32>} : memref<40960xf32, #tpu.memory_space<vmem>>, vector<16xf32>,
          %add3A_597 = arith.constant 3 : i32
          %add3A_598 = arith.addi %mul3A_231, %add3A_597 : i32
          %get3A_599 = arith.index_cast %and3A_137 : i32 to index
          %get3A_600 = arith.index_cast %add3A_598 : i32 to index
          %get3A_601 = arith.constant 80 : index
          %get3A_602 = tpu.vector_load %arg11[%get3A_599, %get3A_600, %get3A_601] {strides = array<i32>} : memref<2x16x128xf32, #tpu.memory_space<vmem>>, vector<16xf32>,
          %max3A_603 = arith.maximumf %get3A_596, %get3A_602 : vector<16xf32>
          %swap3A_604 = arith.index_cast %add3A_594 : i32 to index
          %swap3A_605 = tpu.vector_load %arg6[%swap3A_604] {strides = array<i32>} : memref<40960xf32, #tpu.memory_space<vmem>>, vector<16xf32>,
          tpu.vector_store %arg6[%swap3A_604], %max3A_603 {strides = array<i32>} : memref<40960xf32, #tpu.memory_space<vmem>>, vector<16xf32>,
          %mul3A_606 = arith.constant 128 : i32
          %mul3A_607 = arith.muli %and3A_235, %mul3A_606 : i32
          %add3A_608 = arith.constant 96 : i32
          %add3A_609 = arith.addi %mul3A_607, %add3A_608 : i32
          %get3A_610 = arith.index_cast %add3A_609 : i32 to index
          %get3A_611 = tpu.vector_load %arg6[%get3A_610] {strides = array<i32>} : memref<40960xf32, #tpu.memory_space<vmem>>, vector<16xf32>,
          %add3A_612 = arith.constant 0 : i32
          %add3A_613 = arith.addi %mul3A_231, %add3A_612 : i32
          %get3A_614 = arith.index_cast %and3A_137 : i32 to index
          %get3A_615 = arith.index_cast %add3A_613 : i32 to index
          %get3A_616 = arith.constant 96 : index
          %get3A_617 = tpu.vector_load %arg11[%get3A_614, %get3A_615, %get3A_616] {strides = array<i32>} : memref<2x16x128xf32, #tpu.memory_space<vmem>>, vector<16xf32>,
          %max3A_618 = arith.maximumf %get3A_611, %get3A_617 : vector<16xf32>
          %swap3A_619 = arith.index_cast %add3A_609 : i32 to index
          %swap3A_620 = tpu.vector_load %arg6[%swap3A_619] {strides = array<i32>} : memref<40960xf32, #tpu.memory_space<vmem>>, vector<16xf32>,
          tpu.vector_store %arg6[%swap3A_619], %max3A_618 {strides = array<i32>} : memref<40960xf32, #tpu.memory_space<vmem>>, vector<16xf32>,
          %mul3A_621 = arith.constant 128 : i32
          %mul3A_622 = arith.muli %and3A_239, %mul3A_621 : i32
          %add3A_623 = arith.constant 96 : i32
          %add3A_624 = arith.addi %mul3A_622, %add3A_623 : i32
          %get3A_625 = arith.index_cast %add3A_624 : i32 to index
          %get3A_626 = tpu.vector_load %arg6[%get3A_625] {strides = array<i32>} : memref<40960xf32, #tpu.memory_space<vmem>>, vector<16xf32>,
          %add3A_627 = arith.constant 1 : i32
          %add3A_628 = arith.addi %mul3A_231, %add3A_627 : i32
          %get3A_629 = arith.index_cast %and3A_137 : i32 to index
          %get3A_630 = arith.index_cast %add3A_628 : i32 to index
          %get3A_631 = arith.constant 96 : index
          %get3A_632 = tpu.vector_load %arg11[%get3A_629, %get3A_630, %get3A_631] {strides = array<i32>} : memref<2x16x128xf32, #tpu.memory_space<vmem>>, vector<16xf32>,
          %max3A_633 = arith.maximumf %get3A_626, %get3A_632 : vector<16xf32>
          %swap3A_634 = arith.index_cast %add3A_624 : i32 to index
          %swap3A_635 = tpu.vector_load %arg6[%swap3A_634] {strides = array<i32>} : memref<40960xf32, #tpu.memory_space<vmem>>, vector<16xf32>,
          tpu.vector_store %arg6[%swap3A_634], %max3A_633 {strides = array<i32>} : memref<40960xf32, #tpu.memory_space<vmem>>, vector<16xf32>,
          %mul3A_636 = arith.constant 128 : i32
          %mul3A_637 = arith.muli %and3A_243, %mul3A_636 : i32
          %add3A_638 = arith.constant 96 : i32
          %add3A_639 = arith.addi %mul3A_637, %add3A_638 : i32
          %get3A_640 = arith.index_cast %add3A_639 : i32 to index
          %get3A_641 = tpu.vector_load %arg6[%get3A_640] {strides = array<i32>} : memref<40960xf32, #tpu.memory_space<vmem>>, vector<16xf32>,
          %add3A_642 = arith.constant 2 : i32
          %add3A_643 = arith.addi %mul3A_231, %add3A_642 : i32
          %get3A_644 = arith.index_cast %and3A_137 : i32 to index
          %get3A_645 = arith.index_cast %add3A_643 : i32 to index
          %get3A_646 = arith.constant 96 : index
          %get3A_647 = tpu.vector_load %arg11[%get3A_644, %get3A_645, %get3A_646] {strides = array<i32>} : memref<2x16x128xf32, #tpu.memory_space<vmem>>, vector<16xf32>,
          %max3A_648 = arith.maximumf %get3A_641, %get3A_647 : vector<16xf32>
          %swap3A_649 = arith.index_cast %add3A_639 : i32 to index
          %swap3A_650 = tpu.vector_load %arg6[%swap3A_649] {strides = array<i32>} : memref<40960xf32, #tpu.memory_space<vmem>>, vector<16xf32>,
          tpu.vector_store %arg6[%swap3A_649], %max3A_648 {strides = array<i32>} : memref<40960xf32, #tpu.memory_space<vmem>>, vector<16xf32>,
          %mul3A_651 = arith.constant 128 : i32
          %mul3A_652 = arith.muli %and3A_247, %mul3A_651 : i32
          %add3A_653 = arith.constant 96 : i32
          %add3A_654 = arith.addi %mul3A_652, %add3A_653 : i32
          %get3A_655 = arith.index_cast %add3A_654 : i32 to index
          %get3A_656 = tpu.vector_load %arg6[%get3A_655] {strides = array<i32>} : memref<40960xf32, #tpu.memory_space<vmem>>, vector<16xf32>,
          %add3A_657 = arith.constant 3 : i32
          %add3A_658 = arith.addi %mul3A_231, %add3A_657 : i32
          %get3A_659 = arith.index_cast %and3A_137 : i32 to index
          %get3A_660 = arith.index_cast %add3A_658 : i32 to index
          %get3A_661 = arith.constant 96 : index
          %get3A_662 = tpu.vector_load %arg11[%get3A_659, %get3A_660, %get3A_661] {strides = array<i32>} : memref<2x16x128xf32, #tpu.memory_space<vmem>>, vector<16xf32>,
          %max3A_663 = arith.maximumf %get3A_656, %get3A_662 : vector<16xf32>
          %swap3A_664 = arith.index_cast %add3A_654 : i32 to index
          %swap3A_665 = tpu.vector_load %arg6[%swap3A_664] {strides = array<i32>} : memref<40960xf32, #tpu.memory_space<vmem>>, vector<16xf32>,
          tpu.vector_store %arg6[%swap3A_664], %max3A_663 {strides = array<i32>} : memref<40960xf32, #tpu.memory_space<vmem>>, vector<16xf32>,
          %mul3A_666 = arith.constant 128 : i32
          %mul3A_667 = arith.muli %and3A_235, %mul3A_666 : i32
          %add3A_668 = arith.constant 112 : i32
          %add3A_669 = arith.addi %mul3A_667, %add3A_668 : i32
          %get3A_670 = arith.index_cast %add3A_669 : i32 to index
          %get3A_671 = tpu.vector_load %arg6[%get3A_670] {strides = array<i32>} : memref<40960xf32, #tpu.memory_space<vmem>>, vector<16xf32>,
          %add3A_672 = arith.constant 0 : i32
          %add3A_673 = arith.addi %mul3A_231, %add3A_672 : i32
          %get3A_674 = arith.index_cast %and3A_137 : i32 to index
          %get3A_675 = arith.index_cast %add3A_673 : i32 to index
          %get3A_676 = arith.constant 112 : index
          %get3A_677 = tpu.vector_load %arg11[%get3A_674, %get3A_675, %get3A_676] {strides = array<i32>} : memref<2x16x128xf32, #tpu.memory_space<vmem>>, vector<16xf32>,
          %max3A_678 = arith.maximumf %get3A_671, %get3A_677 : vector<16xf32>
          %swap3A_679 = arith.index_cast %add3A_669 : i32 to index
          %swap3A_680 = tpu.vector_load %arg6[%swap3A_679] {strides = array<i32>} : memref<40960xf32, #tpu.memory_space<vmem>>, vector<16xf32>,
          tpu.vector_store %arg6[%swap3A_679], %max3A_678 {strides = array<i32>} : memref<40960xf32, #tpu.memory_space<vmem>>, vector<16xf32>,
          %mul3A_681 = arith.constant 128 : i32
          %mul3A_682 = arith.muli %and3A_239, %mul3A_681 : i32
          %add3A_683 = arith.constant 112 : i32
          %add3A_684 = arith.addi %mul3A_682, %add3A_683 : i32
          %get3A_685 = arith.index_cast %add3A_684 : i32 to index
          %get3A_686 = tpu.vector_load %arg6[%get3A_685] {strides = array<i32>} : memref<40960xf32, #tpu.memory_space<vmem>>, vector<16xf32>,
          %add3A_687 = arith.constant 1 : i32
          %add3A_688 = arith.addi %mul3A_231, %add3A_687 : i32
          %get3A_689 = arith.index_cast %and3A_137 : i32 to index
          %get3A_690 = arith.index_cast %add3A_688 : i32 to index
          %get3A_691 = arith.constant 112 : index
          %get3A_692 = tpu.vector_load %arg11[%get3A_689, %get3A_690, %get3A_691] {strides = array<i32>} : memref<2x16x128xf32, #tpu.memory_space<vmem>>, vector<16xf32>,
          %max3A_693 = arith.maximumf %get3A_686, %get3A_692 : vector<16xf32>
          %swap3A_694 = arith.index_cast %add3A_684 : i32 to index
          %swap3A_695 = tpu.vector_load %arg6[%swap3A_694] {strides = array<i32>} : memref<40960xf32, #tpu.memory_space<vmem>>, vector<16xf32>,
          tpu.vector_store %arg6[%swap3A_694], %max3A_693 {strides = array<i32>} : memref<40960xf32, #tpu.memory_space<vmem>>, vector<16xf32>,
          %mul3A_696 = arith.constant 128 : i32
          %mul3A_697 = arith.muli %and3A_243, %mul3A_696 : i32
          %add3A_698 = arith.constant 112 : i32
          %add3A_699 = arith.addi %mul3A_697, %add3A_698 : i32
          %get3A_700 = arith.index_cast %add3A_699 : i32 to index
          %get3A_701 = tpu.vector_load %arg6[%get3A_700] {strides = array<i32>} : memref<40960xf32, #tpu.memory_space<vmem>>, vector<16xf32>,
          %add3A_702 = arith.constant 2 : i32
          %add3A_703 = arith.addi %mul3A_231, %add3A_702 : i32
          %get3A_704 = arith.index_cast %and3A_137 : i32 to index
          %get3A_705 = arith.index_cast %add3A_703 : i32 to index
          %get3A_706 = arith.constant 112 : index
          %get3A_707 = tpu.vector_load %arg11[%get3A_704, %get3A_705, %get3A_706] {strides = array<i32>} : memref<2x16x128xf32, #tpu.memory_space<vmem>>, vector<16xf32>,
          %max3A_708 = arith.maximumf %get3A_701, %get3A_707 : vector<16xf32>
          %swap3A_709 = arith.index_cast %add3A_699 : i32 to index
          %swap3A_710 = tpu.vector_load %arg6[%swap3A_709] {strides = array<i32>} : memref<40960xf32, #tpu.memory_space<vmem>>, vector<16xf32>,
          tpu.vector_store %arg6[%swap3A_709], %max3A_708 {strides = array<i32>} : memref<40960xf32, #tpu.memory_space<vmem>>, vector<16xf32>,
          %mul3A_711 = arith.constant 128 : i32
          %mul3A_712 = arith.muli %and3A_247, %mul3A_711 : i32
          %add3A_713 = arith.constant 112 : i32
          %add3A_714 = arith.addi %mul3A_712, %add3A_713 : i32
          %get3A_715 = arith.index_cast %add3A_714 : i32 to index
          %get3A_716 = tpu.vector_load %arg6[%get3A_715] {strides = array<i32>} : memref<40960xf32, #tpu.memory_space<vmem>>, vector<16xf32>,
          %add3A_717 = arith.constant 3 : i32
          %add3A_718 = arith.addi %mul3A_231, %add3A_717 : i32
          %get3A_719 = arith.index_cast %and3A_137 : i32 to index
          %get3A_720 = arith.index_cast %add3A_718 : i32 to index
          %get3A_721 = arith.constant 112 : index
          %get3A_722 = tpu.vector_load %arg11[%get3A_719, %get3A_720, %get3A_721] {strides = array<i32>} : memref<2x16x128xf32, #tpu.memory_space<vmem>>, vector<16xf32>,
          %max3A_723 = arith.maximumf %get3A_716, %get3A_722 : vector<16xf32>
          %swap3A_724 = arith.index_cast %add3A_714 : i32 to index
          %swap3A_725 = tpu.vector_load %arg6[%swap3A_724] {strides = array<i32>} : memref<40960xf32, #tpu.memory_space<vmem>>, vector<16xf32>,
          tpu.vector_store %arg6[%swap3A_724], %max3A_723 {strides = array<i32>} : memref<40960xf32, #tpu.memory_space<vmem>>, vector<16xf32>,
        }
        %while3A_193 = arith.constant 1 : i32
        scf.for %while3A_229 = %while3A_191 to %while3A_187 step %while3A_193  : i32 {
          %mul3A_230 = arith.constant 4 : i32
          %mul3A_231 = arith.muli %while3A_229, %mul3A_230 : i32
          %add3A_232 = arith.addi %mul3A_157, %mul3A_231 : i32
          %get3A = arith.index_cast %add3A_232 : i32 to index
          %get3A_233 = tpu.vector_load %arg9[%get3A] {strides = array<i32>} : memref<816xi32, #tpu.memory_space<vmem>>, vector<16xi32>,
          %slice3A = vector.extract_strided_slice %get3A_233 {offsets = [0], sizes = [1], strides = [1]} : vector<16xi32> to vector<1xi32>
          %squeeze3A = vector.extract %slice3A[0] : i32 from vector<1xi32>
          %and3A_234 = arith.constant 511 : i32
          %and3A_235 = arith.andi %squeeze3A, %and3A_234 : i32
          %slice3A_236 = vector.extract_strided_slice %get3A_233 {offsets = [1], sizes = [1], strides = [1]} : vector<16xi32> to vector<1xi32>
          %squeeze3A_237 = vector.extract %slice3A_236[0] : i32 from vector<1xi32>
          %and3A_238 = arith.constant 511 : i32
          %and3A_239 = arith.andi %squeeze3A_237, %and3A_238 : i32
          %slice3A_240 = vector.extract_strided_slice %get3A_233 {offsets = [2], sizes = [1], strides = [1]} : vector<16xi32> to vector<1xi32>
          %squeeze3A_241 = vector.extract %slice3A_240[0] : i32 from vector<1xi32>
          %and3A_242 = arith.constant 511 : i32
          %and3A_243 = arith.andi %squeeze3A_241, %and3A_242 : i32
          %slice3A_244 = vector.extract_strided_slice %get3A_233 {offsets = [3], sizes = [1], strides = [1]} : vector<16xi32> to vector<1xi32>
          %squeeze3A_245 = vector.extract %slice3A_244[0] : i32 from vector<1xi32>
          %and3A_246 = arith.constant 511 : i32
          %and3A_247 = arith.andi %squeeze3A_245, %and3A_246 : i32
          %mul3A_248 = arith.constant 128 : i32
          %mul3A_249 = arith.muli %and3A_235, %mul3A_248 : i32
          %add3A_250 = arith.constant 0 : i32
          %add3A_251 = arith.addi %mul3A_249, %add3A_250 : i32
          %get3A_252 = arith.index_cast %add3A_251 : i32 to index
          %get3A_253 = tpu.vector_load %arg6[%get3A_252] {strides = array<i32>} : memref<40960xf32, #tpu.memory_space<vmem>>, vector<16xf32>,
          %add3A_254 = arith.constant 0 : i32
          %add3A_255 = arith.addi %mul3A_231, %add3A_254 : i32
          %get3A_256 = arith.index_cast %and3A_137 : i32 to index
          %get3A_257 = arith.index_cast %add3A_255 : i32 to index
          %get3A_258 = arith.constant 0 : index
          %get3A_259 = tpu.vector_load %arg11[%get3A_256, %get3A_257, %get3A_258] {strides = array<i32>} : memref<2x16x128xf32, #tpu.memory_space<vmem>>, vector<16xf32>,
          %max3A = arith.maximumf %get3A_253, %get3A_259 : vector<16xf32>
          %swap3A = arith.index_cast %add3A_251 : i32 to index
          %swap3A_260 = tpu.vector_load %arg6[%swap3A] {strides = array<i32>} : memref<40960xf32, #tpu.memory_space<vmem>>, vector<16xf32>,
          tpu.vector_store %arg6[%swap3A], %max3A {strides = array<i32>} : memref<40960xf32, #tpu.memory_space<vmem>>, vector<16xf32>,
          %mul3A_261 = arith.constant 128 : i32
          %mul3A_262 = arith.muli %and3A_239, %mul3A_261 : i32
          %add3A_263 = arith.constant 0 : i32
          %add3A_264 = arith.addi %mul3A_262, %add3A_263 : i32
          %get3A_265 = arith.index_cast %add3A_264 : i32 to index
          %get3A_266 = tpu.vector_load %arg6[%get3A_265] {strides = array<i32>} : memref<40960xf32, #tpu.memory_space<vmem>>, vector<16xf32>,
          %add3A_267 = arith.constant 1 : i32
          %add3A_268 = arith.addi %mul3A_231, %add3A_267 : i32
          %get3A_269 = arith.index_cast %and3A_137 : i32 to index
          %get3A_270 = arith.index_cast %add3A_268 : i32 to index
          %get3A_271 = arith.constant 0 : index
          %get3A_272 = tpu.vector_load %arg11[%get3A_269, %get3A_270, %get3A_271] {strides = array<i32>} : memref<2x16x128xf32, #tpu.memory_space<vmem>>, vector<16xf32>,
          %max3A_273 = arith.maximumf %get3A_266, %get3A_272 : vector<16xf32>
          %swap3A_274 = arith.index_cast %add3A_264 : i32 to index
          %swap3A_275 = tpu.vector_load %arg6[%swap3A_274] {strides = array<i32>} : memref<40960xf32, #tpu.memory_space<vmem>>, vector<16xf32>,
          tpu.vector_store %arg6[%swap3A_274], %max3A_273 {strides = array<i32>} : memref<40960xf32, #tpu.memory_space<vmem>>, vector<16xf32>,
          %mul3A_276 = arith.constant 128 : i32
          %mul3A_277 = arith.muli %and3A_243, %mul3A_276 : i32
          %add3A_278 = arith.constant 0 : i32
          %add3A_279 = arith.addi %mul3A_277, %add3A_278 : i32
          %get3A_280 = arith.index_cast %add3A_279 : i32 to index
          %get3A_281 = tpu.vector_load %arg6[%get3A_280] {strides = array<i32>} : memref<40960xf32, #tpu.memory_space<vmem>>, vector<16xf32>,
          %add3A_282 = arith.constant 2 : i32
          %add3A_283 = arith.addi %mul3A_231, %add3A_282 : i32
          %get3A_284 = arith.index_cast %and3A_137 : i32 to index
          %get3A_285 = arith.index_cast %add3A_283 : i32 to index
          %get3A_286 = arith.constant 0 : index
          %get3A_287 = tpu.vector_load %arg11[%get3A_284, %get3A_285, %get3A_286] {strides = array<i32>} : memref<2x16x128xf32, #tpu.memory_space<vmem>>, vector<16xf32>,
          %max3A_288 = arith.maximumf %get3A_281, %get3A_287 : vector<16xf32>
          %swap3A_289 = arith.index_cast %add3A_279 : i32 to index
          %swap3A_290 = tpu.vector_load %arg6[%swap3A_289] {strides = array<i32>} : memref<40960xf32, #tpu.memory_space<vmem>>, vector<16xf32>,
          tpu.vector_store %arg6[%swap3A_289], %max3A_288 {strides = array<i32>} : memref<40960xf32, #tpu.memory_space<vmem>>, vector<16xf32>,
          %mul3A_291 = arith.constant 128 : i32
          %mul3A_292 = arith.muli %and3A_247, %mul3A_291 : i32
          %add3A_293 = arith.constant 0 : i32
          %add3A_294 = arith.addi %mul3A_292, %add3A_293 : i32
          %get3A_295 = arith.index_cast %add3A_294 : i32 to index
          %get3A_296 = tpu.vector_load %arg6[%get3A_295] {strides = array<i32>} : memref<40960xf32, #tpu.memory_space<vmem>>, vector<16xf32>,
          %add3A_297 = arith.constant 3 : i32
          %add3A_298 = arith.addi %mul3A_231, %add3A_297 : i32
          %get3A_299 = arith.index_cast %and3A_137 : i32 to index
          %get3A_300 = arith.index_cast %add3A_298 : i32 to index
          %get3A_301 = arith.constant 0 : index
          %get3A_302 = tpu.vector_load %arg11[%get3A_299, %get3A_300, %get3A_301] {strides = array<i32>} : memref<2x16x128xf32, #tpu.memory_space<vmem>>, vector<16xf32>,
          %max3A_303 = arith.maximumf %get3A_296, %get3A_302 : vector<16xf32>
          %swap3A_304 = arith.index_cast %add3A_294 : i32 to index
          %swap3A_305 = tpu.vector_load %arg6[%swap3A_304] {strides = array<i32>} : memref<40960xf32, #tpu.memory_space<vmem>>, vector<16xf32>,
          tpu.vector_store %arg6[%swap3A_304], %max3A_303 {strides = array<i32>} : memref<40960xf32, #tpu.memory_space<vmem>>, vector<16xf32>,
          %mul3A_306 = arith.constant 128 : i32
          %mul3A_307 = arith.muli %and3A_235, %mul3A_306 : i32
          %add3A_308 = arith.constant 16 : i32
          %add3A_309 = arith.addi %mul3A_307, %add3A_308 : i32
          %get3A_310 = arith.index_cast %add3A_309 : i32 to index
          %get3A_311 = tpu.vector_load %arg6[%get3A_310] {strides = array<i32>} : memref<40960xf32, #tpu.memory_space<vmem>>, vector<16xf32>,
          %add3A_312 = arith.constant 0 : i32
          %add3A_313 = arith.addi %mul3A_231, %add3A_312 : i32
          %get3A_314 = arith.index_cast %and3A_137 : i32 to index
          %get3A_315 = arith.index_cast %add3A_313 : i32 to index
          %get3A_316 = arith.constant 16 : index
          %get3A_317 = tpu.vector_load %arg11[%get3A_314, %get3A_315, %get3A_316] {strides = array<i32>} : memref<2x16x128xf32, #tpu.memory_space<vmem>>, vector<16xf32>,
          %max3A_318 = arith.maximumf %get3A_311, %get3A_317 : vector<16xf32>
          %swap3A_319 = arith.index_cast %add3A_309 : i32 to index
          %swap3A_320 = tpu.vector_load %arg6[%swap3A_319] {strides = array<i32>} : memref<40960xf32, #tpu.memory_space<vmem>>, vector<16xf32>,
          tpu.vector_store %arg6[%swap3A_319], %max3A_318 {strides = array<i32>} : memref<40960xf32, #tpu.memory_space<vmem>>, vector<16xf32>,
          %mul3A_321 = arith.constant 128 : i32
          %mul3A_322 = arith.muli %and3A_239, %mul3A_321 : i32
          %add3A_323 = arith.constant 16 : i32
          %add3A_324 = arith.addi %mul3A_322, %add3A_323 : i32
          %get3A_325 = arith.index_cast %add3A_324 : i32 to index
          %get3A_326 = tpu.vector_load %arg6[%get3A_325] {strides = array<i32>} : memref<40960xf32, #tpu.memory_space<vmem>>, vector<16xf32>,
          %add3A_327 = arith.constant 1 : i32
          %add3A_328 = arith.addi %mul3A_231, %add3A_327 : i32
          %get3A_329 = arith.index_cast %and3A_137 : i32 to index
          %get3A_330 = arith.index_cast %add3A_328 : i32 to index
          %get3A_331 = arith.constant 16 : index
          %get3A_332 = tpu.vector_load %arg11[%get3A_329, %get3A_330, %get3A_331] {strides = array<i32>} : memref<2x16x128xf32, #tpu.memory_space<vmem>>, vector<16xf32>,
          %max3A_333 = arith.maximumf %get3A_326, %get3A_332 : vector<16xf32>
          %swap3A_334 = arith.index_cast %add3A_324 : i32 to index
          %swap3A_335 = tpu.vector_load %arg6[%swap3A_334] {strides = array<i32>} : memref<40960xf32, #tpu.memory_space<vmem>>, vector<16xf32>,
          tpu.vector_store %arg6[%swap3A_334], %max3A_333 {strides = array<i32>} : memref<40960xf32, #tpu.memory_space<vmem>>, vector<16xf32>,
          %mul3A_336 = arith.constant 128 : i32
          %mul3A_337 = arith.muli %and3A_243, %mul3A_336 : i32
          %add3A_338 = arith.constant 16 : i32
          %add3A_339 = arith.addi %mul3A_337, %add3A_338 : i32
          %get3A_340 = arith.index_cast %add3A_339 : i32 to index
          %get3A_341 = tpu.vector_load %arg6[%get3A_340] {strides = array<i32>} : memref<40960xf32, #tpu.memory_space<vmem>>, vector<16xf32>,
          %add3A_342 = arith.constant 2 : i32
          %add3A_343 = arith.addi %mul3A_231, %add3A_342 : i32
          %get3A_344 = arith.index_cast %and3A_137 : i32 to index
          %get3A_345 = arith.index_cast %add3A_343 : i32 to index
          %get3A_346 = arith.constant 16 : index
          %get3A_347 = tpu.vector_load %arg11[%get3A_344, %get3A_345, %get3A_346] {strides = array<i32>} : memref<2x16x128xf32, #tpu.memory_space<vmem>>, vector<16xf32>,
          %max3A_348 = arith.maximumf %get3A_341, %get3A_347 : vector<16xf32>
          %swap3A_349 = arith.index_cast %add3A_339 : i32 to index
          %swap3A_350 = tpu.vector_load %arg6[%swap3A_349] {strides = array<i32>} : memref<40960xf32, #tpu.memory_space<vmem>>, vector<16xf32>,
          tpu.vector_store %arg6[%swap3A_349], %max3A_348 {strides = array<i32>} : memref<40960xf32, #tpu.memory_space<vmem>>, vector<16xf32>,
          %mul3A_351 = arith.constant 128 : i32
          %mul3A_352 = arith.muli %and3A_247, %mul3A_351 : i32
          %add3A_353 = arith.constant 16 : i32
          %add3A_354 = arith.addi %mul3A_352, %add3A_353 : i32
          %get3A_355 = arith.index_cast %add3A_354 : i32 to index
          %get3A_356 = tpu.vector_load %arg6[%get3A_355] {strides = array<i32>} : memref<40960xf32, #tpu.memory_space<vmem>>, vector<16xf32>,
          %add3A_357 = arith.constant 3 : i32
          %add3A_358 = arith.addi %mul3A_231, %add3A_357 : i32
          %get3A_359 = arith.index_cast %and3A_137 : i32 to index
          %get3A_360 = arith.index_cast %add3A_358 : i32 to index
          %get3A_361 = arith.constant 16 : index
          %get3A_362 = tpu.vector_load %arg11[%get3A_359, %get3A_360, %get3A_361] {strides = array<i32>} : memref<2x16x128xf32, #tpu.memory_space<vmem>>, vector<16xf32>,
          %max3A_363 = arith.maximumf %get3A_356, %get3A_362 : vector<16xf32>
          %swap3A_364 = arith.index_cast %add3A_354 : i32 to index
          %swap3A_365 = tpu.vector_load %arg6[%swap3A_364] {strides = array<i32>} : memref<40960xf32, #tpu.memory_space<vmem>>, vector<16xf32>,
          tpu.vector_store %arg6[%swap3A_364], %max3A_363 {strides = array<i32>} : memref<40960xf32, #tpu.memory_space<vmem>>, vector<16xf32>,
          %mul3A_366 = arith.constant 128 : i32
          %mul3A_367 = arith.muli %and3A_235, %mul3A_366 : i32
          %add3A_368 = arith.constant 32 : i32
          %add3A_369 = arith.addi %mul3A_367, %add3A_368 : i32
          %get3A_370 = arith.index_cast %add3A_369 : i32 to index
          %get3A_371 = tpu.vector_load %arg6[%get3A_370] {strides = array<i32>} : memref<40960xf32, #tpu.memory_space<vmem>>, vector<16xf32>,
          %add3A_372 = arith.constant 0 : i32
          %add3A_373 = arith.addi %mul3A_231, %add3A_372 : i32
          %get3A_374 = arith.index_cast %and3A_137 : i32 to index
          %get3A_375 = arith.index_cast %add3A_373 : i32 to index
          %get3A_376 = arith.constant 32 : index
          %get3A_377 = tpu.vector_load %arg11[%get3A_374, %get3A_375, %get3A_376] {strides = array<i32>} : memref<2x16x128xf32, #tpu.memory_space<vmem>>, vector<16xf32>,
          %max3A_378 = arith.maximumf %get3A_371, %get3A_377 : vector<16xf32>
          %swap3A_379 = arith.index_cast %add3A_369 : i32 to index
          %swap3A_380 = tpu.vector_load %arg6[%swap3A_379] {strides = array<i32>} : memref<40960xf32, #tpu.memory_space<vmem>>, vector<16xf32>,
          tpu.vector_store %arg6[%swap3A_379], %max3A_378 {strides = array<i32>} : memref<40960xf32, #tpu.memory_space<vmem>>, vector<16xf32>,
          %mul3A_381 = arith.constant 128 : i32
          %mul3A_382 = arith.muli %and3A_239, %mul3A_381 : i32
          %add3A_383 = arith.constant 32 : i32
          %add3A_384 = arith.addi %mul3A_382, %add3A_383 : i32
          %get3A_385 = arith.index_cast %add3A_384 : i32 to index
          %get3A_386 = tpu.vector_load %arg6[%get3A_385] {strides = array<i32>} : memref<40960xf32, #tpu.memory_space<vmem>>, vector<16xf32>,
          %add3A_387 = arith.constant 1 : i32
          %add3A_388 = arith.addi %mul3A_231, %add3A_387 : i32
          %get3A_389 = arith.index_cast %and3A_137 : i32 to index
          %get3A_390 = arith.index_cast %add3A_388 : i32 to index
          %get3A_391 = arith.constant 32 : index
          %get3A_392 = tpu.vector_load %arg11[%get3A_389, %get3A_390, %get3A_391] {strides = array<i32>} : memref<2x16x128xf32, #tpu.memory_space<vmem>>, vector<16xf32>,
          %max3A_393 = arith.maximumf %get3A_386, %get3A_392 : vector<16xf32>
          %swap3A_394 = arith.index_cast %add3A_384 : i32 to index
          %swap3A_395 = tpu.vector_load %arg6[%swap3A_394] {strides = array<i32>} : memref<40960xf32, #tpu.memory_space<vmem>>, vector<16xf32>,
          tpu.vector_store %arg6[%swap3A_394], %max3A_393 {strides = array<i32>} : memref<40960xf32, #tpu.memory_space<vmem>>, vector<16xf32>,
          %mul3A_396 = arith.constant 128 : i32
          %mul3A_397 = arith.muli %and3A_243, %mul3A_396 : i32
          %add3A_398 = arith.constant 32 : i32
          %add3A_399 = arith.addi %mul3A_397, %add3A_398 : i32
          %get3A_400 = arith.index_cast %add3A_399 : i32 to index
          %get3A_401 = tpu.vector_load %arg6[%get3A_400] {strides = array<i32>} : memref<40960xf32, #tpu.memory_space<vmem>>, vector<16xf32>,
          %add3A_402 = arith.constant 2 : i32
          %add3A_403 = arith.addi %mul3A_231, %add3A_402 : i32
          %get3A_404 = arith.index_cast %and3A_137 : i32 to index
          %get3A_405 = arith.index_cast %add3A_403 : i32 to index
          %get3A_406 = arith.constant 32 : index
          %get3A_407 = tpu.vector_load %arg11[%get3A_404, %get3A_405, %get3A_406] {strides = array<i32>} : memref<2x16x128xf32, #tpu.memory_space<vmem>>, vector<16xf32>,
          %max3A_408 = arith.maximumf %get3A_401, %get3A_407 : vector<16xf32>
          %swap3A_409 = arith.index_cast %add3A_399 : i32 to index
          %swap3A_410 = tpu.vector_load %arg6[%swap3A_409] {strides = array<i32>} : memref<40960xf32, #tpu.memory_space<vmem>>, vector<16xf32>,
          tpu.vector_store %arg6[%swap3A_409], %max3A_408 {strides = array<i32>} : memref<40960xf32, #tpu.memory_space<vmem>>, vector<16xf32>,
          %mul3A_411 = arith.constant 128 : i32
          %mul3A_412 = arith.muli %and3A_247, %mul3A_411 : i32
          %add3A_413 = arith.constant 32 : i32
          %add3A_414 = arith.addi %mul3A_412, %add3A_413 : i32
          %get3A_415 = arith.index_cast %add3A_414 : i32 to index
          %get3A_416 = tpu.vector_load %arg6[%get3A_415] {strides = array<i32>} : memref<40960xf32, #tpu.memory_space<vmem>>, vector<16xf32>,
          %add3A_417 = arith.constant 3 : i32
          %add3A_418 = arith.addi %mul3A_231, %add3A_417 : i32
          %get3A_419 = arith.index_cast %and3A_137 : i32 to index
          %get3A_420 = arith.index_cast %add3A_418 : i32 to index
          %get3A_421 = arith.constant 32 : index
          %get3A_422 = tpu.vector_load %arg11[%get3A_419, %get3A_420, %get3A_421] {strides = array<i32>} : memref<2x16x128xf32, #tpu.memory_space<vmem>>, vector<16xf32>,
          %max3A_423 = arith.maximumf %get3A_416, %get3A_422 : vector<16xf32>
          %swap3A_424 = arith.index_cast %add3A_414 : i32 to index
          %swap3A_425 = tpu.vector_load %arg6[%swap3A_424] {strides = array<i32>} : memref<40960xf32, #tpu.memory_space<vmem>>, vector<16xf32>,
          tpu.vector_store %arg6[%swap3A_424], %max3A_423 {strides = array<i32>} : memref<40960xf32, #tpu.memory_space<vmem>>, vector<16xf32>,
          %mul3A_426 = arith.constant 128 : i32
          %mul3A_427 = arith.muli %and3A_235, %mul3A_426 : i32
          %add3A_428 = arith.constant 48 : i32
          %add3A_429 = arith.addi %mul3A_427, %add3A_428 : i32
          %get3A_430 = arith.index_cast %add3A_429 : i32 to index
          %get3A_431 = tpu.vector_load %arg6[%get3A_430] {strides = array<i32>} : memref<40960xf32, #tpu.memory_space<vmem>>, vector<16xf32>,
          %add3A_432 = arith.constant 0 : i32
          %add3A_433 = arith.addi %mul3A_231, %add3A_432 : i32
          %get3A_434 = arith.index_cast %and3A_137 : i32 to index
          %get3A_435 = arith.index_cast %add3A_433 : i32 to index
          %get3A_436 = arith.constant 48 : index
          %get3A_437 = tpu.vector_load %arg11[%get3A_434, %get3A_435, %get3A_436] {strides = array<i32>} : memref<2x16x128xf32, #tpu.memory_space<vmem>>, vector<16xf32>,
          %max3A_438 = arith.maximumf %get3A_431, %get3A_437 : vector<16xf32>
          %swap3A_439 = arith.index_cast %add3A_429 : i32 to index
          %swap3A_440 = tpu.vector_load %arg6[%swap3A_439] {strides = array<i32>} : memref<40960xf32, #tpu.memory_space<vmem>>, vector<16xf32>,
          tpu.vector_store %arg6[%swap3A_439], %max3A_438 {strides = array<i32>} : memref<40960xf32, #tpu.memory_space<vmem>>, vector<16xf32>,
          %mul3A_441 = arith.constant 128 : i32
          %mul3A_442 = arith.muli %and3A_239, %mul3A_441 : i32
          %add3A_443 = arith.constant 48 : i32
          %add3A_444 = arith.addi %mul3A_442, %add3A_443 : i32
          %get3A_445 = arith.index_cast %add3A_444 : i32 to index
          %get3A_446 = tpu.vector_load %arg6[%get3A_445] {strides = array<i32>} : memref<40960xf32, #tpu.memory_space<vmem>>, vector<16xf32>,
          %add3A_447 = arith.constant 1 : i32
          %add3A_448 = arith.addi %mul3A_231, %add3A_447 : i32
          %get3A_449 = arith.index_cast %and3A_137 : i32 to index
          %get3A_450 = arith.index_cast %add3A_448 : i32 to index
          %get3A_451 = arith.constant 48 : index
          %get3A_452 = tpu.vector_load %arg11[%get3A_449, %get3A_450, %get3A_451] {strides = array<i32>} : memref<2x16x128xf32, #tpu.memory_space<vmem>>, vector<16xf32>,
          %max3A_453 = arith.maximumf %get3A_446, %get3A_452 : vector<16xf32>
          %swap3A_454 = arith.index_cast %add3A_444 : i32 to index
          %swap3A_455 = tpu.vector_load %arg6[%swap3A_454] {strides = array<i32>} : memref<40960xf32, #tpu.memory_space<vmem>>, vector<16xf32>,
          tpu.vector_store %arg6[%swap3A_454], %max3A_453 {strides = array<i32>} : memref<40960xf32, #tpu.memory_space<vmem>>, vector<16xf32>,
          %mul3A_456 = arith.constant 128 : i32
          %mul3A_457 = arith.muli %and3A_243, %mul3A_456 : i32
          %add3A_458 = arith.constant 48 : i32
          %add3A_459 = arith.addi %mul3A_457, %add3A_458 : i32
          %get3A_460 = arith.index_cast %add3A_459 : i32 to index
          %get3A_461 = tpu.vector_load %arg6[%get3A_460] {strides = array<i32>} : memref<40960xf32, #tpu.memory_space<vmem>>, vector<16xf32>,
          %add3A_462 = arith.constant 2 : i32
          %add3A_463 = arith.addi %mul3A_231, %add3A_462 : i32
          %get3A_464 = arith.index_cast %and3A_137 : i32 to index
          %get3A_465 = arith.index_cast %add3A_463 : i32 to index
          %get3A_466 = arith.constant 48 : index
          %get3A_467 = tpu.vector_load %arg11[%get3A_464, %get3A_465, %get3A_466] {strides = array<i32>} : memref<2x16x128xf32, #tpu.memory_space<vmem>>, vector<16xf32>,
          %max3A_468 = arith.maximumf %get3A_461, %get3A_467 : vector<16xf32>
          %swap3A_469 = arith.index_cast %add3A_459 : i32 to index
          %swap3A_470 = tpu.vector_load %arg6[%swap3A_469] {strides = array<i32>} : memref<40960xf32, #tpu.memory_space<vmem>>, vector<16xf32>,
          tpu.vector_store %arg6[%swap3A_469], %max3A_468 {strides = array<i32>} : memref<40960xf32, #tpu.memory_space<vmem>>, vector<16xf32>,
          %mul3A_471 = arith.constant 128 : i32
          %mul3A_472 = arith.muli %and3A_247, %mul3A_471 : i32
          %add3A_473 = arith.constant 48 : i32
          %add3A_474 = arith.addi %mul3A_472, %add3A_473 : i32
          %get3A_475 = arith.index_cast %add3A_474 : i32 to index
          %get3A_476 = tpu.vector_load %arg6[%get3A_475] {strides = array<i32>} : memref<40960xf32, #tpu.memory_space<vmem>>, vector<16xf32>,
          %add3A_477 = arith.constant 3 : i32
          %add3A_478 = arith.addi %mul3A_231, %add3A_477 : i32
          %get3A_479 = arith.index_cast %and3A_137 : i32 to index
          %get3A_480 = arith.index_cast %add3A_478 : i32 to index
          %get3A_481 = arith.constant 48 : index
          %get3A_482 = tpu.vector_load %arg11[%get3A_479, %get3A_480, %get3A_481] {strides = array<i32>} : memref<2x16x128xf32, #tpu.memory_space<vmem>>, vector<16xf32>,
          %max3A_483 = arith.maximumf %get3A_476, %get3A_482 : vector<16xf32>
          %swap3A_484 = arith.index_cast %add3A_474 : i32 to index
          %swap3A_485 = tpu.vector_load %arg6[%swap3A_484] {strides = array<i32>} : memref<40960xf32, #tpu.memory_space<vmem>>, vector<16xf32>,
          tpu.vector_store %arg6[%swap3A_484], %max3A_483 {strides = array<i32>} : memref<40960xf32, #tpu.memory_space<vmem>>, vector<16xf32>,
          %mul3A_486 = arith.constant 128 : i32
          %mul3A_487 = arith.muli %and3A_235, %mul3A_486 : i32
          %add3A_488 = arith.constant 64 : i32
          %add3A_489 = arith.addi %mul3A_487, %add3A_488 : i32
          %get3A_490 = arith.index_cast %add3A_489 : i32 to index
          %get3A_491 = tpu.vector_load %arg6[%get3A_490] {strides = array<i32>} : memref<40960xf32, #tpu.memory_space<vmem>>, vector<16xf32>,
          %add3A_492 = arith.constant 0 : i32
          %add3A_493 = arith.addi %mul3A_231, %add3A_492 : i32
          %get3A_494 = arith.index_cast %and3A_137 : i32 to index
          %get3A_495 = arith.index_cast %add3A_493 : i32 to index
          %get3A_496 = arith.constant 64 : index
          %get3A_497 = tpu.vector_load %arg11[%get3A_494, %get3A_495, %get3A_496] {strides = array<i32>} : memref<2x16x128xf32, #tpu.memory_space<vmem>>, vector<16xf32>,
          %max3A_498 = arith.maximumf %get3A_491, %get3A_497 : vector<16xf32>
          %swap3A_499 = arith.index_cast %add3A_489 : i32 to index
          %swap3A_500 = tpu.vector_load %arg6[%swap3A_499] {strides = array<i32>} : memref<40960xf32, #tpu.memory_space<vmem>>, vector<16xf32>,
          tpu.vector_store %arg6[%swap3A_499], %max3A_498 {strides = array<i32>} : memref<40960xf32, #tpu.memory_space<vmem>>, vector<16xf32>,
          %mul3A_501 = arith.constant 128 : i32
          %mul3A_502 = arith.muli %and3A_239, %mul3A_501 : i32
          %add3A_503 = arith.constant 64 : i32
          %add3A_504 = arith.addi %mul3A_502, %add3A_503 : i32
          %get3A_505 = arith.index_cast %add3A_504 : i32 to index
          %get3A_506 = tpu.vector_load %arg6[%get3A_505] {strides = array<i32>} : memref<40960xf32, #tpu.memory_space<vmem>>, vector<16xf32>,
          %add3A_507 = arith.constant 1 : i32
          %add3A_508 = arith.addi %mul3A_231, %add3A_507 : i32
          %get3A_509 = arith.index_cast %and3A_137 : i32 to index
          %get3A_510 = arith.index_cast %add3A_508 : i32 to index
          %get3A_511 = arith.constant 64 : index
          %get3A_512 = tpu.vector_load %arg11[%get3A_509, %get3A_510, %get3A_511] {strides = array<i32>} : memref<2x16x128xf32, #tpu.memory_space<vmem>>, vector<16xf32>,
          %max3A_513 = arith.maximumf %get3A_506, %get3A_512 : vector<16xf32>
          %swap3A_514 = arith.index_cast %add3A_504 : i32 to index
          %swap3A_515 = tpu.vector_load %arg6[%swap3A_514] {strides = array<i32>} : memref<40960xf32, #tpu.memory_space<vmem>>, vector<16xf32>,
          tpu.vector_store %arg6[%swap3A_514], %max3A_513 {strides = array<i32>} : memref<40960xf32, #tpu.memory_space<vmem>>, vector<16xf32>,
          %mul3A_516 = arith.constant 128 : i32
          %mul3A_517 = arith.muli %and3A_243, %mul3A_516 : i32
          %add3A_518 = arith.constant 64 : i32
          %add3A_519 = arith.addi %mul3A_517, %add3A_518 : i32
          %get3A_520 = arith.index_cast %add3A_519 : i32 to index
          %get3A_521 = tpu.vector_load %arg6[%get3A_520] {strides = array<i32>} : memref<40960xf32, #tpu.memory_space<vmem>>, vector<16xf32>,
          %add3A_522 = arith.constant 2 : i32
          %add3A_523 = arith.addi %mul3A_231, %add3A_522 : i32
          %get3A_524 = arith.index_cast %and3A_137 : i32 to index
          %get3A_525 = arith.index_cast %add3A_523 : i32 to index
          %get3A_526 = arith.constant 64 : index
          %get3A_527 = tpu.vector_load %arg11[%get3A_524, %get3A_525, %get3A_526] {strides = array<i32>} : memref<2x16x128xf32, #tpu.memory_space<vmem>>, vector<16xf32>,
          %max3A_528 = arith.maximumf %get3A_521, %get3A_527 : vector<16xf32>
          %swap3A_529 = arith.index_cast %add3A_519 : i32 to index
          %swap3A_530 = tpu.vector_load %arg6[%swap3A_529] {strides = array<i32>} : memref<40960xf32, #tpu.memory_space<vmem>>, vector<16xf32>,
          tpu.vector_store %arg6[%swap3A_529], %max3A_528 {strides = array<i32>} : memref<40960xf32, #tpu.memory_space<vmem>>, vector<16xf32>,
          %mul3A_531 = arith.constant 128 : i32
          %mul3A_532 = arith.muli %and3A_247, %mul3A_531 : i32
          %add3A_533 = arith.constant 64 : i32
          %add3A_534 = arith.addi %mul3A_532, %add3A_533 : i32
          %get3A_535 = arith.index_cast %add3A_534 : i32 to index
          %get3A_536 = tpu.vector_load %arg6[%get3A_535] {strides = array<i32>} : memref<40960xf32, #tpu.memory_space<vmem>>, vector<16xf32>,
          %add3A_537 = arith.constant 3 : i32
          %add3A_538 = arith.addi %mul3A_231, %add3A_537 : i32
          %get3A_539 = arith.index_cast %and3A_137 : i32 to index
          %get3A_540 = arith.index_cast %add3A_538 : i32 to index
          %get3A_541 = arith.constant 64 : index
          %get3A_542 = tpu.vector_load %arg11[%get3A_539, %get3A_540, %get3A_541] {strides = array<i32>} : memref<2x16x128xf32, #tpu.memory_space<vmem>>, vector<16xf32>,
          %max3A_543 = arith.maximumf %get3A_536, %get3A_542 : vector<16xf32>
          %swap3A_544 = arith.index_cast %add3A_534 : i32 to index
          %swap3A_545 = tpu.vector_load %arg6[%swap3A_544] {strides = array<i32>} : memref<40960xf32, #tpu.memory_space<vmem>>, vector<16xf32>,
          tpu.vector_store %arg6[%swap3A_544], %max3A_543 {strides = array<i32>} : memref<40960xf32, #tpu.memory_space<vmem>>, vector<16xf32>,
          %mul3A_546 = arith.constant 128 : i32
          %mul3A_547 = arith.muli %and3A_235, %mul3A_546 : i32
          %add3A_548 = arith.constant 80 : i32
          %add3A_549 = arith.addi %mul3A_547, %add3A_548 : i32
          %get3A_550 = arith.index_cast %add3A_549 : i32 to index
          %get3A_551 = tpu.vector_load %arg6[%get3A_550] {strides = array<i32>} : memref<40960xf32, #tpu.memory_space<vmem>>, vector<16xf32>,
          %add3A_552 = arith.constant 0 : i32
          %add3A_553 = arith.addi %mul3A_231, %add3A_552 : i32
          %get3A_554 = arith.index_cast %and3A_137 : i32 to index
          %get3A_555 = arith.index_cast %add3A_553 : i32 to index
          %get3A_556 = arith.constant 80 : index
          %get3A_557 = tpu.vector_load %arg11[%get3A_554, %get3A_555, %get3A_556] {strides = array<i32>} : memref<2x16x128xf32, #tpu.memory_space<vmem>>, vector<16xf32>,
          %max3A_558 = arith.maximumf %get3A_551, %get3A_557 : vector<16xf32>
          %swap3A_559 = arith.index_cast %add3A_549 : i32 to index
          %swap3A_560 = tpu.vector_load %arg6[%swap3A_559] {strides = array<i32>} : memref<40960xf32, #tpu.memory_space<vmem>>, vector<16xf32>,
          tpu.vector_store %arg6[%swap3A_559], %max3A_558 {strides = array<i32>} : memref<40960xf32, #tpu.memory_space<vmem>>, vector<16xf32>,
          %mul3A_561 = arith.constant 128 : i32
          %mul3A_562 = arith.muli %and3A_239, %mul3A_561 : i32
          %add3A_563 = arith.constant 80 : i32
          %add3A_564 = arith.addi %mul3A_562, %add3A_563 : i32
          %get3A_565 = arith.index_cast %add3A_564 : i32 to index
          %get3A_566 = tpu.vector_load %arg6[%get3A_565] {strides = array<i32>} : memref<40960xf32, #tpu.memory_space<vmem>>, vector<16xf32>,
          %add3A_567 = arith.constant 1 : i32
          %add3A_568 = arith.addi %mul3A_231, %add3A_567 : i32
          %get3A_569 = arith.index_cast %and3A_137 : i32 to index
          %get3A_570 = arith.index_cast %add3A_568 : i32 to index
          %get3A_571 = arith.constant 80 : index
          %get3A_572 = tpu.vector_load %arg11[%get3A_569, %get3A_570, %get3A_571] {strides = array<i32>} : memref<2x16x128xf32, #tpu.memory_space<vmem>>, vector<16xf32>,
          %max3A_573 = arith.maximumf %get3A_566, %get3A_572 : vector<16xf32>
          %swap3A_574 = arith.index_cast %add3A_564 : i32 to index
          %swap3A_575 = tpu.vector_load %arg6[%swap3A_574] {strides = array<i32>} : memref<40960xf32, #tpu.memory_space<vmem>>, vector<16xf32>,
          tpu.vector_store %arg6[%swap3A_574], %max3A_573 {strides = array<i32>} : memref<40960xf32, #tpu.memory_space<vmem>>, vector<16xf32>,
          %mul3A_576 = arith.constant 128 : i32
          %mul3A_577 = arith.muli %and3A_243, %mul3A_576 : i32
          %add3A_578 = arith.constant 80 : i32
          %add3A_579 = arith.addi %mul3A_577, %add3A_578 : i32
          %get3A_580 = arith.index_cast %add3A_579 : i32 to index
          %get3A_581 = tpu.vector_load %arg6[%get3A_580] {strides = array<i32>} : memref<40960xf32, #tpu.memory_space<vmem>>, vector<16xf32>,
          %add3A_582 = arith.constant 2 : i32
          %add3A_583 = arith.addi %mul3A_231, %add3A_582 : i32
          %get3A_584 = arith.index_cast %and3A_137 : i32 to index
          %get3A_585 = arith.index_cast %add3A_583 : i32 to index
          %get3A_586 = arith.constant 80 : index
          %get3A_587 = tpu.vector_load %arg11[%get3A_584, %get3A_585, %get3A_586] {strides = array<i32>} : memref<2x16x128xf32, #tpu.memory_space<vmem>>, vector<16xf32>,
          %max3A_588 = arith.maximumf %get3A_581, %get3A_587 : vector<16xf32>
          %swap3A_589 = arith.index_cast %add3A_579 : i32 to index
          %swap3A_590 = tpu.vector_load %arg6[%swap3A_589] {strides = array<i32>} : memref<40960xf32, #tpu.memory_space<vmem>>, vector<16xf32>,
          tpu.vector_store %arg6[%swap3A_589], %max3A_588 {strides = array<i32>} : memref<40960xf32, #tpu.memory_space<vmem>>, vector<16xf32>,
          %mul3A_591 = arith.constant 128 : i32
          %mul3A_592 = arith.muli %and3A_247, %mul3A_591 : i32
          %add3A_593 = arith.constant 80 : i32
          %add3A_594 = arith.addi %mul3A_592, %add3A_593 : i32
          %get3A_595 = arith.index_cast %add3A_594 : i32 to index
          %get3A_596 = tpu.vector_load %arg6[%get3A_595] {strides = array<i32>} : memref<40960xf32, #tpu.memory_space<vmem>>, vector<16xf32>,
          %add3A_597 = arith.constant 3 : i32
          %add3A_598 = arith.addi %mul3A_231, %add3A_597 : i32
          %get3A_599 = arith.index_cast %and3A_137 : i32 to index
          %get3A_600 = arith.index_cast %add3A_598 : i32 to index
          %get3A_601 = arith.constant 80 : index
          %get3A_602 = tpu.vector_load %arg11[%get3A_599, %get3A_600, %get3A_601] {strides = array<i32>} : memref<2x16x128xf32, #tpu.memory_space<vmem>>, vector<16xf32>,
          %max3A_603 = arith.maximumf %get3A_596, %get3A_602 : vector<16xf32>
          %swap3A_604 = arith.index_cast %add3A_594 : i32 to index
          %swap3A_605 = tpu.vector_load %arg6[%swap3A_604] {strides = array<i32>} : memref<40960xf32, #tpu.memory_space<vmem>>, vector<16xf32>,
          tpu.vector_store %arg6[%swap3A_604], %max3A_603 {strides = array<i32>} : memref<40960xf32, #tpu.memory_space<vmem>>, vector<16xf32>,
          %mul3A_606 = arith.constant 128 : i32
          %mul3A_607 = arith.muli %and3A_235, %mul3A_606 : i32
          %add3A_608 = arith.constant 96 : i32
          %add3A_609 = arith.addi %mul3A_607, %add3A_608 : i32
          %get3A_610 = arith.index_cast %add3A_609 : i32 to index
          %get3A_611 = tpu.vector_load %arg6[%get3A_610] {strides = array<i32>} : memref<40960xf32, #tpu.memory_space<vmem>>, vector<16xf32>,
          %add3A_612 = arith.constant 0 : i32
          %add3A_613 = arith.addi %mul3A_231, %add3A_612 : i32
          %get3A_614 = arith.index_cast %and3A_137 : i32 to index
          %get3A_615 = arith.index_cast %add3A_613 : i32 to index
          %get3A_616 = arith.constant 96 : index
          %get3A_617 = tpu.vector_load %arg11[%get3A_614, %get3A_615, %get3A_616] {strides = array<i32>} : memref<2x16x128xf32, #tpu.memory_space<vmem>>, vector<16xf32>,
          %max3A_618 = arith.maximumf %get3A_611, %get3A_617 : vector<16xf32>
          %swap3A_619 = arith.index_cast %add3A_609 : i32 to index
          %swap3A_620 = tpu.vector_load %arg6[%swap3A_619] {strides = array<i32>} : memref<40960xf32, #tpu.memory_space<vmem>>, vector<16xf32>,
          tpu.vector_store %arg6[%swap3A_619], %max3A_618 {strides = array<i32>} : memref<40960xf32, #tpu.memory_space<vmem>>, vector<16xf32>,
          %mul3A_621 = arith.constant 128 : i32
          %mul3A_622 = arith.muli %and3A_239, %mul3A_621 : i32
          %add3A_623 = arith.constant 96 : i32
          %add3A_624 = arith.addi %mul3A_622, %add3A_623 : i32
          %get3A_625 = arith.index_cast %add3A_624 : i32 to index
          %get3A_626 = tpu.vector_load %arg6[%get3A_625] {strides = array<i32>} : memref<40960xf32, #tpu.memory_space<vmem>>, vector<16xf32>,
          %add3A_627 = arith.constant 1 : i32
          %add3A_628 = arith.addi %mul3A_231, %add3A_627 : i32
          %get3A_629 = arith.index_cast %and3A_137 : i32 to index
          %get3A_630 = arith.index_cast %add3A_628 : i32 to index
          %get3A_631 = arith.constant 96 : index
          %get3A_632 = tpu.vector_load %arg11[%get3A_629, %get3A_630, %get3A_631] {strides = array<i32>} : memref<2x16x128xf32, #tpu.memory_space<vmem>>, vector<16xf32>,
          %max3A_633 = arith.maximumf %get3A_626, %get3A_632 : vector<16xf32>
          %swap3A_634 = arith.index_cast %add3A_624 : i32 to index
          %swap3A_635 = tpu.vector_load %arg6[%swap3A_634] {strides = array<i32>} : memref<40960xf32, #tpu.memory_space<vmem>>, vector<16xf32>,
          tpu.vector_store %arg6[%swap3A_634], %max3A_633 {strides = array<i32>} : memref<40960xf32, #tpu.memory_space<vmem>>, vector<16xf32>,
          %mul3A_636 = arith.constant 128 : i32
          %mul3A_637 = arith.muli %and3A_243, %mul3A_636 : i32
          %add3A_638 = arith.constant 96 : i32
          %add3A_639 = arith.addi %mul3A_637, %add3A_638 : i32
          %get3A_640 = arith.index_cast %add3A_639 : i32 to index
          %get3A_641 = tpu.vector_load %arg6[%get3A_640] {strides = array<i32>} : memref<40960xf32, #tpu.memory_space<vmem>>, vector<16xf32>,
          %add3A_642 = arith.constant 2 : i32
          %add3A_643 = arith.addi %mul3A_231, %add3A_642 : i32
          %get3A_644 = arith.index_cast %and3A_137 : i32 to index
          %get3A_645 = arith.index_cast %add3A_643 : i32 to index
          %get3A_646 = arith.constant 96 : index
          %get3A_647 = tpu.vector_load %arg11[%get3A_644, %get3A_645, %get3A_646] {strides = array<i32>} : memref<2x16x128xf32, #tpu.memory_space<vmem>>, vector<16xf32>,
          %max3A_648 = arith.maximumf %get3A_641, %get3A_647 : vector<16xf32>
          %swap3A_649 = arith.index_cast %add3A_639 : i32 to index
          %swap3A_650 = tpu.vector_load %arg6[%swap3A_649] {strides = array<i32>} : memref<40960xf32, #tpu.memory_space<vmem>>, vector<16xf32>,
          tpu.vector_store %arg6[%swap3A_649], %max3A_648 {strides = array<i32>} : memref<40960xf32, #tpu.memory_space<vmem>>, vector<16xf32>,
          %mul3A_651 = arith.constant 128 : i32
          %mul3A_652 = arith.muli %and3A_247, %mul3A_651 : i32
          %add3A_653 = arith.constant 96 : i32
          %add3A_654 = arith.addi %mul3A_652, %add3A_653 : i32
          %get3A_655 = arith.index_cast %add3A_654 : i32 to index
          %get3A_656 = tpu.vector_load %arg6[%get3A_655] {strides = array<i32>} : memref<40960xf32, #tpu.memory_space<vmem>>, vector<16xf32>,
          %add3A_657 = arith.constant 3 : i32
          %add3A_658 = arith.addi %mul3A_231, %add3A_657 : i32
          %get3A_659 = arith.index_cast %and3A_137 : i32 to index
          %get3A_660 = arith.index_cast %add3A_658 : i32 to index
          %get3A_661 = arith.constant 96 : index
          %get3A_662 = tpu.vector_load %arg11[%get3A_659, %get3A_660, %get3A_661] {strides = array<i32>} : memref<2x16x128xf32, #tpu.memory_space<vmem>>, vector<16xf32>,
          %max3A_663 = arith.maximumf %get3A_656, %get3A_662 : vector<16xf32>
          %swap3A_664 = arith.index_cast %add3A_654 : i32 to index
          %swap3A_665 = tpu.vector_load %arg6[%swap3A_664] {strides = array<i32>} : memref<40960xf32, #tpu.memory_space<vmem>>, vector<16xf32>,
          tpu.vector_store %arg6[%swap3A_664], %max3A_663 {strides = array<i32>} : memref<40960xf32, #tpu.memory_space<vmem>>, vector<16xf32>,
          %mul3A_666 = arith.constant 128 : i32
          %mul3A_667 = arith.muli %and3A_235, %mul3A_666 : i32
          %add3A_668 = arith.constant 112 : i32
          %add3A_669 = arith.addi %mul3A_667, %add3A_668 : i32
          %get3A_670 = arith.index_cast %add3A_669 : i32 to index
          %get3A_671 = tpu.vector_load %arg6[%get3A_670] {strides = array<i32>} : memref<40960xf32, #tpu.memory_space<vmem>>, vector<16xf32>,
          %add3A_672 = arith.constant 0 : i32
          %add3A_673 = arith.addi %mul3A_231, %add3A_672 : i32
          %get3A_674 = arith.index_cast %and3A_137 : i32 to index
          %get3A_675 = arith.index_cast %add3A_673 : i32 to index
          %get3A_676 = arith.constant 112 : index
          %get3A_677 = tpu.vector_load %arg11[%get3A_674, %get3A_675, %get3A_676] {strides = array<i32>} : memref<2x16x128xf32, #tpu.memory_space<vmem>>, vector<16xf32>,
          %max3A_678 = arith.maximumf %get3A_671, %get3A_677 : vector<16xf32>
          %swap3A_679 = arith.index_cast %add3A_669 : i32 to index
          %swap3A_680 = tpu.vector_load %arg6[%swap3A_679] {strides = array<i32>} : memref<40960xf32, #tpu.memory_space<vmem>>, vector<16xf32>,
          tpu.vector_store %arg6[%swap3A_679], %max3A_678 {strides = array<i32>} : memref<40960xf32, #tpu.memory_space<vmem>>, vector<16xf32>,
          %mul3A_681 = arith.constant 128 : i32
          %mul3A_682 = arith.muli %and3A_239, %mul3A_681 : i32
          %add3A_683 = arith.constant 112 : i32
          %add3A_684 = arith.addi %mul3A_682, %add3A_683 : i32
          %get3A_685 = arith.index_cast %add3A_684 : i32 to index
          %get3A_686 = tpu.vector_load %arg6[%get3A_685] {strides = array<i32>} : memref<40960xf32, #tpu.memory_space<vmem>>, vector<16xf32>,
          %add3A_687 = arith.constant 1 : i32
          %add3A_688 = arith.addi %mul3A_231, %add3A_687 : i32
          %get3A_689 = arith.index_cast %and3A_137 : i32 to index
          %get3A_690 = arith.index_cast %add3A_688 : i32 to index
          %get3A_691 = arith.constant 112 : index
          %get3A_692 = tpu.vector_load %arg11[%get3A_689, %get3A_690, %get3A_691] {strides = array<i32>} : memref<2x16x128xf32, #tpu.memory_space<vmem>>, vector<16xf32>,
          %max3A_693 = arith.maximumf %get3A_686, %get3A_692 : vector<16xf32>
          %swap3A_694 = arith.index_cast %add3A_684 : i32 to index
          %swap3A_695 = tpu.vector_load %arg6[%swap3A_694] {strides = array<i32>} : memref<40960xf32, #tpu.memory_space<vmem>>, vector<16xf32>,
          tpu.vector_store %arg6[%swap3A_694], %max3A_693 {strides = array<i32>} : memref<40960xf32, #tpu.memory_space<vmem>>, vector<16xf32>,
          %mul3A_696 = arith.constant 128 : i32
          %mul3A_697 = arith.muli %and3A_243, %mul3A_696 : i32
          %add3A_698 = arith.constant 112 : i32
          %add3A_699 = arith.addi %mul3A_697, %add3A_698 : i32
          %get3A_700 = arith.index_cast %add3A_699 : i32 to index
          %get3A_701 = tpu.vector_load %arg6[%get3A_700] {strides = array<i32>} : memref<40960xf32, #tpu.memory_space<vmem>>, vector<16xf32>,
          %add3A_702 = arith.constant 2 : i32
          %add3A_703 = arith.addi %mul3A_231, %add3A_702 : i32
          %get3A_704 = arith.index_cast %and3A_137 : i32 to index
          %get3A_705 = arith.index_cast %add3A_703 : i32 to index
          %get3A_706 = arith.constant 112 : index
          %get3A_707 = tpu.vector_load %arg11[%get3A_704, %get3A_705, %get3A_706] {strides = array<i32>} : memref<2x16x128xf32, #tpu.memory_space<vmem>>, vector<16xf32>,
          %max3A_708 = arith.maximumf %get3A_701, %get3A_707 : vector<16xf32>
          %swap3A_709 = arith.index_cast %add3A_699 : i32 to index
          %swap3A_710 = tpu.vector_load %arg6[%swap3A_709] {strides = array<i32>} : memref<40960xf32, #tpu.memory_space<vmem>>, vector<16xf32>,
          tpu.vector_store %arg6[%swap3A_709], %max3A_708 {strides = array<i32>} : memref<40960xf32, #tpu.memory_space<vmem>>, vector<16xf32>,
          %mul3A_711 = arith.constant 128 : i32
          %mul3A_712 = arith.muli %and3A_247, %mul3A_711 : i32
          %add3A_713 = arith.constant 112 : i32
          %add3A_714 = arith.addi %mul3A_712, %add3A_713 : i32
          %get3A_715 = arith.index_cast %add3A_714 : i32 to index
          %get3A_716 = tpu.vector_load %arg6[%get3A_715] {strides = array<i32>} : memref<40960xf32, #tpu.memory_space<vmem>>, vector<16xf32>,
          %add3A_717 = arith.constant 3 : i32
          %add3A_718 = arith.addi %mul3A_231, %add3A_717 : i32
          %get3A_719 = arith.index_cast %and3A_137 : i32 to index
          %get3A_720 = arith.index_cast %add3A_718 : i32 to index
          %get3A_721 = arith.constant 112 : index
          %get3A_722 = tpu.vector_load %arg11[%get3A_719, %get3A_720, %get3A_721] {strides = array<i32>} : memref<2x16x128xf32, #tpu.memory_space<vmem>>, vector<16xf32>,
          %max3A_723 = arith.maximumf %get3A_716, %get3A_722 : vector<16xf32>
          %swap3A_724 = arith.index_cast %add3A_714 : i32 to index
          %swap3A_725 = tpu.vector_load %arg6[%swap3A_724] {strides = array<i32>} : memref<40960xf32, #tpu.memory_space<vmem>>, vector<16xf32>,
          tpu.vector_store %arg6[%swap3A_724], %max3A_723 {strides = array<i32>} : memref<40960xf32, #tpu.memory_space<vmem>>, vector<16xf32>,
        }
        %jit3A_194 = arith.constant 4 : i32
        %div3A_195 = arith.divsi %min3A_159, %jit3A_194 : i32
        %sign3A_196 = arith.constant 0 : i32
        %sign3A_197 = arith.cmpi sgt, %min3A_159, %sign3A_196 : i32
        %sign3A_198 = arith.extui %sign3A_197 : i1 to i32
        %sign3A_199 = arith.constant 0 : i32
        %sign3A_200 = arith.cmpi slt, %min3A_159, %sign3A_199 : i32
        %sign3A_201 = arith.extui %sign3A_200 : i1 to i32
        %sign3A_202 = arith.subi %sign3A_198, %sign3A_201 : i32
        %sign3A_203 = arith.constant 0 : i32
        %sign3A_204 = arith.cmpi sgt, %jit3A_194, %sign3A_203 : i32
        %sign3A_205 = arith.extui %sign3A_204 : i1 to i32
        %sign3A_206 = arith.constant 0 : i32
        %sign3A_207 = arith.cmpi slt, %jit3A_194, %sign3A_206 : i32
        %sign3A_208 = arith.extui %sign3A_207 : i1 to i32
        %sign3A_209 = arith.subi %sign3A_205, %sign3A_208 : i32
        %ne3A_210 = arith.cmpi ne, %sign3A_202, %sign3A_209 : i32
        %rem3A_211 = arith.remsi %min3A_159, %jit3A_194 : i32
        %ne3A_212 = arith.constant 0 : i32
        %ne3A_213 = arith.cmpi ne, %rem3A_211, %ne3A_212 : i32
        %and3A_214 = arith.andi %ne3A_210, %ne3A_213 : i1
        %sub3A_215 = arith.constant 1 : i32
        %sub3A_216 = arith.subi %div3A_195, %sub3A_215 : i32
        %select_n3A_217 = arith.select %and3A_214, %sub3A_216, %div3A_195 : i32
        %mul3A_218 = arith.constant 4 : i32
        %mul3A_219 = arith.muli %select_n3A_217, %mul3A_218 : i32
        %while3A_220 = arith.constant 0 : i32
        %while3A_221 = arith.subi %min3A_159, %mul3A_219 : i32
        %while3A_222 = arith.addi %mul3A_219, %while3A_221 : i32
        %while3A_223 = arith.constant 1 : i32
        %while3A_224 = arith.divsi %while3A_221, %while3A_223 : i32
        %while3A_225 = arith.muli %while3A_224, %while3A_223 : i32
        %while3A_226 = arith.addi %mul3A_219, %while3A_225 : i32
        %while3A_227 = arith.constant 1 : i32
        scf.for %while3A_229 = %mul3A_219 to %while3A_226 step %while3A_227  : i32 {
          %add3A_230 = arith.addi %mul3A_157, %while3A_229 : i32
          %get3A = arith.index_cast %add3A_230 : i32 to index
          %get3A_231 = tpu.vector_load %arg9[%get3A] {strides = array<i32>} : memref<816xi32, #tpu.memory_space<vmem>>, vector<16xi32>,
          %slice3A = vector.extract_strided_slice %get3A_231 {offsets = [0], sizes = [1], strides = [1]} : vector<16xi32> to vector<1xi32>
          %squeeze3A = vector.extract %slice3A[0] : i32 from vector<1xi32>
          %and3A_232 = arith.constant 511 : i32
          %and3A_233 = arith.andi %squeeze3A, %and3A_232 : i32
          %mul3A_234 = arith.constant 128 : i32
          %mul3A_235 = arith.muli %and3A_233, %mul3A_234 : i32
          %add3A_236 = arith.constant 0 : i32
          %add3A_237 = arith.addi %mul3A_235, %add3A_236 : i32
          %get3A_238 = arith.index_cast %add3A_237 : i32 to index
          %get3A_239 = tpu.vector_load %arg6[%get3A_238] {strides = array<i32>} : memref<40960xf32, #tpu.memory_space<vmem>>, vector<16xf32>,
          %get3A_240 = arith.index_cast %and3A_137 : i32 to index
          %get3A_241 = arith.index_cast %while3A_229 : i32 to index
          %get3A_242 = arith.constant 0 : index
          %get3A_243 = tpu.vector_load %arg11[%get3A_240, %get3A_241, %get3A_242] {strides = array<i32>} : memref<2x16x128xf32, #tpu.memory_space<vmem>>, vector<16xf32>,
          %max3A = arith.maximumf %get3A_239, %get3A_243 : vector<16xf32>
          %swap3A = arith.index_cast %add3A_237 : i32 to index
          %swap3A_244 = tpu.vector_load %arg6[%swap3A] {strides = array<i32>} : memref<40960xf32, #tpu.memory_space<vmem>>, vector<16xf32>,
          tpu.vector_store %arg6[%swap3A], %max3A {strides = array<i32>} : memref<40960xf32, #tpu.memory_space<vmem>>, vector<16xf32>,
          %mul3A_245 = arith.constant 128 : i32
          %mul3A_246 = arith.muli %and3A_233, %mul3A_245 : i32
          %add3A_247 = arith.constant 16 : i32
          %add3A_248 = arith.addi %mul3A_246, %add3A_247 : i32
          %get3A_249 = arith.index_cast %add3A_248 : i32 to index
          %get3A_250 = tpu.vector_load %arg6[%get3A_249] {strides = array<i32>} : memref<40960xf32, #tpu.memory_space<vmem>>, vector<16xf32>,
          %get3A_251 = arith.index_cast %and3A_137 : i32 to index
          %get3A_252 = arith.index_cast %while3A_229 : i32 to index
          %get3A_253 = arith.constant 16 : index
          %get3A_254 = tpu.vector_load %arg11[%get3A_251, %get3A_252, %get3A_253] {strides = array<i32>} : memref<2x16x128xf32, #tpu.memory_space<vmem>>, vector<16xf32>,
          %max3A_255 = arith.maximumf %get3A_250, %get3A_254 : vector<16xf32>
          %swap3A_256 = arith.index_cast %add3A_248 : i32 to index
          %swap3A_257 = tpu.vector_load %arg6[%swap3A_256] {strides = array<i32>} : memref<40960xf32, #tpu.memory_space<vmem>>, vector<16xf32>,
          tpu.vector_store %arg6[%swap3A_256], %max3A_255 {strides = array<i32>} : memref<40960xf32, #tpu.memory_space<vmem>>, vector<16xf32>,
          %mul3A_258 = arith.constant 128 : i32
          %mul3A_259 = arith.muli %and3A_233, %mul3A_258 : i32
          %add3A_260 = arith.constant 32 : i32
          %add3A_261 = arith.addi %mul3A_259, %add3A_260 : i32
          %get3A_262 = arith.index_cast %add3A_261 : i32 to index
          %get3A_263 = tpu.vector_load %arg6[%get3A_262] {strides = array<i32>} : memref<40960xf32, #tpu.memory_space<vmem>>, vector<16xf32>,
          %get3A_264 = arith.index_cast %and3A_137 : i32 to index
          %get3A_265 = arith.index_cast %while3A_229 : i32 to index
          %get3A_266 = arith.constant 32 : index
          %get3A_267 = tpu.vector_load %arg11[%get3A_264, %get3A_265, %get3A_266] {strides = array<i32>} : memref<2x16x128xf32, #tpu.memory_space<vmem>>, vector<16xf32>,
          %max3A_268 = arith.maximumf %get3A_263, %get3A_267 : vector<16xf32>
          %swap3A_269 = arith.index_cast %add3A_261 : i32 to index
          %swap3A_270 = tpu.vector_load %arg6[%swap3A_269] {strides = array<i32>} : memref<40960xf32, #tpu.memory_space<vmem>>, vector<16xf32>,
          tpu.vector_store %arg6[%swap3A_269], %max3A_268 {strides = array<i32>} : memref<40960xf32, #tpu.memory_space<vmem>>, vector<16xf32>,
          %mul3A_271 = arith.constant 128 : i32
          %mul3A_272 = arith.muli %and3A_233, %mul3A_271 : i32
          %add3A_273 = arith.constant 48 : i32
          %add3A_274 = arith.addi %mul3A_272, %add3A_273 : i32
          %get3A_275 = arith.index_cast %add3A_274 : i32 to index
          %get3A_276 = tpu.vector_load %arg6[%get3A_275] {strides = array<i32>} : memref<40960xf32, #tpu.memory_space<vmem>>, vector<16xf32>,
          %get3A_277 = arith.index_cast %and3A_137 : i32 to index
          %get3A_278 = arith.index_cast %while3A_229 : i32 to index
          %get3A_279 = arith.constant 48 : index
          %get3A_280 = tpu.vector_load %arg11[%get3A_277, %get3A_278, %get3A_279] {strides = array<i32>} : memref<2x16x128xf32, #tpu.memory_space<vmem>>, vector<16xf32>,
          %max3A_281 = arith.maximumf %get3A_276, %get3A_280 : vector<16xf32>
          %swap3A_282 = arith.index_cast %add3A_274 : i32 to index
          %swap3A_283 = tpu.vector_load %arg6[%swap3A_282] {strides = array<i32>} : memref<40960xf32, #tpu.memory_space<vmem>>, vector<16xf32>,
          tpu.vector_store %arg6[%swap3A_282], %max3A_281 {strides = array<i32>} : memref<40960xf32, #tpu.memory_space<vmem>>, vector<16xf32>,
          %mul3A_284 = arith.constant 128 : i32
          %mul3A_285 = arith.muli %and3A_233, %mul3A_284 : i32
          %add3A_286 = arith.constant 64 : i32
          %add3A_287 = arith.addi %mul3A_285, %add3A_286 : i32
          %get3A_288 = arith.index_cast %add3A_287 : i32 to index
          %get3A_289 = tpu.vector_load %arg6[%get3A_288] {strides = array<i32>} : memref<40960xf32, #tpu.memory_space<vmem>>, vector<16xf32>,
          %get3A_290 = arith.index_cast %and3A_137 : i32 to index
          %get3A_291 = arith.index_cast %while3A_229 : i32 to index
          %get3A_292 = arith.constant 64 : index
          %get3A_293 = tpu.vector_load %arg11[%get3A_290, %get3A_291, %get3A_292] {strides = array<i32>} : memref<2x16x128xf32, #tpu.memory_space<vmem>>, vector<16xf32>,
          %max3A_294 = arith.maximumf %get3A_289, %get3A_293 : vector<16xf32>
          %swap3A_295 = arith.index_cast %add3A_287 : i32 to index
          %swap3A_296 = tpu.vector_load %arg6[%swap3A_295] {strides = array<i32>} : memref<40960xf32, #tpu.memory_space<vmem>>, vector<16xf32>,
          tpu.vector_store %arg6[%swap3A_295], %max3A_294 {strides = array<i32>} : memref<40960xf32, #tpu.memory_space<vmem>>, vector<16xf32>,
          %mul3A_297 = arith.constant 128 : i32
          %mul3A_298 = arith.muli %and3A_233, %mul3A_297 : i32
          %add3A_299 = arith.constant 80 : i32
          %add3A_300 = arith.addi %mul3A_298, %add3A_299 : i32
          %get3A_301 = arith.index_cast %add3A_300 : i32 to index
          %get3A_302 = tpu.vector_load %arg6[%get3A_301] {strides = array<i32>} : memref<40960xf32, #tpu.memory_space<vmem>>, vector<16xf32>,
          %get3A_303 = arith.index_cast %and3A_137 : i32 to index
          %get3A_304 = arith.index_cast %while3A_229 : i32 to index
          %get3A_305 = arith.constant 80 : index
          %get3A_306 = tpu.vector_load %arg11[%get3A_303, %get3A_304, %get3A_305] {strides = array<i32>} : memref<2x16x128xf32, #tpu.memory_space<vmem>>, vector<16xf32>,
          %max3A_307 = arith.maximumf %get3A_302, %get3A_306 : vector<16xf32>
          %swap3A_308 = arith.index_cast %add3A_300 : i32 to index
          %swap3A_309 = tpu.vector_load %arg6[%swap3A_308] {strides = array<i32>} : memref<40960xf32, #tpu.memory_space<vmem>>, vector<16xf32>,
          tpu.vector_store %arg6[%swap3A_308], %max3A_307 {strides = array<i32>} : memref<40960xf32, #tpu.memory_space<vmem>>, vector<16xf32>,
          %mul3A_310 = arith.constant 128 : i32
          %mul3A_311 = arith.muli %and3A_233, %mul3A_310 : i32
          %add3A_312 = arith.constant 96 : i32
          %add3A_313 = arith.addi %mul3A_311, %add3A_312 : i32
          %get3A_314 = arith.index_cast %add3A_313 : i32 to index
          %get3A_315 = tpu.vector_load %arg6[%get3A_314] {strides = array<i32>} : memref<40960xf32, #tpu.memory_space<vmem>>, vector<16xf32>,
          %get3A_316 = arith.index_cast %and3A_137 : i32 to index
          %get3A_317 = arith.index_cast %while3A_229 : i32 to index
          %get3A_318 = arith.constant 96 : index
          %get3A_319 = tpu.vector_load %arg11[%get3A_316, %get3A_317, %get3A_318] {strides = array<i32>} : memref<2x16x128xf32, #tpu.memory_space<vmem>>, vector<16xf32>,
          %max3A_320 = arith.maximumf %get3A_315, %get3A_319 : vector<16xf32>
          %swap3A_321 = arith.index_cast %add3A_313 : i32 to index
          %swap3A_322 = tpu.vector_load %arg6[%swap3A_321] {strides = array<i32>} : memref<40960xf32, #tpu.memory_space<vmem>>, vector<16xf32>,
          tpu.vector_store %arg6[%swap3A_321], %max3A_320 {strides = array<i32>} : memref<40960xf32, #tpu.memory_space<vmem>>, vector<16xf32>,
          %mul3A_323 = arith.constant 128 : i32
          %mul3A_324 = arith.muli %and3A_233, %mul3A_323 : i32
          %add3A_325 = arith.constant 112 : i32
          %add3A_326 = arith.addi %mul3A_324, %add3A_325 : i32
          %get3A_327 = arith.index_cast %add3A_326 : i32 to index
          %get3A_328 = tpu.vector_load %arg6[%get3A_327] {strides = array<i32>} : memref<40960xf32, #tpu.memory_space<vmem>>, vector<16xf32>,
          %get3A_329 = arith.index_cast %and3A_137 : i32 to index
          %get3A_330 = arith.index_cast %while3A_229 : i32 to index
          %get3A_331 = arith.constant 112 : index
          %get3A_332 = tpu.vector_load %arg11[%get3A_329, %get3A_330, %get3A_331] {strides = array<i32>} : memref<2x16x128xf32, #tpu.memory_space<vmem>>, vector<16xf32>,
          %max3A_333 = arith.maximumf %get3A_328, %get3A_332 : vector<16xf32>
          %swap3A_334 = arith.index_cast %add3A_326 : i32 to index
          %swap3A_335 = tpu.vector_load %arg6[%swap3A_334] {strides = array<i32>} : memref<40960xf32, #tpu.memory_space<vmem>>, vector<16xf32>,
          tpu.vector_store %arg6[%swap3A_334], %max3A_333 {strides = array<i32>} : memref<40960xf32, #tpu.memory_space<vmem>>, vector<16xf32>,
        }
        %while3A_228 = arith.constant 1 : i32
        scf.for %while3A_229 = %while3A_226 to %while3A_222 step %while3A_228  : i32 {
          %add3A_230 = arith.addi %mul3A_157, %while3A_229 : i32
          %get3A = arith.index_cast %add3A_230 : i32 to index
          %get3A_231 = tpu.vector_load %arg9[%get3A] {strides = array<i32>} : memref<816xi32, #tpu.memory_space<vmem>>, vector<16xi32>,
          %slice3A = vector.extract_strided_slice %get3A_231 {offsets = [0], sizes = [1], strides = [1]} : vector<16xi32> to vector<1xi32>
          %squeeze3A = vector.extract %slice3A[0] : i32 from vector<1xi32>
          %and3A_232 = arith.constant 511 : i32
          %and3A_233 = arith.andi %squeeze3A, %and3A_232 : i32
          %mul3A_234 = arith.constant 128 : i32
          %mul3A_235 = arith.muli %and3A_233, %mul3A_234 : i32
          %add3A_236 = arith.constant 0 : i32
          %add3A_237 = arith.addi %mul3A_235, %add3A_236 : i32
          %get3A_238 = arith.index_cast %add3A_237 : i32 to index
          %get3A_239 = tpu.vector_load %arg6[%get3A_238] {strides = array<i32>} : memref<40960xf32, #tpu.memory_space<vmem>>, vector<16xf32>,
          %get3A_240 = arith.index_cast %and3A_137 : i32 to index
          %get3A_241 = arith.index_cast %while3A_229 : i32 to index
          %get3A_242 = arith.constant 0 : index
          %get3A_243 = tpu.vector_load %arg11[%get3A_240, %get3A_241, %get3A_242] {strides = array<i32>} : memref<2x16x128xf32, #tpu.memory_space<vmem>>, vector<16xf32>,
          %max3A = arith.maximumf %get3A_239, %get3A_243 : vector<16xf32>
          %swap3A = arith.index_cast %add3A_237 : i32 to index
          %swap3A_244 = tpu.vector_load %arg6[%swap3A] {strides = array<i32>} : memref<40960xf32, #tpu.memory_space<vmem>>, vector<16xf32>,
          tpu.vector_store %arg6[%swap3A], %max3A {strides = array<i32>} : memref<40960xf32, #tpu.memory_space<vmem>>, vector<16xf32>,
          %mul3A_245 = arith.constant 128 : i32
          %mul3A_246 = arith.muli %and3A_233, %mul3A_245 : i32
          %add3A_247 = arith.constant 16 : i32
          %add3A_248 = arith.addi %mul3A_246, %add3A_247 : i32
          %get3A_249 = arith.index_cast %add3A_248 : i32 to index
          %get3A_250 = tpu.vector_load %arg6[%get3A_249] {strides = array<i32>} : memref<40960xf32, #tpu.memory_space<vmem>>, vector<16xf32>,
          %get3A_251 = arith.index_cast %and3A_137 : i32 to index
          %get3A_252 = arith.index_cast %while3A_229 : i32 to index
          %get3A_253 = arith.constant 16 : index
          %get3A_254 = tpu.vector_load %arg11[%get3A_251, %get3A_252, %get3A_253] {strides = array<i32>} : memref<2x16x128xf32, #tpu.memory_space<vmem>>, vector<16xf32>,
          %max3A_255 = arith.maximumf %get3A_250, %get3A_254 : vector<16xf32>
          %swap3A_256 = arith.index_cast %add3A_248 : i32 to index
          %swap3A_257 = tpu.vector_load %arg6[%swap3A_256] {strides = array<i32>} : memref<40960xf32, #tpu.memory_space<vmem>>, vector<16xf32>,
          tpu.vector_store %arg6[%swap3A_256], %max3A_255 {strides = array<i32>} : memref<40960xf32, #tpu.memory_space<vmem>>, vector<16xf32>,
          %mul3A_258 = arith.constant 128 : i32
          %mul3A_259 = arith.muli %and3A_233, %mul3A_258 : i32
          %add3A_260 = arith.constant 32 : i32
          %add3A_261 = arith.addi %mul3A_259, %add3A_260 : i32
          %get3A_262 = arith.index_cast %add3A_261 : i32 to index
          %get3A_263 = tpu.vector_load %arg6[%get3A_262] {strides = array<i32>} : memref<40960xf32, #tpu.memory_space<vmem>>, vector<16xf32>,
          %get3A_264 = arith.index_cast %and3A_137 : i32 to index
          %get3A_265 = arith.index_cast %while3A_229 : i32 to index
          %get3A_266 = arith.constant 32 : index
          %get3A_267 = tpu.vector_load %arg11[%get3A_264, %get3A_265, %get3A_266] {strides = array<i32>} : memref<2x16x128xf32, #tpu.memory_space<vmem>>, vector<16xf32>,
          %max3A_268 = arith.maximumf %get3A_263, %get3A_267 : vector<16xf32>
          %swap3A_269 = arith.index_cast %add3A_261 : i32 to index
          %swap3A_270 = tpu.vector_load %arg6[%swap3A_269] {strides = array<i32>} : memref<40960xf32, #tpu.memory_space<vmem>>, vector<16xf32>,
          tpu.vector_store %arg6[%swap3A_269], %max3A_268 {strides = array<i32>} : memref<40960xf32, #tpu.memory_space<vmem>>, vector<16xf32>,
          %mul3A_271 = arith.constant 128 : i32
          %mul3A_272 = arith.muli %and3A_233, %mul3A_271 : i32
          %add3A_273 = arith.constant 48 : i32
          %add3A_274 = arith.addi %mul3A_272, %add3A_273 : i32
          %get3A_275 = arith.index_cast %add3A_274 : i32 to index
          %get3A_276 = tpu.vector_load %arg6[%get3A_275] {strides = array<i32>} : memref<40960xf32, #tpu.memory_space<vmem>>, vector<16xf32>,
          %get3A_277 = arith.index_cast %and3A_137 : i32 to index
          %get3A_278 = arith.index_cast %while3A_229 : i32 to index
          %get3A_279 = arith.constant 48 : index
          %get3A_280 = tpu.vector_load %arg11[%get3A_277, %get3A_278, %get3A_279] {strides = array<i32>} : memref<2x16x128xf32, #tpu.memory_space<vmem>>, vector<16xf32>,
          %max3A_281 = arith.maximumf %get3A_276, %get3A_280 : vector<16xf32>
          %swap3A_282 = arith.index_cast %add3A_274 : i32 to index
          %swap3A_283 = tpu.vector_load %arg6[%swap3A_282] {strides = array<i32>} : memref<40960xf32, #tpu.memory_space<vmem>>, vector<16xf32>,
          tpu.vector_store %arg6[%swap3A_282], %max3A_281 {strides = array<i32>} : memref<40960xf32, #tpu.memory_space<vmem>>, vector<16xf32>,
          %mul3A_284 = arith.constant 128 : i32
          %mul3A_285 = arith.muli %and3A_233, %mul3A_284 : i32
          %add3A_286 = arith.constant 64 : i32
          %add3A_287 = arith.addi %mul3A_285, %add3A_286 : i32
          %get3A_288 = arith.index_cast %add3A_287 : i32 to index
          %get3A_289 = tpu.vector_load %arg6[%get3A_288] {strides = array<i32>} : memref<40960xf32, #tpu.memory_space<vmem>>, vector<16xf32>,
          %get3A_290 = arith.index_cast %and3A_137 : i32 to index
          %get3A_291 = arith.index_cast %while3A_229 : i32 to index
          %get3A_292 = arith.constant 64 : index
          %get3A_293 = tpu.vector_load %arg11[%get3A_290, %get3A_291, %get3A_292] {strides = array<i32>} : memref<2x16x128xf32, #tpu.memory_space<vmem>>, vector<16xf32>,
          %max3A_294 = arith.maximumf %get3A_289, %get3A_293 : vector<16xf32>
          %swap3A_295 = arith.index_cast %add3A_287 : i32 to index
          %swap3A_296 = tpu.vector_load %arg6[%swap3A_295] {strides = array<i32>} : memref<40960xf32, #tpu.memory_space<vmem>>, vector<16xf32>,
          tpu.vector_store %arg6[%swap3A_295], %max3A_294 {strides = array<i32>} : memref<40960xf32, #tpu.memory_space<vmem>>, vector<16xf32>,
          %mul3A_297 = arith.constant 128 : i32
          %mul3A_298 = arith.muli %and3A_233, %mul3A_297 : i32
          %add3A_299 = arith.constant 80 : i32
          %add3A_300 = arith.addi %mul3A_298, %add3A_299 : i32
          %get3A_301 = arith.index_cast %add3A_300 : i32 to index
          %get3A_302 = tpu.vector_load %arg6[%get3A_301] {strides = array<i32>} : memref<40960xf32, #tpu.memory_space<vmem>>, vector<16xf32>,
          %get3A_303 = arith.index_cast %and3A_137 : i32 to index
          %get3A_304 = arith.index_cast %while3A_229 : i32 to index
          %get3A_305 = arith.constant 80 : index
          %get3A_306 = tpu.vector_load %arg11[%get3A_303, %get3A_304, %get3A_305] {strides = array<i32>} : memref<2x16x128xf32, #tpu.memory_space<vmem>>, vector<16xf32>,
          %max3A_307 = arith.maximumf %get3A_302, %get3A_306 : vector<16xf32>
          %swap3A_308 = arith.index_cast %add3A_300 : i32 to index
          %swap3A_309 = tpu.vector_load %arg6[%swap3A_308] {strides = array<i32>} : memref<40960xf32, #tpu.memory_space<vmem>>, vector<16xf32>,
          tpu.vector_store %arg6[%swap3A_308], %max3A_307 {strides = array<i32>} : memref<40960xf32, #tpu.memory_space<vmem>>, vector<16xf32>,
          %mul3A_310 = arith.constant 128 : i32
          %mul3A_311 = arith.muli %and3A_233, %mul3A_310 : i32
          %add3A_312 = arith.constant 96 : i32
          %add3A_313 = arith.addi %mul3A_311, %add3A_312 : i32
          %get3A_314 = arith.index_cast %add3A_313 : i32 to index
          %get3A_315 = tpu.vector_load %arg6[%get3A_314] {strides = array<i32>} : memref<40960xf32, #tpu.memory_space<vmem>>, vector<16xf32>,
          %get3A_316 = arith.index_cast %and3A_137 : i32 to index
          %get3A_317 = arith.index_cast %while3A_229 : i32 to index
          %get3A_318 = arith.constant 96 : index
          %get3A_319 = tpu.vector_load %arg11[%get3A_316, %get3A_317, %get3A_318] {strides = array<i32>} : memref<2x16x128xf32, #tpu.memory_space<vmem>>, vector<16xf32>,
          %max3A_320 = arith.maximumf %get3A_315, %get3A_319 : vector<16xf32>
          %swap3A_321 = arith.index_cast %add3A_313 : i32 to index
          %swap3A_322 = tpu.vector_load %arg6[%swap3A_321] {strides = array<i32>} : memref<40960xf32, #tpu.memory_space<vmem>>, vector<16xf32>,
          tpu.vector_store %arg6[%swap3A_321], %max3A_320 {strides = array<i32>} : memref<40960xf32, #tpu.memory_space<vmem>>, vector<16xf32>,
          %mul3A_323 = arith.constant 128 : i32
          %mul3A_324 = arith.muli %and3A_233, %mul3A_323 : i32
          %add3A_325 = arith.constant 112 : i32
          %add3A_326 = arith.addi %mul3A_324, %add3A_325 : i32
          %get3A_327 = arith.index_cast %add3A_326 : i32 to index
          %get3A_328 = tpu.vector_load %arg6[%get3A_327] {strides = array<i32>} : memref<40960xf32, #tpu.memory_space<vmem>>, vector<16xf32>,
          %get3A_329 = arith.index_cast %and3A_137 : i32 to index
          %get3A_330 = arith.index_cast %while3A_229 : i32 to index
          %get3A_331 = arith.constant 112 : index
          %get3A_332 = tpu.vector_load %arg11[%get3A_329, %get3A_330, %get3A_331] {strides = array<i32>} : memref<2x16x128xf32, #tpu.memory_space<vmem>>, vector<16xf32>,
          %max3A_333 = arith.maximumf %get3A_328, %get3A_332 : vector<16xf32>
          %swap3A_334 = arith.index_cast %add3A_326 : i32 to index
          %swap3A_335 = tpu.vector_load %arg6[%swap3A_334] {strides = array<i32>} : memref<40960xf32, #tpu.memory_space<vmem>>, vector<16xf32>,
          tpu.vector_store %arg6[%swap3A_334], %max3A_333 {strides = array<i32>} : memref<40960xf32, #tpu.memory_space<vmem>>, vector<16xf32>,
        }
      }
      %while3A_134 = arith.constant 1 : i32
      scf.for %while3A_135 = %while3A_132 to %while3A_128 step %while3A_134  : i32 {
        %and3A_136 = arith.constant 1 : i32
        %and3A_137 = arith.andi %while3A_135, %and3A_136 : i32
        %dma_wait3A_138 = arith.constant 0 : i32
        %dma_wait3A_139 = arith.constant 0 : i32
        %dma_wait3A_140 = tpu.memref_slice %arg11[%and3A_137, %dma_wait3A_138, %dma_wait3A_139] : memref<2x16x128xf32, #tpu.memory_space<vmem>> -> memref<1x16x128xf32, #tpu.memory_space<vmem>>
        %dma_wait3A_141 = tpu.memref_squeeze %dma_wait3A_140 : memref<1x16x128xf32, #tpu.memory_space<vmem>> -> memref<16x128xf32, #tpu.memory_space<vmem>>
        %dma_wait3A_142 = arith.constant 0 : i32
        %dma_wait3A_143 = tpu.memref_slice %arg10[%and3A_137, %dma_wait3A_142] : memref<2x16xi32, #tpu.memory_space<vmem>> -> memref<1x16xi32, #tpu.memory_space<vmem>>
        %dma_wait3A_144 = tpu.memref_squeeze %dma_wait3A_143 : memref<1x16xi32, #tpu.memory_space<vmem>> -> memref<16xi32, #tpu.memory_space<vmem>>
        %dma_wait3A_145 = arith.constant 0 : i32
        %dma_wait3A_146 = arith.constant 0 : i32
        %dma_wait3A_147 = tpu.memref_slice %arg12[%dma_wait3A_145, %dma_wait3A_146] : memref<10000x128xf32, #tpu.memory_space<vmem_shared>> -> memref<10000x128xf32, #tpu.memory_space<vmem_shared>>
        %dma_wait3A_148 = tpu.memref_slice %arg15[%and3A_137] : memref<2x!tpu.dma_semaphore, #tpu.memory_space<semaphore_mem>> -> memref<1x!tpu.dma_semaphore, #tpu.memory_space<semaphore_mem>>
        %dma_wait3A_149 = tpu.memref_squeeze %dma_wait3A_148 : memref<1x!tpu.dma_semaphore, #tpu.memory_space<semaphore_mem>> -> memref<!tpu.dma_semaphore, #tpu.memory_space<semaphore_mem>>
        tpu.wait_indirect_dma semaphore(%dma_wait3A_149 : memref<!tpu.dma_semaphore, #tpu.memory_space<semaphore_mem>>) src(%dma_wait3A_147 : memref<10000x128xf32, #tpu.memory_space<vmem_shared>>) dst(%dma_wait3A_141 : memref<16x128xf32, #tpu.memory_space<vmem>>)
        %add3A_150 = arith.constant 1 : i32
        %add3A_151 = arith.addi %while3A_135, %add3A_150 : i32
        %lt3A_152 = arith.cmpi slt, %add3A_151, %select_n3A : i32
        %convert_element_type3A_153 = arith.extui %lt3A_152 : i1 to i32
        %cond3A_154 = arith.constant 0 : i32
        %cond3A_155 = arith.cmpi ne, %convert_element_type3A_153, %cond3A_154 : i32
        scf.if %cond3A_155 {
          %add3A_229 = arith.constant 1 : i32
          %add3A_230 = arith.addi %while3A_135, %add3A_229 : i32
          %sub3A_231 = arith.constant 1 : i32
          %sub3A_232 = arith.subi %sub3A_231, %and3A_137 : i32
          %mul3A_233 = arith.constant 16 : i32
          %mul3A_234 = arith.muli %add3A_230, %mul3A_233 : i32
          %add3A_235 = arith.constant 0 : i32
          %add3A_236 = arith.addi %mul3A_234, %add3A_235 : i32
          %get3A = arith.index_cast %add3A_236 : i32 to index
          %get3A_237 = tpu.vector_load %arg9[%get3A] {strides = array<i32>} : memref<816xi32, #tpu.memory_space<vmem>>, vector<16xi32>,
          %shift_right_logical3A = arith.shrui %get3A_237, %broadcast_in_dim3A_18 : vector<16xi32>
          %min3A_238 = arith.minsi %shift_right_logical3A, %broadcast_in_dim3A_20 : vector<16xi32>
          %swap3A = arith.index_cast %sub3A_232 : i32 to index
          %swap3A_239 = arith.constant 0 : index
          %swap3A_240 = tpu.vector_load %arg10[%swap3A, %swap3A_239] {strides = array<i32>} : memref<2x16xi32, #tpu.memory_space<vmem>>, vector<16xi32>,
          tpu.vector_store %arg10[%swap3A, %swap3A_239], %min3A_238 {strides = array<i32>} : memref<2x16xi32, #tpu.memory_space<vmem>>, vector<16xi32>,
          %dma_start3A_241 = arith.constant 0 : i32
          %dma_start3A_242 = arith.constant 0 : i32
          %dma_start3A_243 = tpu.memref_slice %arg11[%sub3A_232, %dma_start3A_241, %dma_start3A_242] : memref<2x16x128xf32, #tpu.memory_space<vmem>> -> memref<1x16x128xf32, #tpu.memory_space<vmem>>
          %dma_start3A_244 = tpu.memref_squeeze %dma_start3A_243 : memref<1x16x128xf32, #tpu.memory_space<vmem>> -> memref<16x128xf32, #tpu.memory_space<vmem>>
          %dma_start3A_245 = arith.constant 0 : i32
          %dma_start3A_246 = tpu.memref_slice %arg10[%sub3A_232, %dma_start3A_245] : memref<2x16xi32, #tpu.memory_space<vmem>> -> memref<1x16xi32, #tpu.memory_space<vmem>>
          %dma_start3A_247 = tpu.memref_squeeze %dma_start3A_246 : memref<1x16xi32, #tpu.memory_space<vmem>> -> memref<16xi32, #tpu.memory_space<vmem>>
          %dma_start3A_248 = arith.constant 0 : i32
          %dma_start3A_249 = arith.constant 0 : i32
          %dma_start3A_250 = tpu.memref_slice %arg12[%dma_start3A_248, %dma_start3A_249] : memref<10000x128xf32, #tpu.memory_space<vmem_shared>> -> memref<10000x128xf32, #tpu.memory_space<vmem_shared>>
          %dma_start3A_251 = tpu.memref_slice %arg15[%sub3A_232] : memref<2x!tpu.dma_semaphore, #tpu.memory_space<semaphore_mem>> -> memref<1x!tpu.dma_semaphore, #tpu.memory_space<semaphore_mem>>
          %dma_start3A_252 = tpu.memref_squeeze %dma_start3A_251 : memref<1x!tpu.dma_semaphore, #tpu.memory_space<semaphore_mem>> -> memref<!tpu.dma_semaphore, #tpu.memory_space<semaphore_mem>>
          tpu.enqueue_indirect_dma source(%dma_start3A_250 : memref<10000x128xf32, #tpu.memory_space<vmem_shared>>) target(%dma_start3A_244 : memref<16x128xf32, #tpu.memory_space<vmem>>) offsets(%dma_start3A_247 : memref<16xi32, #tpu.memory_space<vmem>>) semaphore(%dma_start3A_252 : memref<!tpu.dma_semaphore, #tpu.memory_space<semaphore_mem>>)
        } else {
        }
        %mul3A_156 = arith.constant 16 : i32
        %mul3A_157 = arith.muli %while3A_135, %mul3A_156 : i32
        %sub3A_158 = arith.subi %scan3A_97, %mul3A_157 : i32
        %min3A = arith.constant 16 : i32
        %min3A_159 = arith.minsi %sub3A_158, %min3A : i32
        %jit3A_160 = arith.constant 4 : i32
        %div3A_161 = arith.divsi %min3A_159, %jit3A_160 : i32
        %sign3A_162 = arith.constant 0 : i32
        %sign3A_163 = arith.cmpi sgt, %min3A_159, %sign3A_162 : i32
        %sign3A_164 = arith.extui %sign3A_163 : i1 to i32
        %sign3A_165 = arith.constant 0 : i32
        %sign3A_166 = arith.cmpi slt, %min3A_159, %sign3A_165 : i32
        %sign3A_167 = arith.extui %sign3A_166 : i1 to i32
        %sign3A_168 = arith.subi %sign3A_164, %sign3A_167 : i32
        %sign3A_169 = arith.constant 0 : i32
        %sign3A_170 = arith.cmpi sgt, %jit3A_160, %sign3A_169 : i32
        %sign3A_171 = arith.extui %sign3A_170 : i1 to i32
        %sign3A_172 = arith.constant 0 : i32
        %sign3A_173 = arith.cmpi slt, %jit3A_160, %sign3A_172 : i32
        %sign3A_174 = arith.extui %sign3A_173 : i1 to i32
        %sign3A_175 = arith.subi %sign3A_171, %sign3A_174 : i32
        %ne3A_176 = arith.cmpi ne, %sign3A_168, %sign3A_175 : i32
        %rem3A_177 = arith.remsi %min3A_159, %jit3A_160 : i32
        %ne3A_178 = arith.constant 0 : i32
        %ne3A_179 = arith.cmpi ne, %rem3A_177, %ne3A_178 : i32
        %and3A_180 = arith.andi %ne3A_176, %ne3A_179 : i1
        %sub3A_181 = arith.constant 1 : i32
        %sub3A_182 = arith.subi %div3A_161, %sub3A_181 : i32
        %select_n3A_183 = arith.select %and3A_180, %sub3A_182, %div3A_161 : i32
        %while3A_184 = arith.constant 0 : i32
        %while3A_185 = arith.constant 0 : i32
        %while3A_186 = arith.subi %select_n3A_183, %while3A_185 : i32
        %while3A_187 = arith.addi %while3A_185, %while3A_186 : i32
        %while3A_188 = arith.constant 1 : i32
        %while3A_189 = arith.divsi %while3A_186, %while3A_188 : i32
        %while3A_190 = arith.muli %while3A_189, %while3A_188 : i32
        %while3A_191 = arith.addi %while3A_185, %while3A_190 : i32
        %while3A_192 = arith.constant 1 : i32
        scf.for %while3A_229 = %while3A_185 to %while3A_191 step %while3A_192  : i32 {
          %mul3A_230 = arith.constant 4 : i32
          %mul3A_231 = arith.muli %while3A_229, %mul3A_230 : i32
          %add3A_232 = arith.addi %mul3A_157, %mul3A_231 : i32
          %get3A = arith.index_cast %add3A_232 : i32 to index
          %get3A_233 = tpu.vector_load %arg9[%get3A] {strides = array<i32>} : memref<816xi32, #tpu.memory_space<vmem>>, vector<16xi32>,
          %slice3A = vector.extract_strided_slice %get3A_233 {offsets = [0], sizes = [1], strides = [1]} : vector<16xi32> to vector<1xi32>
          %squeeze3A = vector.extract %slice3A[0] : i32 from vector<1xi32>
          %and3A_234 = arith.constant 511 : i32
          %and3A_235 = arith.andi %squeeze3A, %and3A_234 : i32
          %slice3A_236 = vector.extract_strided_slice %get3A_233 {offsets = [1], sizes = [1], strides = [1]} : vector<16xi32> to vector<1xi32>
          %squeeze3A_237 = vector.extract %slice3A_236[0] : i32 from vector<1xi32>
          %and3A_238 = arith.constant 511 : i32
          %and3A_239 = arith.andi %squeeze3A_237, %and3A_238 : i32
          %slice3A_240 = vector.extract_strided_slice %get3A_233 {offsets = [2], sizes = [1], strides = [1]} : vector<16xi32> to vector<1xi32>
          %squeeze3A_241 = vector.extract %slice3A_240[0] : i32 from vector<1xi32>
          %and3A_242 = arith.constant 511 : i32
          %and3A_243 = arith.andi %squeeze3A_241, %and3A_242 : i32
          %slice3A_244 = vector.extract_strided_slice %get3A_233 {offsets = [3], sizes = [1], strides = [1]} : vector<16xi32> to vector<1xi32>
          %squeeze3A_245 = vector.extract %slice3A_244[0] : i32 from vector<1xi32>
          %and3A_246 = arith.constant 511 : i32
          %and3A_247 = arith.andi %squeeze3A_245, %and3A_246 : i32
          %mul3A_248 = arith.constant 128 : i32
          %mul3A_249 = arith.muli %and3A_235, %mul3A_248 : i32
          %add3A_250 = arith.constant 0 : i32
          %add3A_251 = arith.addi %mul3A_249, %add3A_250 : i32
          %get3A_252 = arith.index_cast %add3A_251 : i32 to index
          %get3A_253 = tpu.vector_load %arg6[%get3A_252] {strides = array<i32>} : memref<40960xf32, #tpu.memory_space<vmem>>, vector<16xf32>,
          %add3A_254 = arith.constant 0 : i32
          %add3A_255 = arith.addi %mul3A_231, %add3A_254 : i32
          %get3A_256 = arith.index_cast %and3A_137 : i32 to index
          %get3A_257 = arith.index_cast %add3A_255 : i32 to index
          %get3A_258 = arith.constant 0 : index
          %get3A_259 = tpu.vector_load %arg11[%get3A_256, %get3A_257, %get3A_258] {strides = array<i32>} : memref<2x16x128xf32, #tpu.memory_space<vmem>>, vector<16xf32>,
          %max3A = arith.maximumf %get3A_253, %get3A_259 : vector<16xf32>
          %swap3A = arith.index_cast %add3A_251 : i32 to index
          %swap3A_260 = tpu.vector_load %arg6[%swap3A] {strides = array<i32>} : memref<40960xf32, #tpu.memory_space<vmem>>, vector<16xf32>,
          tpu.vector_store %arg6[%swap3A], %max3A {strides = array<i32>} : memref<40960xf32, #tpu.memory_space<vmem>>, vector<16xf32>,
          %mul3A_261 = arith.constant 128 : i32
          %mul3A_262 = arith.muli %and3A_239, %mul3A_261 : i32
          %add3A_263 = arith.constant 0 : i32
          %add3A_264 = arith.addi %mul3A_262, %add3A_263 : i32
          %get3A_265 = arith.index_cast %add3A_264 : i32 to index
          %get3A_266 = tpu.vector_load %arg6[%get3A_265] {strides = array<i32>} : memref<40960xf32, #tpu.memory_space<vmem>>, vector<16xf32>,
          %add3A_267 = arith.constant 1 : i32
          %add3A_268 = arith.addi %mul3A_231, %add3A_267 : i32
          %get3A_269 = arith.index_cast %and3A_137 : i32 to index
          %get3A_270 = arith.index_cast %add3A_268 : i32 to index
          %get3A_271 = arith.constant 0 : index
          %get3A_272 = tpu.vector_load %arg11[%get3A_269, %get3A_270, %get3A_271] {strides = array<i32>} : memref<2x16x128xf32, #tpu.memory_space<vmem>>, vector<16xf32>,
          %max3A_273 = arith.maximumf %get3A_266, %get3A_272 : vector<16xf32>
          %swap3A_274 = arith.index_cast %add3A_264 : i32 to index
          %swap3A_275 = tpu.vector_load %arg6[%swap3A_274] {strides = array<i32>} : memref<40960xf32, #tpu.memory_space<vmem>>, vector<16xf32>,
          tpu.vector_store %arg6[%swap3A_274], %max3A_273 {strides = array<i32>} : memref<40960xf32, #tpu.memory_space<vmem>>, vector<16xf32>,
          %mul3A_276 = arith.constant 128 : i32
          %mul3A_277 = arith.muli %and3A_243, %mul3A_276 : i32
          %add3A_278 = arith.constant 0 : i32
          %add3A_279 = arith.addi %mul3A_277, %add3A_278 : i32
          %get3A_280 = arith.index_cast %add3A_279 : i32 to index
          %get3A_281 = tpu.vector_load %arg6[%get3A_280] {strides = array<i32>} : memref<40960xf32, #tpu.memory_space<vmem>>, vector<16xf32>,
          %add3A_282 = arith.constant 2 : i32
          %add3A_283 = arith.addi %mul3A_231, %add3A_282 : i32
          %get3A_284 = arith.index_cast %and3A_137 : i32 to index
          %get3A_285 = arith.index_cast %add3A_283 : i32 to index
          %get3A_286 = arith.constant 0 : index
          %get3A_287 = tpu.vector_load %arg11[%get3A_284, %get3A_285, %get3A_286] {strides = array<i32>} : memref<2x16x128xf32, #tpu.memory_space<vmem>>, vector<16xf32>,
          %max3A_288 = arith.maximumf %get3A_281, %get3A_287 : vector<16xf32>
          %swap3A_289 = arith.index_cast %add3A_279 : i32 to index
          %swap3A_290 = tpu.vector_load %arg6[%swap3A_289] {strides = array<i32>} : memref<40960xf32, #tpu.memory_space<vmem>>, vector<16xf32>,
          tpu.vector_store %arg6[%swap3A_289], %max3A_288 {strides = array<i32>} : memref<40960xf32, #tpu.memory_space<vmem>>, vector<16xf32>,
          %mul3A_291 = arith.constant 128 : i32
          %mul3A_292 = arith.muli %and3A_247, %mul3A_291 : i32
          %add3A_293 = arith.constant 0 : i32
          %add3A_294 = arith.addi %mul3A_292, %add3A_293 : i32
          %get3A_295 = arith.index_cast %add3A_294 : i32 to index
          %get3A_296 = tpu.vector_load %arg6[%get3A_295] {strides = array<i32>} : memref<40960xf32, #tpu.memory_space<vmem>>, vector<16xf32>,
          %add3A_297 = arith.constant 3 : i32
          %add3A_298 = arith.addi %mul3A_231, %add3A_297 : i32
          %get3A_299 = arith.index_cast %and3A_137 : i32 to index
          %get3A_300 = arith.index_cast %add3A_298 : i32 to index
          %get3A_301 = arith.constant 0 : index
          %get3A_302 = tpu.vector_load %arg11[%get3A_299, %get3A_300, %get3A_301] {strides = array<i32>} : memref<2x16x128xf32, #tpu.memory_space<vmem>>, vector<16xf32>,
          %max3A_303 = arith.maximumf %get3A_296, %get3A_302 : vector<16xf32>
          %swap3A_304 = arith.index_cast %add3A_294 : i32 to index
          %swap3A_305 = tpu.vector_load %arg6[%swap3A_304] {strides = array<i32>} : memref<40960xf32, #tpu.memory_space<vmem>>, vector<16xf32>,
          tpu.vector_store %arg6[%swap3A_304], %max3A_303 {strides = array<i32>} : memref<40960xf32, #tpu.memory_space<vmem>>, vector<16xf32>,
          %mul3A_306 = arith.constant 128 : i32
          %mul3A_307 = arith.muli %and3A_235, %mul3A_306 : i32
          %add3A_308 = arith.constant 16 : i32
          %add3A_309 = arith.addi %mul3A_307, %add3A_308 : i32
          %get3A_310 = arith.index_cast %add3A_309 : i32 to index
          %get3A_311 = tpu.vector_load %arg6[%get3A_310] {strides = array<i32>} : memref<40960xf32, #tpu.memory_space<vmem>>, vector<16xf32>,
          %add3A_312 = arith.constant 0 : i32
          %add3A_313 = arith.addi %mul3A_231, %add3A_312 : i32
          %get3A_314 = arith.index_cast %and3A_137 : i32 to index
          %get3A_315 = arith.index_cast %add3A_313 : i32 to index
          %get3A_316 = arith.constant 16 : index
          %get3A_317 = tpu.vector_load %arg11[%get3A_314, %get3A_315, %get3A_316] {strides = array<i32>} : memref<2x16x128xf32, #tpu.memory_space<vmem>>, vector<16xf32>,
          %max3A_318 = arith.maximumf %get3A_311, %get3A_317 : vector<16xf32>
          %swap3A_319 = arith.index_cast %add3A_309 : i32 to index
          %swap3A_320 = tpu.vector_load %arg6[%swap3A_319] {strides = array<i32>} : memref<40960xf32, #tpu.memory_space<vmem>>, vector<16xf32>,
          tpu.vector_store %arg6[%swap3A_319], %max3A_318 {strides = array<i32>} : memref<40960xf32, #tpu.memory_space<vmem>>, vector<16xf32>,
          %mul3A_321 = arith.constant 128 : i32
          %mul3A_322 = arith.muli %and3A_239, %mul3A_321 : i32
          %add3A_323 = arith.constant 16 : i32
          %add3A_324 = arith.addi %mul3A_322, %add3A_323 : i32
          %get3A_325 = arith.index_cast %add3A_324 : i32 to index
          %get3A_326 = tpu.vector_load %arg6[%get3A_325] {strides = array<i32>} : memref<40960xf32, #tpu.memory_space<vmem>>, vector<16xf32>,
          %add3A_327 = arith.constant 1 : i32
          %add3A_328 = arith.addi %mul3A_231, %add3A_327 : i32
          %get3A_329 = arith.index_cast %and3A_137 : i32 to index
          %get3A_330 = arith.index_cast %add3A_328 : i32 to index
          %get3A_331 = arith.constant 16 : index
          %get3A_332 = tpu.vector_load %arg11[%get3A_329, %get3A_330, %get3A_331] {strides = array<i32>} : memref<2x16x128xf32, #tpu.memory_space<vmem>>, vector<16xf32>,
          %max3A_333 = arith.maximumf %get3A_326, %get3A_332 : vector<16xf32>
          %swap3A_334 = arith.index_cast %add3A_324 : i32 to index
          %swap3A_335 = tpu.vector_load %arg6[%swap3A_334] {strides = array<i32>} : memref<40960xf32, #tpu.memory_space<vmem>>, vector<16xf32>,
          tpu.vector_store %arg6[%swap3A_334], %max3A_333 {strides = array<i32>} : memref<40960xf32, #tpu.memory_space<vmem>>, vector<16xf32>,
          %mul3A_336 = arith.constant 128 : i32
          %mul3A_337 = arith.muli %and3A_243, %mul3A_336 : i32
          %add3A_338 = arith.constant 16 : i32
          %add3A_339 = arith.addi %mul3A_337, %add3A_338 : i32
          %get3A_340 = arith.index_cast %add3A_339 : i32 to index
          %get3A_341 = tpu.vector_load %arg6[%get3A_340] {strides = array<i32>} : memref<40960xf32, #tpu.memory_space<vmem>>, vector<16xf32>,
          %add3A_342 = arith.constant 2 : i32
          %add3A_343 = arith.addi %mul3A_231, %add3A_342 : i32
          %get3A_344 = arith.index_cast %and3A_137 : i32 to index
          %get3A_345 = arith.index_cast %add3A_343 : i32 to index
          %get3A_346 = arith.constant 16 : index
          %get3A_347 = tpu.vector_load %arg11[%get3A_344, %get3A_345, %get3A_346] {strides = array<i32>} : memref<2x16x128xf32, #tpu.memory_space<vmem>>, vector<16xf32>,
          %max3A_348 = arith.maximumf %get3A_341, %get3A_347 : vector<16xf32>
          %swap3A_349 = arith.index_cast %add3A_339 : i32 to index
          %swap3A_350 = tpu.vector_load %arg6[%swap3A_349] {strides = array<i32>} : memref<40960xf32, #tpu.memory_space<vmem>>, vector<16xf32>,
          tpu.vector_store %arg6[%swap3A_349], %max3A_348 {strides = array<i32>} : memref<40960xf32, #tpu.memory_space<vmem>>, vector<16xf32>,
          %mul3A_351 = arith.constant 128 : i32
          %mul3A_352 = arith.muli %and3A_247, %mul3A_351 : i32
          %add3A_353 = arith.constant 16 : i32
          %add3A_354 = arith.addi %mul3A_352, %add3A_353 : i32
          %get3A_355 = arith.index_cast %add3A_354 : i32 to index
          %get3A_356 = tpu.vector_load %arg6[%get3A_355] {strides = array<i32>} : memref<40960xf32, #tpu.memory_space<vmem>>, vector<16xf32>,
          %add3A_357 = arith.constant 3 : i32
          %add3A_358 = arith.addi %mul3A_231, %add3A_357 : i32
          %get3A_359 = arith.index_cast %and3A_137 : i32 to index
          %get3A_360 = arith.index_cast %add3A_358 : i32 to index
          %get3A_361 = arith.constant 16 : index
          %get3A_362 = tpu.vector_load %arg11[%get3A_359, %get3A_360, %get3A_361] {strides = array<i32>} : memref<2x16x128xf32, #tpu.memory_space<vmem>>, vector<16xf32>,
          %max3A_363 = arith.maximumf %get3A_356, %get3A_362 : vector<16xf32>
          %swap3A_364 = arith.index_cast %add3A_354 : i32 to index
          %swap3A_365 = tpu.vector_load %arg6[%swap3A_364] {strides = array<i32>} : memref<40960xf32, #tpu.memory_space<vmem>>, vector<16xf32>,
          tpu.vector_store %arg6[%swap3A_364], %max3A_363 {strides = array<i32>} : memref<40960xf32, #tpu.memory_space<vmem>>, vector<16xf32>,
          %mul3A_366 = arith.constant 128 : i32
          %mul3A_367 = arith.muli %and3A_235, %mul3A_366 : i32
          %add3A_368 = arith.constant 32 : i32
          %add3A_369 = arith.addi %mul3A_367, %add3A_368 : i32
          %get3A_370 = arith.index_cast %add3A_369 : i32 to index
          %get3A_371 = tpu.vector_load %arg6[%get3A_370] {strides = array<i32>} : memref<40960xf32, #tpu.memory_space<vmem>>, vector<16xf32>,
          %add3A_372 = arith.constant 0 : i32
          %add3A_373 = arith.addi %mul3A_231, %add3A_372 : i32
          %get3A_374 = arith.index_cast %and3A_137 : i32 to index
          %get3A_375 = arith.index_cast %add3A_373 : i32 to index
          %get3A_376 = arith.constant 32 : index
          %get3A_377 = tpu.vector_load %arg11[%get3A_374, %get3A_375, %get3A_376] {strides = array<i32>} : memref<2x16x128xf32, #tpu.memory_space<vmem>>, vector<16xf32>,
          %max3A_378 = arith.maximumf %get3A_371, %get3A_377 : vector<16xf32>
          %swap3A_379 = arith.index_cast %add3A_369 : i32 to index
          %swap3A_380 = tpu.vector_load %arg6[%swap3A_379] {strides = array<i32>} : memref<40960xf32, #tpu.memory_space<vmem>>, vector<16xf32>,
          tpu.vector_store %arg6[%swap3A_379], %max3A_378 {strides = array<i32>} : memref<40960xf32, #tpu.memory_space<vmem>>, vector<16xf32>,
          %mul3A_381 = arith.constant 128 : i32
          %mul3A_382 = arith.muli %and3A_239, %mul3A_381 : i32
          %add3A_383 = arith.constant 32 : i32
          %add3A_384 = arith.addi %mul3A_382, %add3A_383 : i32
          %get3A_385 = arith.index_cast %add3A_384 : i32 to index
          %get3A_386 = tpu.vector_load %arg6[%get3A_385] {strides = array<i32>} : memref<40960xf32, #tpu.memory_space<vmem>>, vector<16xf32>,
          %add3A_387 = arith.constant 1 : i32
          %add3A_388 = arith.addi %mul3A_231, %add3A_387 : i32
          %get3A_389 = arith.index_cast %and3A_137 : i32 to index
          %get3A_390 = arith.index_cast %add3A_388 : i32 to index
          %get3A_391 = arith.constant 32 : index
          %get3A_392 = tpu.vector_load %arg11[%get3A_389, %get3A_390, %get3A_391] {strides = array<i32>} : memref<2x16x128xf32, #tpu.memory_space<vmem>>, vector<16xf32>,
          %max3A_393 = arith.maximumf %get3A_386, %get3A_392 : vector<16xf32>
          %swap3A_394 = arith.index_cast %add3A_384 : i32 to index
          %swap3A_395 = tpu.vector_load %arg6[%swap3A_394] {strides = array<i32>} : memref<40960xf32, #tpu.memory_space<vmem>>, vector<16xf32>,
          tpu.vector_store %arg6[%swap3A_394], %max3A_393 {strides = array<i32>} : memref<40960xf32, #tpu.memory_space<vmem>>, vector<16xf32>,
          %mul3A_396 = arith.constant 128 : i32
          %mul3A_397 = arith.muli %and3A_243, %mul3A_396 : i32
          %add3A_398 = arith.constant 32 : i32
          %add3A_399 = arith.addi %mul3A_397, %add3A_398 : i32
          %get3A_400 = arith.index_cast %add3A_399 : i32 to index
          %get3A_401 = tpu.vector_load %arg6[%get3A_400] {strides = array<i32>} : memref<40960xf32, #tpu.memory_space<vmem>>, vector<16xf32>,
          %add3A_402 = arith.constant 2 : i32
          %add3A_403 = arith.addi %mul3A_231, %add3A_402 : i32
          %get3A_404 = arith.index_cast %and3A_137 : i32 to index
          %get3A_405 = arith.index_cast %add3A_403 : i32 to index
          %get3A_406 = arith.constant 32 : index
          %get3A_407 = tpu.vector_load %arg11[%get3A_404, %get3A_405, %get3A_406] {strides = array<i32>} : memref<2x16x128xf32, #tpu.memory_space<vmem>>, vector<16xf32>,
          %max3A_408 = arith.maximumf %get3A_401, %get3A_407 : vector<16xf32>
          %swap3A_409 = arith.index_cast %add3A_399 : i32 to index
          %swap3A_410 = tpu.vector_load %arg6[%swap3A_409] {strides = array<i32>} : memref<40960xf32, #tpu.memory_space<vmem>>, vector<16xf32>,
          tpu.vector_store %arg6[%swap3A_409], %max3A_408 {strides = array<i32>} : memref<40960xf32, #tpu.memory_space<vmem>>, vector<16xf32>,
          %mul3A_411 = arith.constant 128 : i32
          %mul3A_412 = arith.muli %and3A_247, %mul3A_411 : i32
          %add3A_413 = arith.constant 32 : i32
          %add3A_414 = arith.addi %mul3A_412, %add3A_413 : i32
          %get3A_415 = arith.index_cast %add3A_414 : i32 to index
          %get3A_416 = tpu.vector_load %arg6[%get3A_415] {strides = array<i32>} : memref<40960xf32, #tpu.memory_space<vmem>>, vector<16xf32>,
          %add3A_417 = arith.constant 3 : i32
          %add3A_418 = arith.addi %mul3A_231, %add3A_417 : i32
          %get3A_419 = arith.index_cast %and3A_137 : i32 to index
          %get3A_420 = arith.index_cast %add3A_418 : i32 to index
          %get3A_421 = arith.constant 32 : index
          %get3A_422 = tpu.vector_load %arg11[%get3A_419, %get3A_420, %get3A_421] {strides = array<i32>} : memref<2x16x128xf32, #tpu.memory_space<vmem>>, vector<16xf32>,
          %max3A_423 = arith.maximumf %get3A_416, %get3A_422 : vector<16xf32>
          %swap3A_424 = arith.index_cast %add3A_414 : i32 to index
          %swap3A_425 = tpu.vector_load %arg6[%swap3A_424] {strides = array<i32>} : memref<40960xf32, #tpu.memory_space<vmem>>, vector<16xf32>,
          tpu.vector_store %arg6[%swap3A_424], %max3A_423 {strides = array<i32>} : memref<40960xf32, #tpu.memory_space<vmem>>, vector<16xf32>,
          %mul3A_426 = arith.constant 128 : i32
          %mul3A_427 = arith.muli %and3A_235, %mul3A_426 : i32
          %add3A_428 = arith.constant 48 : i32
          %add3A_429 = arith.addi %mul3A_427, %add3A_428 : i32
          %get3A_430 = arith.index_cast %add3A_429 : i32 to index
          %get3A_431 = tpu.vector_load %arg6[%get3A_430] {strides = array<i32>} : memref<40960xf32, #tpu.memory_space<vmem>>, vector<16xf32>,
          %add3A_432 = arith.constant 0 : i32
          %add3A_433 = arith.addi %mul3A_231, %add3A_432 : i32
          %get3A_434 = arith.index_cast %and3A_137 : i32 to index
          %get3A_435 = arith.index_cast %add3A_433 : i32 to index
          %get3A_436 = arith.constant 48 : index
          %get3A_437 = tpu.vector_load %arg11[%get3A_434, %get3A_435, %get3A_436] {strides = array<i32>} : memref<2x16x128xf32, #tpu.memory_space<vmem>>, vector<16xf32>,
          %max3A_438 = arith.maximumf %get3A_431, %get3A_437 : vector<16xf32>
          %swap3A_439 = arith.index_cast %add3A_429 : i32 to index
          %swap3A_440 = tpu.vector_load %arg6[%swap3A_439] {strides = array<i32>} : memref<40960xf32, #tpu.memory_space<vmem>>, vector<16xf32>,
          tpu.vector_store %arg6[%swap3A_439], %max3A_438 {strides = array<i32>} : memref<40960xf32, #tpu.memory_space<vmem>>, vector<16xf32>,
          %mul3A_441 = arith.constant 128 : i32
          %mul3A_442 = arith.muli %and3A_239, %mul3A_441 : i32
          %add3A_443 = arith.constant 48 : i32
          %add3A_444 = arith.addi %mul3A_442, %add3A_443 : i32
          %get3A_445 = arith.index_cast %add3A_444 : i32 to index
          %get3A_446 = tpu.vector_load %arg6[%get3A_445] {strides = array<i32>} : memref<40960xf32, #tpu.memory_space<vmem>>, vector<16xf32>,
          %add3A_447 = arith.constant 1 : i32
          %add3A_448 = arith.addi %mul3A_231, %add3A_447 : i32
          %get3A_449 = arith.index_cast %and3A_137 : i32 to index
          %get3A_450 = arith.index_cast %add3A_448 : i32 to index
          %get3A_451 = arith.constant 48 : index
          %get3A_452 = tpu.vector_load %arg11[%get3A_449, %get3A_450, %get3A_451] {strides = array<i32>} : memref<2x16x128xf32, #tpu.memory_space<vmem>>, vector<16xf32>,
          %max3A_453 = arith.maximumf %get3A_446, %get3A_452 : vector<16xf32>
          %swap3A_454 = arith.index_cast %add3A_444 : i32 to index
          %swap3A_455 = tpu.vector_load %arg6[%swap3A_454] {strides = array<i32>} : memref<40960xf32, #tpu.memory_space<vmem>>, vector<16xf32>,
          tpu.vector_store %arg6[%swap3A_454], %max3A_453 {strides = array<i32>} : memref<40960xf32, #tpu.memory_space<vmem>>, vector<16xf32>,
          %mul3A_456 = arith.constant 128 : i32
          %mul3A_457 = arith.muli %and3A_243, %mul3A_456 : i32
          %add3A_458 = arith.constant 48 : i32
          %add3A_459 = arith.addi %mul3A_457, %add3A_458 : i32
          %get3A_460 = arith.index_cast %add3A_459 : i32 to index
          %get3A_461 = tpu.vector_load %arg6[%get3A_460] {strides = array<i32>} : memref<40960xf32, #tpu.memory_space<vmem>>, vector<16xf32>,
          %add3A_462 = arith.constant 2 : i32
          %add3A_463 = arith.addi %mul3A_231, %add3A_462 : i32
          %get3A_464 = arith.index_cast %and3A_137 : i32 to index
          %get3A_465 = arith.index_cast %add3A_463 : i32 to index
          %get3A_466 = arith.constant 48 : index
          %get3A_467 = tpu.vector_load %arg11[%get3A_464, %get3A_465, %get3A_466] {strides = array<i32>} : memref<2x16x128xf32, #tpu.memory_space<vmem>>, vector<16xf32>,
          %max3A_468 = arith.maximumf %get3A_461, %get3A_467 : vector<16xf32>
          %swap3A_469 = arith.index_cast %add3A_459 : i32 to index
          %swap3A_470 = tpu.vector_load %arg6[%swap3A_469] {strides = array<i32>} : memref<40960xf32, #tpu.memory_space<vmem>>, vector<16xf32>,
          tpu.vector_store %arg6[%swap3A_469], %max3A_468 {strides = array<i32>} : memref<40960xf32, #tpu.memory_space<vmem>>, vector<16xf32>,
          %mul3A_471 = arith.constant 128 : i32
          %mul3A_472 = arith.muli %and3A_247, %mul3A_471 : i32
          %add3A_473 = arith.constant 48 : i32
          %add3A_474 = arith.addi %mul3A_472, %add3A_473 : i32
          %get3A_475 = arith.index_cast %add3A_474 : i32 to index
          %get3A_476 = tpu.vector_load %arg6[%get3A_475] {strides = array<i32>} : memref<40960xf32, #tpu.memory_space<vmem>>, vector<16xf32>,
          %add3A_477 = arith.constant 3 : i32
          %add3A_478 = arith.addi %mul3A_231, %add3A_477 : i32
          %get3A_479 = arith.index_cast %and3A_137 : i32 to index
          %get3A_480 = arith.index_cast %add3A_478 : i32 to index
          %get3A_481 = arith.constant 48 : index
          %get3A_482 = tpu.vector_load %arg11[%get3A_479, %get3A_480, %get3A_481] {strides = array<i32>} : memref<2x16x128xf32, #tpu.memory_space<vmem>>, vector<16xf32>,
          %max3A_483 = arith.maximumf %get3A_476, %get3A_482 : vector<16xf32>
          %swap3A_484 = arith.index_cast %add3A_474 : i32 to index
          %swap3A_485 = tpu.vector_load %arg6[%swap3A_484] {strides = array<i32>} : memref<40960xf32, #tpu.memory_space<vmem>>, vector<16xf32>,
          tpu.vector_store %arg6[%swap3A_484], %max3A_483 {strides = array<i32>} : memref<40960xf32, #tpu.memory_space<vmem>>, vector<16xf32>,
          %mul3A_486 = arith.constant 128 : i32
          %mul3A_487 = arith.muli %and3A_235, %mul3A_486 : i32
          %add3A_488 = arith.constant 64 : i32
          %add3A_489 = arith.addi %mul3A_487, %add3A_488 : i32
          %get3A_490 = arith.index_cast %add3A_489 : i32 to index
          %get3A_491 = tpu.vector_load %arg6[%get3A_490] {strides = array<i32>} : memref<40960xf32, #tpu.memory_space<vmem>>, vector<16xf32>,
          %add3A_492 = arith.constant 0 : i32
          %add3A_493 = arith.addi %mul3A_231, %add3A_492 : i32
          %get3A_494 = arith.index_cast %and3A_137 : i32 to index
          %get3A_495 = arith.index_cast %add3A_493 : i32 to index
          %get3A_496 = arith.constant 64 : index
          %get3A_497 = tpu.vector_load %arg11[%get3A_494, %get3A_495, %get3A_496] {strides = array<i32>} : memref<2x16x128xf32, #tpu.memory_space<vmem>>, vector<16xf32>,
          %max3A_498 = arith.maximumf %get3A_491, %get3A_497 : vector<16xf32>
          %swap3A_499 = arith.index_cast %add3A_489 : i32 to index
          %swap3A_500 = tpu.vector_load %arg6[%swap3A_499] {strides = array<i32>} : memref<40960xf32, #tpu.memory_space<vmem>>, vector<16xf32>,
          tpu.vector_store %arg6[%swap3A_499], %max3A_498 {strides = array<i32>} : memref<40960xf32, #tpu.memory_space<vmem>>, vector<16xf32>,
          %mul3A_501 = arith.constant 128 : i32
          %mul3A_502 = arith.muli %and3A_239, %mul3A_501 : i32
          %add3A_503 = arith.constant 64 : i32
          %add3A_504 = arith.addi %mul3A_502, %add3A_503 : i32
          %get3A_505 = arith.index_cast %add3A_504 : i32 to index
          %get3A_506 = tpu.vector_load %arg6[%get3A_505] {strides = array<i32>} : memref<40960xf32, #tpu.memory_space<vmem>>, vector<16xf32>,
          %add3A_507 = arith.constant 1 : i32
          %add3A_508 = arith.addi %mul3A_231, %add3A_507 : i32
          %get3A_509 = arith.index_cast %and3A_137 : i32 to index
          %get3A_510 = arith.index_cast %add3A_508 : i32 to index
          %get3A_511 = arith.constant 64 : index
          %get3A_512 = tpu.vector_load %arg11[%get3A_509, %get3A_510, %get3A_511] {strides = array<i32>} : memref<2x16x128xf32, #tpu.memory_space<vmem>>, vector<16xf32>,
          %max3A_513 = arith.maximumf %get3A_506, %get3A_512 : vector<16xf32>
          %swap3A_514 = arith.index_cast %add3A_504 : i32 to index
          %swap3A_515 = tpu.vector_load %arg6[%swap3A_514] {strides = array<i32>} : memref<40960xf32, #tpu.memory_space<vmem>>, vector<16xf32>,
          tpu.vector_store %arg6[%swap3A_514], %max3A_513 {strides = array<i32>} : memref<40960xf32, #tpu.memory_space<vmem>>, vector<16xf32>,
          %mul3A_516 = arith.constant 128 : i32
          %mul3A_517 = arith.muli %and3A_243, %mul3A_516 : i32
          %add3A_518 = arith.constant 64 : i32
          %add3A_519 = arith.addi %mul3A_517, %add3A_518 : i32
          %get3A_520 = arith.index_cast %add3A_519 : i32 to index
          %get3A_521 = tpu.vector_load %arg6[%get3A_520] {strides = array<i32>} : memref<40960xf32, #tpu.memory_space<vmem>>, vector<16xf32>,
          %add3A_522 = arith.constant 2 : i32
          %add3A_523 = arith.addi %mul3A_231, %add3A_522 : i32
          %get3A_524 = arith.index_cast %and3A_137 : i32 to index
          %get3A_525 = arith.index_cast %add3A_523 : i32 to index
          %get3A_526 = arith.constant 64 : index
          %get3A_527 = tpu.vector_load %arg11[%get3A_524, %get3A_525, %get3A_526] {strides = array<i32>} : memref<2x16x128xf32, #tpu.memory_space<vmem>>, vector<16xf32>,
          %max3A_528 = arith.maximumf %get3A_521, %get3A_527 : vector<16xf32>
          %swap3A_529 = arith.index_cast %add3A_519 : i32 to index
          %swap3A_530 = tpu.vector_load %arg6[%swap3A_529] {strides = array<i32>} : memref<40960xf32, #tpu.memory_space<vmem>>, vector<16xf32>,
          tpu.vector_store %arg6[%swap3A_529], %max3A_528 {strides = array<i32>} : memref<40960xf32, #tpu.memory_space<vmem>>, vector<16xf32>,
          %mul3A_531 = arith.constant 128 : i32
          %mul3A_532 = arith.muli %and3A_247, %mul3A_531 : i32
          %add3A_533 = arith.constant 64 : i32
          %add3A_534 = arith.addi %mul3A_532, %add3A_533 : i32
          %get3A_535 = arith.index_cast %add3A_534 : i32 to index
          %get3A_536 = tpu.vector_load %arg6[%get3A_535] {strides = array<i32>} : memref<40960xf32, #tpu.memory_space<vmem>>, vector<16xf32>,
          %add3A_537 = arith.constant 3 : i32
          %add3A_538 = arith.addi %mul3A_231, %add3A_537 : i32
          %get3A_539 = arith.index_cast %and3A_137 : i32 to index
          %get3A_540 = arith.index_cast %add3A_538 : i32 to index
          %get3A_541 = arith.constant 64 : index
          %get3A_542 = tpu.vector_load %arg11[%get3A_539, %get3A_540, %get3A_541] {strides = array<i32>} : memref<2x16x128xf32, #tpu.memory_space<vmem>>, vector<16xf32>,
          %max3A_543 = arith.maximumf %get3A_536, %get3A_542 : vector<16xf32>
          %swap3A_544 = arith.index_cast %add3A_534 : i32 to index
          %swap3A_545 = tpu.vector_load %arg6[%swap3A_544] {strides = array<i32>} : memref<40960xf32, #tpu.memory_space<vmem>>, vector<16xf32>,
          tpu.vector_store %arg6[%swap3A_544], %max3A_543 {strides = array<i32>} : memref<40960xf32, #tpu.memory_space<vmem>>, vector<16xf32>,
          %mul3A_546 = arith.constant 128 : i32
          %mul3A_547 = arith.muli %and3A_235, %mul3A_546 : i32
          %add3A_548 = arith.constant 80 : i32
          %add3A_549 = arith.addi %mul3A_547, %add3A_548 : i32
          %get3A_550 = arith.index_cast %add3A_549 : i32 to index
          %get3A_551 = tpu.vector_load %arg6[%get3A_550] {strides = array<i32>} : memref<40960xf32, #tpu.memory_space<vmem>>, vector<16xf32>,
          %add3A_552 = arith.constant 0 : i32
          %add3A_553 = arith.addi %mul3A_231, %add3A_552 : i32
          %get3A_554 = arith.index_cast %and3A_137 : i32 to index
          %get3A_555 = arith.index_cast %add3A_553 : i32 to index
          %get3A_556 = arith.constant 80 : index
          %get3A_557 = tpu.vector_load %arg11[%get3A_554, %get3A_555, %get3A_556] {strides = array<i32>} : memref<2x16x128xf32, #tpu.memory_space<vmem>>, vector<16xf32>,
          %max3A_558 = arith.maximumf %get3A_551, %get3A_557 : vector<16xf32>
          %swap3A_559 = arith.index_cast %add3A_549 : i32 to index
          %swap3A_560 = tpu.vector_load %arg6[%swap3A_559] {strides = array<i32>} : memref<40960xf32, #tpu.memory_space<vmem>>, vector<16xf32>,
          tpu.vector_store %arg6[%swap3A_559], %max3A_558 {strides = array<i32>} : memref<40960xf32, #tpu.memory_space<vmem>>, vector<16xf32>,
          %mul3A_561 = arith.constant 128 : i32
          %mul3A_562 = arith.muli %and3A_239, %mul3A_561 : i32
          %add3A_563 = arith.constant 80 : i32
          %add3A_564 = arith.addi %mul3A_562, %add3A_563 : i32
          %get3A_565 = arith.index_cast %add3A_564 : i32 to index
          %get3A_566 = tpu.vector_load %arg6[%get3A_565] {strides = array<i32>} : memref<40960xf32, #tpu.memory_space<vmem>>, vector<16xf32>,
          %add3A_567 = arith.constant 1 : i32
          %add3A_568 = arith.addi %mul3A_231, %add3A_567 : i32
          %get3A_569 = arith.index_cast %and3A_137 : i32 to index
          %get3A_570 = arith.index_cast %add3A_568 : i32 to index
          %get3A_571 = arith.constant 80 : index
          %get3A_572 = tpu.vector_load %arg11[%get3A_569, %get3A_570, %get3A_571] {strides = array<i32>} : memref<2x16x128xf32, #tpu.memory_space<vmem>>, vector<16xf32>,
          %max3A_573 = arith.maximumf %get3A_566, %get3A_572 : vector<16xf32>
          %swap3A_574 = arith.index_cast %add3A_564 : i32 to index
          %swap3A_575 = tpu.vector_load %arg6[%swap3A_574] {strides = array<i32>} : memref<40960xf32, #tpu.memory_space<vmem>>, vector<16xf32>,
          tpu.vector_store %arg6[%swap3A_574], %max3A_573 {strides = array<i32>} : memref<40960xf32, #tpu.memory_space<vmem>>, vector<16xf32>,
          %mul3A_576 = arith.constant 128 : i32
          %mul3A_577 = arith.muli %and3A_243, %mul3A_576 : i32
          %add3A_578 = arith.constant 80 : i32
          %add3A_579 = arith.addi %mul3A_577, %add3A_578 : i32
          %get3A_580 = arith.index_cast %add3A_579 : i32 to index
          %get3A_581 = tpu.vector_load %arg6[%get3A_580] {strides = array<i32>} : memref<40960xf32, #tpu.memory_space<vmem>>, vector<16xf32>,
          %add3A_582 = arith.constant 2 : i32
          %add3A_583 = arith.addi %mul3A_231, %add3A_582 : i32
          %get3A_584 = arith.index_cast %and3A_137 : i32 to index
          %get3A_585 = arith.index_cast %add3A_583 : i32 to index
          %get3A_586 = arith.constant 80 : index
          %get3A_587 = tpu.vector_load %arg11[%get3A_584, %get3A_585, %get3A_586] {strides = array<i32>} : memref<2x16x128xf32, #tpu.memory_space<vmem>>, vector<16xf32>,
          %max3A_588 = arith.maximumf %get3A_581, %get3A_587 : vector<16xf32>
          %swap3A_589 = arith.index_cast %add3A_579 : i32 to index
          %swap3A_590 = tpu.vector_load %arg6[%swap3A_589] {strides = array<i32>} : memref<40960xf32, #tpu.memory_space<vmem>>, vector<16xf32>,
          tpu.vector_store %arg6[%swap3A_589], %max3A_588 {strides = array<i32>} : memref<40960xf32, #tpu.memory_space<vmem>>, vector<16xf32>,
          %mul3A_591 = arith.constant 128 : i32
          %mul3A_592 = arith.muli %and3A_247, %mul3A_591 : i32
          %add3A_593 = arith.constant 80 : i32
          %add3A_594 = arith.addi %mul3A_592, %add3A_593 : i32
          %get3A_595 = arith.index_cast %add3A_594 : i32 to index
          %get3A_596 = tpu.vector_load %arg6[%get3A_595] {strides = array<i32>} : memref<40960xf32, #tpu.memory_space<vmem>>, vector<16xf32>,
          %add3A_597 = arith.constant 3 : i32
          %add3A_598 = arith.addi %mul3A_231, %add3A_597 : i32
          %get3A_599 = arith.index_cast %and3A_137 : i32 to index
          %get3A_600 = arith.index_cast %add3A_598 : i32 to index
          %get3A_601 = arith.constant 80 : index
          %get3A_602 = tpu.vector_load %arg11[%get3A_599, %get3A_600, %get3A_601] {strides = array<i32>} : memref<2x16x128xf32, #tpu.memory_space<vmem>>, vector<16xf32>,
          %max3A_603 = arith.maximumf %get3A_596, %get3A_602 : vector<16xf32>
          %swap3A_604 = arith.index_cast %add3A_594 : i32 to index
          %swap3A_605 = tpu.vector_load %arg6[%swap3A_604] {strides = array<i32>} : memref<40960xf32, #tpu.memory_space<vmem>>, vector<16xf32>,
          tpu.vector_store %arg6[%swap3A_604], %max3A_603 {strides = array<i32>} : memref<40960xf32, #tpu.memory_space<vmem>>, vector<16xf32>,
          %mul3A_606 = arith.constant 128 : i32
          %mul3A_607 = arith.muli %and3A_235, %mul3A_606 : i32
          %add3A_608 = arith.constant 96 : i32
          %add3A_609 = arith.addi %mul3A_607, %add3A_608 : i32
          %get3A_610 = arith.index_cast %add3A_609 : i32 to index
          %get3A_611 = tpu.vector_load %arg6[%get3A_610] {strides = array<i32>} : memref<40960xf32, #tpu.memory_space<vmem>>, vector<16xf32>,
          %add3A_612 = arith.constant 0 : i32
          %add3A_613 = arith.addi %mul3A_231, %add3A_612 : i32
          %get3A_614 = arith.index_cast %and3A_137 : i32 to index
          %get3A_615 = arith.index_cast %add3A_613 : i32 to index
          %get3A_616 = arith.constant 96 : index
          %get3A_617 = tpu.vector_load %arg11[%get3A_614, %get3A_615, %get3A_616] {strides = array<i32>} : memref<2x16x128xf32, #tpu.memory_space<vmem>>, vector<16xf32>,
          %max3A_618 = arith.maximumf %get3A_611, %get3A_617 : vector<16xf32>
          %swap3A_619 = arith.index_cast %add3A_609 : i32 to index
          %swap3A_620 = tpu.vector_load %arg6[%swap3A_619] {strides = array<i32>} : memref<40960xf32, #tpu.memory_space<vmem>>, vector<16xf32>,
          tpu.vector_store %arg6[%swap3A_619], %max3A_618 {strides = array<i32>} : memref<40960xf32, #tpu.memory_space<vmem>>, vector<16xf32>,
          %mul3A_621 = arith.constant 128 : i32
          %mul3A_622 = arith.muli %and3A_239, %mul3A_621 : i32
          %add3A_623 = arith.constant 96 : i32
          %add3A_624 = arith.addi %mul3A_622, %add3A_623 : i32
          %get3A_625 = arith.index_cast %add3A_624 : i32 to index
          %get3A_626 = tpu.vector_load %arg6[%get3A_625] {strides = array<i32>} : memref<40960xf32, #tpu.memory_space<vmem>>, vector<16xf32>,
          %add3A_627 = arith.constant 1 : i32
          %add3A_628 = arith.addi %mul3A_231, %add3A_627 : i32
          %get3A_629 = arith.index_cast %and3A_137 : i32 to index
          %get3A_630 = arith.index_cast %add3A_628 : i32 to index
          %get3A_631 = arith.constant 96 : index
          %get3A_632 = tpu.vector_load %arg11[%get3A_629, %get3A_630, %get3A_631] {strides = array<i32>} : memref<2x16x128xf32, #tpu.memory_space<vmem>>, vector<16xf32>,
          %max3A_633 = arith.maximumf %get3A_626, %get3A_632 : vector<16xf32>
          %swap3A_634 = arith.index_cast %add3A_624 : i32 to index
          %swap3A_635 = tpu.vector_load %arg6[%swap3A_634] {strides = array<i32>} : memref<40960xf32, #tpu.memory_space<vmem>>, vector<16xf32>,
          tpu.vector_store %arg6[%swap3A_634], %max3A_633 {strides = array<i32>} : memref<40960xf32, #tpu.memory_space<vmem>>, vector<16xf32>,
          %mul3A_636 = arith.constant 128 : i32
          %mul3A_637 = arith.muli %and3A_243, %mul3A_636 : i32
          %add3A_638 = arith.constant 96 : i32
          %add3A_639 = arith.addi %mul3A_637, %add3A_638 : i32
          %get3A_640 = arith.index_cast %add3A_639 : i32 to index
          %get3A_641 = tpu.vector_load %arg6[%get3A_640] {strides = array<i32>} : memref<40960xf32, #tpu.memory_space<vmem>>, vector<16xf32>,
          %add3A_642 = arith.constant 2 : i32
          %add3A_643 = arith.addi %mul3A_231, %add3A_642 : i32
          %get3A_644 = arith.index_cast %and3A_137 : i32 to index
          %get3A_645 = arith.index_cast %add3A_643 : i32 to index
          %get3A_646 = arith.constant 96 : index
          %get3A_647 = tpu.vector_load %arg11[%get3A_644, %get3A_645, %get3A_646] {strides = array<i32>} : memref<2x16x128xf32, #tpu.memory_space<vmem>>, vector<16xf32>,
          %max3A_648 = arith.maximumf %get3A_641, %get3A_647 : vector<16xf32>
          %swap3A_649 = arith.index_cast %add3A_639 : i32 to index
          %swap3A_650 = tpu.vector_load %arg6[%swap3A_649] {strides = array<i32>} : memref<40960xf32, #tpu.memory_space<vmem>>, vector<16xf32>,
          tpu.vector_store %arg6[%swap3A_649], %max3A_648 {strides = array<i32>} : memref<40960xf32, #tpu.memory_space<vmem>>, vector<16xf32>,
          %mul3A_651 = arith.constant 128 : i32
          %mul3A_652 = arith.muli %and3A_247, %mul3A_651 : i32
          %add3A_653 = arith.constant 96 : i32
          %add3A_654 = arith.addi %mul3A_652, %add3A_653 : i32
          %get3A_655 = arith.index_cast %add3A_654 : i32 to index
          %get3A_656 = tpu.vector_load %arg6[%get3A_655] {strides = array<i32>} : memref<40960xf32, #tpu.memory_space<vmem>>, vector<16xf32>,
          %add3A_657 = arith.constant 3 : i32
          %add3A_658 = arith.addi %mul3A_231, %add3A_657 : i32
          %get3A_659 = arith.index_cast %and3A_137 : i32 to index
          %get3A_660 = arith.index_cast %add3A_658 : i32 to index
          %get3A_661 = arith.constant 96 : index
          %get3A_662 = tpu.vector_load %arg11[%get3A_659, %get3A_660, %get3A_661] {strides = array<i32>} : memref<2x16x128xf32, #tpu.memory_space<vmem>>, vector<16xf32>,
          %max3A_663 = arith.maximumf %get3A_656, %get3A_662 : vector<16xf32>
          %swap3A_664 = arith.index_cast %add3A_654 : i32 to index
          %swap3A_665 = tpu.vector_load %arg6[%swap3A_664] {strides = array<i32>} : memref<40960xf32, #tpu.memory_space<vmem>>, vector<16xf32>,
          tpu.vector_store %arg6[%swap3A_664], %max3A_663 {strides = array<i32>} : memref<40960xf32, #tpu.memory_space<vmem>>, vector<16xf32>,
          %mul3A_666 = arith.constant 128 : i32
          %mul3A_667 = arith.muli %and3A_235, %mul3A_666 : i32
          %add3A_668 = arith.constant 112 : i32
          %add3A_669 = arith.addi %mul3A_667, %add3A_668 : i32
          %get3A_670 = arith.index_cast %add3A_669 : i32 to index
          %get3A_671 = tpu.vector_load %arg6[%get3A_670] {strides = array<i32>} : memref<40960xf32, #tpu.memory_space<vmem>>, vector<16xf32>,
          %add3A_672 = arith.constant 0 : i32
          %add3A_673 = arith.addi %mul3A_231, %add3A_672 : i32
          %get3A_674 = arith.index_cast %and3A_137 : i32 to index
          %get3A_675 = arith.index_cast %add3A_673 : i32 to index
          %get3A_676 = arith.constant 112 : index
          %get3A_677 = tpu.vector_load %arg11[%get3A_674, %get3A_675, %get3A_676] {strides = array<i32>} : memref<2x16x128xf32, #tpu.memory_space<vmem>>, vector<16xf32>,
          %max3A_678 = arith.maximumf %get3A_671, %get3A_677 : vector<16xf32>
          %swap3A_679 = arith.index_cast %add3A_669 : i32 to index
          %swap3A_680 = tpu.vector_load %arg6[%swap3A_679] {strides = array<i32>} : memref<40960xf32, #tpu.memory_space<vmem>>, vector<16xf32>,
          tpu.vector_store %arg6[%swap3A_679], %max3A_678 {strides = array<i32>} : memref<40960xf32, #tpu.memory_space<vmem>>, vector<16xf32>,
          %mul3A_681 = arith.constant 128 : i32
          %mul3A_682 = arith.muli %and3A_239, %mul3A_681 : i32
          %add3A_683 = arith.constant 112 : i32
          %add3A_684 = arith.addi %mul3A_682, %add3A_683 : i32
          %get3A_685 = arith.index_cast %add3A_684 : i32 to index
          %get3A_686 = tpu.vector_load %arg6[%get3A_685] {strides = array<i32>} : memref<40960xf32, #tpu.memory_space<vmem>>, vector<16xf32>,
          %add3A_687 = arith.constant 1 : i32
          %add3A_688 = arith.addi %mul3A_231, %add3A_687 : i32
          %get3A_689 = arith.index_cast %and3A_137 : i32 to index
          %get3A_690 = arith.index_cast %add3A_688 : i32 to index
          %get3A_691 = arith.constant 112 : index
          %get3A_692 = tpu.vector_load %arg11[%get3A_689, %get3A_690, %get3A_691] {strides = array<i32>} : memref<2x16x128xf32, #tpu.memory_space<vmem>>, vector<16xf32>,
          %max3A_693 = arith.maximumf %get3A_686, %get3A_692 : vector<16xf32>
          %swap3A_694 = arith.index_cast %add3A_684 : i32 to index
          %swap3A_695 = tpu.vector_load %arg6[%swap3A_694] {strides = array<i32>} : memref<40960xf32, #tpu.memory_space<vmem>>, vector<16xf32>,
          tpu.vector_store %arg6[%swap3A_694], %max3A_693 {strides = array<i32>} : memref<40960xf32, #tpu.memory_space<vmem>>, vector<16xf32>,
          %mul3A_696 = arith.constant 128 : i32
          %mul3A_697 = arith.muli %and3A_243, %mul3A_696 : i32
          %add3A_698 = arith.constant 112 : i32
          %add3A_699 = arith.addi %mul3A_697, %add3A_698 : i32
          %get3A_700 = arith.index_cast %add3A_699 : i32 to index
          %get3A_701 = tpu.vector_load %arg6[%get3A_700] {strides = array<i32>} : memref<40960xf32, #tpu.memory_space<vmem>>, vector<16xf32>,
          %add3A_702 = arith.constant 2 : i32
          %add3A_703 = arith.addi %mul3A_231, %add3A_702 : i32
          %get3A_704 = arith.index_cast %and3A_137 : i32 to index
          %get3A_705 = arith.index_cast %add3A_703 : i32 to index
          %get3A_706 = arith.constant 112 : index
          %get3A_707 = tpu.vector_load %arg11[%get3A_704, %get3A_705, %get3A_706] {strides = array<i32>} : memref<2x16x128xf32, #tpu.memory_space<vmem>>, vector<16xf32>,
          %max3A_708 = arith.maximumf %get3A_701, %get3A_707 : vector<16xf32>
          %swap3A_709 = arith.index_cast %add3A_699 : i32 to index
          %swap3A_710 = tpu.vector_load %arg6[%swap3A_709] {strides = array<i32>} : memref<40960xf32, #tpu.memory_space<vmem>>, vector<16xf32>,
          tpu.vector_store %arg6[%swap3A_709], %max3A_708 {strides = array<i32>} : memref<40960xf32, #tpu.memory_space<vmem>>, vector<16xf32>,
          %mul3A_711 = arith.constant 128 : i32
          %mul3A_712 = arith.muli %and3A_247, %mul3A_711 : i32
          %add3A_713 = arith.constant 112 : i32
          %add3A_714 = arith.addi %mul3A_712, %add3A_713 : i32
          %get3A_715 = arith.index_cast %add3A_714 : i32 to index
          %get3A_716 = tpu.vector_load %arg6[%get3A_715] {strides = array<i32>} : memref<40960xf32, #tpu.memory_space<vmem>>, vector<16xf32>,
          %add3A_717 = arith.constant 3 : i32
          %add3A_718 = arith.addi %mul3A_231, %add3A_717 : i32
          %get3A_719 = arith.index_cast %and3A_137 : i32 to index
          %get3A_720 = arith.index_cast %add3A_718 : i32 to index
          %get3A_721 = arith.constant 112 : index
          %get3A_722 = tpu.vector_load %arg11[%get3A_719, %get3A_720, %get3A_721] {strides = array<i32>} : memref<2x16x128xf32, #tpu.memory_space<vmem>>, vector<16xf32>,
          %max3A_723 = arith.maximumf %get3A_716, %get3A_722 : vector<16xf32>
          %swap3A_724 = arith.index_cast %add3A_714 : i32 to index
          %swap3A_725 = tpu.vector_load %arg6[%swap3A_724] {strides = array<i32>} : memref<40960xf32, #tpu.memory_space<vmem>>, vector<16xf32>,
          tpu.vector_store %arg6[%swap3A_724], %max3A_723 {strides = array<i32>} : memref<40960xf32, #tpu.memory_space<vmem>>, vector<16xf32>,
        }
        %while3A_193 = arith.constant 1 : i32
        scf.for %while3A_229 = %while3A_191 to %while3A_187 step %while3A_193  : i32 {
          %mul3A_230 = arith.constant 4 : i32
          %mul3A_231 = arith.muli %while3A_229, %mul3A_230 : i32
          %add3A_232 = arith.addi %mul3A_157, %mul3A_231 : i32
          %get3A = arith.index_cast %add3A_232 : i32 to index
          %get3A_233 = tpu.vector_load %arg9[%get3A] {strides = array<i32>} : memref<816xi32, #tpu.memory_space<vmem>>, vector<16xi32>,
          %slice3A = vector.extract_strided_slice %get3A_233 {offsets = [0], sizes = [1], strides = [1]} : vector<16xi32> to vector<1xi32>
          %squeeze3A = vector.extract %slice3A[0] : i32 from vector<1xi32>
          %and3A_234 = arith.constant 511 : i32
          %and3A_235 = arith.andi %squeeze3A, %and3A_234 : i32
          %slice3A_236 = vector.extract_strided_slice %get3A_233 {offsets = [1], sizes = [1], strides = [1]} : vector<16xi32> to vector<1xi32>
          %squeeze3A_237 = vector.extract %slice3A_236[0] : i32 from vector<1xi32>
          %and3A_238 = arith.constant 511 : i32
          %and3A_239 = arith.andi %squeeze3A_237, %and3A_238 : i32
          %slice3A_240 = vector.extract_strided_slice %get3A_233 {offsets = [2], sizes = [1], strides = [1]} : vector<16xi32> to vector<1xi32>
          %squeeze3A_241 = vector.extract %slice3A_240[0] : i32 from vector<1xi32>
          %and3A_242 = arith.constant 511 : i32
          %and3A_243 = arith.andi %squeeze3A_241, %and3A_242 : i32
          %slice3A_244 = vector.extract_strided_slice %get3A_233 {offsets = [3], sizes = [1], strides = [1]} : vector<16xi32> to vector<1xi32>
          %squeeze3A_245 = vector.extract %slice3A_244[0] : i32 from vector<1xi32>
          %and3A_246 = arith.constant 511 : i32
          %and3A_247 = arith.andi %squeeze3A_245, %and3A_246 : i32
          %mul3A_248 = arith.constant 128 : i32
          %mul3A_249 = arith.muli %and3A_235, %mul3A_248 : i32
          %add3A_250 = arith.constant 0 : i32
          %add3A_251 = arith.addi %mul3A_249, %add3A_250 : i32
          %get3A_252 = arith.index_cast %add3A_251 : i32 to index
          %get3A_253 = tpu.vector_load %arg6[%get3A_252] {strides = array<i32>} : memref<40960xf32, #tpu.memory_space<vmem>>, vector<16xf32>,
          %add3A_254 = arith.constant 0 : i32
          %add3A_255 = arith.addi %mul3A_231, %add3A_254 : i32
          %get3A_256 = arith.index_cast %and3A_137 : i32 to index
          %get3A_257 = arith.index_cast %add3A_255 : i32 to index
          %get3A_258 = arith.constant 0 : index
          %get3A_259 = tpu.vector_load %arg11[%get3A_256, %get3A_257, %get3A_258] {strides = array<i32>} : memref<2x16x128xf32, #tpu.memory_space<vmem>>, vector<16xf32>,
          %max3A = arith.maximumf %get3A_253, %get3A_259 : vector<16xf32>
          %swap3A = arith.index_cast %add3A_251 : i32 to index
          %swap3A_260 = tpu.vector_load %arg6[%swap3A] {strides = array<i32>} : memref<40960xf32, #tpu.memory_space<vmem>>, vector<16xf32>,
          tpu.vector_store %arg6[%swap3A], %max3A {strides = array<i32>} : memref<40960xf32, #tpu.memory_space<vmem>>, vector<16xf32>,
          %mul3A_261 = arith.constant 128 : i32
          %mul3A_262 = arith.muli %and3A_239, %mul3A_261 : i32
          %add3A_263 = arith.constant 0 : i32
          %add3A_264 = arith.addi %mul3A_262, %add3A_263 : i32
          %get3A_265 = arith.index_cast %add3A_264 : i32 to index
          %get3A_266 = tpu.vector_load %arg6[%get3A_265] {strides = array<i32>} : memref<40960xf32, #tpu.memory_space<vmem>>, vector<16xf32>,
          %add3A_267 = arith.constant 1 : i32
          %add3A_268 = arith.addi %mul3A_231, %add3A_267 : i32
          %get3A_269 = arith.index_cast %and3A_137 : i32 to index
          %get3A_270 = arith.index_cast %add3A_268 : i32 to index
          %get3A_271 = arith.constant 0 : index
          %get3A_272 = tpu.vector_load %arg11[%get3A_269, %get3A_270, %get3A_271] {strides = array<i32>} : memref<2x16x128xf32, #tpu.memory_space<vmem>>, vector<16xf32>,
          %max3A_273 = arith.maximumf %get3A_266, %get3A_272 : vector<16xf32>
          %swap3A_274 = arith.index_cast %add3A_264 : i32 to index
          %swap3A_275 = tpu.vector_load %arg6[%swap3A_274] {strides = array<i32>} : memref<40960xf32, #tpu.memory_space<vmem>>, vector<16xf32>,
          tpu.vector_store %arg6[%swap3A_274], %max3A_273 {strides = array<i32>} : memref<40960xf32, #tpu.memory_space<vmem>>, vector<16xf32>,
          %mul3A_276 = arith.constant 128 : i32
          %mul3A_277 = arith.muli %and3A_243, %mul3A_276 : i32
          %add3A_278 = arith.constant 0 : i32
          %add3A_279 = arith.addi %mul3A_277, %add3A_278 : i32
          %get3A_280 = arith.index_cast %add3A_279 : i32 to index
          %get3A_281 = tpu.vector_load %arg6[%get3A_280] {strides = array<i32>} : memref<40960xf32, #tpu.memory_space<vmem>>, vector<16xf32>,
          %add3A_282 = arith.constant 2 : i32
          %add3A_283 = arith.addi %mul3A_231, %add3A_282 : i32
          %get3A_284 = arith.index_cast %and3A_137 : i32 to index
          %get3A_285 = arith.index_cast %add3A_283 : i32 to index
          %get3A_286 = arith.constant 0 : index
          %get3A_287 = tpu.vector_load %arg11[%get3A_284, %get3A_285, %get3A_286] {strides = array<i32>} : memref<2x16x128xf32, #tpu.memory_space<vmem>>, vector<16xf32>,
          %max3A_288 = arith.maximumf %get3A_281, %get3A_287 : vector<16xf32>
          %swap3A_289 = arith.index_cast %add3A_279 : i32 to index
          %swap3A_290 = tpu.vector_load %arg6[%swap3A_289] {strides = array<i32>} : memref<40960xf32, #tpu.memory_space<vmem>>, vector<16xf32>,
          tpu.vector_store %arg6[%swap3A_289], %max3A_288 {strides = array<i32>} : memref<40960xf32, #tpu.memory_space<vmem>>, vector<16xf32>,
          %mul3A_291 = arith.constant 128 : i32
          %mul3A_292 = arith.muli %and3A_247, %mul3A_291 : i32
          %add3A_293 = arith.constant 0 : i32
          %add3A_294 = arith.addi %mul3A_292, %add3A_293 : i32
          %get3A_295 = arith.index_cast %add3A_294 : i32 to index
          %get3A_296 = tpu.vector_load %arg6[%get3A_295] {strides = array<i32>} : memref<40960xf32, #tpu.memory_space<vmem>>, vector<16xf32>,
          %add3A_297 = arith.constant 3 : i32
          %add3A_298 = arith.addi %mul3A_231, %add3A_297 : i32
          %get3A_299 = arith.index_cast %and3A_137 : i32 to index
          %get3A_300 = arith.index_cast %add3A_298 : i32 to index
          %get3A_301 = arith.constant 0 : index
          %get3A_302 = tpu.vector_load %arg11[%get3A_299, %get3A_300, %get3A_301] {strides = array<i32>} : memref<2x16x128xf32, #tpu.memory_space<vmem>>, vector<16xf32>,
          %max3A_303 = arith.maximumf %get3A_296, %get3A_302 : vector<16xf32>
          %swap3A_304 = arith.index_cast %add3A_294 : i32 to index
          %swap3A_305 = tpu.vector_load %arg6[%swap3A_304] {strides = array<i32>} : memref<40960xf32, #tpu.memory_space<vmem>>, vector<16xf32>,
          tpu.vector_store %arg6[%swap3A_304], %max3A_303 {strides = array<i32>} : memref<40960xf32, #tpu.memory_space<vmem>>, vector<16xf32>,
          %mul3A_306 = arith.constant 128 : i32
          %mul3A_307 = arith.muli %and3A_235, %mul3A_306 : i32
          %add3A_308 = arith.constant 16 : i32
          %add3A_309 = arith.addi %mul3A_307, %add3A_308 : i32
          %get3A_310 = arith.index_cast %add3A_309 : i32 to index
          %get3A_311 = tpu.vector_load %arg6[%get3A_310] {strides = array<i32>} : memref<40960xf32, #tpu.memory_space<vmem>>, vector<16xf32>,
          %add3A_312 = arith.constant 0 : i32
          %add3A_313 = arith.addi %mul3A_231, %add3A_312 : i32
          %get3A_314 = arith.index_cast %and3A_137 : i32 to index
          %get3A_315 = arith.index_cast %add3A_313 : i32 to index
          %get3A_316 = arith.constant 16 : index
          %get3A_317 = tpu.vector_load %arg11[%get3A_314, %get3A_315, %get3A_316] {strides = array<i32>} : memref<2x16x128xf32, #tpu.memory_space<vmem>>, vector<16xf32>,
          %max3A_318 = arith.maximumf %get3A_311, %get3A_317 : vector<16xf32>
          %swap3A_319 = arith.index_cast %add3A_309 : i32 to index
          %swap3A_320 = tpu.vector_load %arg6[%swap3A_319] {strides = array<i32>} : memref<40960xf32, #tpu.memory_space<vmem>>, vector<16xf32>,
          tpu.vector_store %arg6[%swap3A_319], %max3A_318 {strides = array<i32>} : memref<40960xf32, #tpu.memory_space<vmem>>, vector<16xf32>,
          %mul3A_321 = arith.constant 128 : i32
          %mul3A_322 = arith.muli %and3A_239, %mul3A_321 : i32
          %add3A_323 = arith.constant 16 : i32
          %add3A_324 = arith.addi %mul3A_322, %add3A_323 : i32
          %get3A_325 = arith.index_cast %add3A_324 : i32 to index
          %get3A_326 = tpu.vector_load %arg6[%get3A_325] {strides = array<i32>} : memref<40960xf32, #tpu.memory_space<vmem>>, vector<16xf32>,
          %add3A_327 = arith.constant 1 : i32
          %add3A_328 = arith.addi %mul3A_231, %add3A_327 : i32
          %get3A_329 = arith.index_cast %and3A_137 : i32 to index
          %get3A_330 = arith.index_cast %add3A_328 : i32 to index
          %get3A_331 = arith.constant 16 : index
          %get3A_332 = tpu.vector_load %arg11[%get3A_329, %get3A_330, %get3A_331] {strides = array<i32>} : memref<2x16x128xf32, #tpu.memory_space<vmem>>, vector<16xf32>,
          %max3A_333 = arith.maximumf %get3A_326, %get3A_332 : vector<16xf32>
          %swap3A_334 = arith.index_cast %add3A_324 : i32 to index
          %swap3A_335 = tpu.vector_load %arg6[%swap3A_334] {strides = array<i32>} : memref<40960xf32, #tpu.memory_space<vmem>>, vector<16xf32>,
          tpu.vector_store %arg6[%swap3A_334], %max3A_333 {strides = array<i32>} : memref<40960xf32, #tpu.memory_space<vmem>>, vector<16xf32>,
          %mul3A_336 = arith.constant 128 : i32
          %mul3A_337 = arith.muli %and3A_243, %mul3A_336 : i32
          %add3A_338 = arith.constant 16 : i32
          %add3A_339 = arith.addi %mul3A_337, %add3A_338 : i32
          %get3A_340 = arith.index_cast %add3A_339 : i32 to index
          %get3A_341 = tpu.vector_load %arg6[%get3A_340] {strides = array<i32>} : memref<40960xf32, #tpu.memory_space<vmem>>, vector<16xf32>,
          %add3A_342 = arith.constant 2 : i32
          %add3A_343 = arith.addi %mul3A_231, %add3A_342 : i32
          %get3A_344 = arith.index_cast %and3A_137 : i32 to index
          %get3A_345 = arith.index_cast %add3A_343 : i32 to index
          %get3A_346 = arith.constant 16 : index
          %get3A_347 = tpu.vector_load %arg11[%get3A_344, %get3A_345, %get3A_346] {strides = array<i32>} : memref<2x16x128xf32, #tpu.memory_space<vmem>>, vector<16xf32>,
          %max3A_348 = arith.maximumf %get3A_341, %get3A_347 : vector<16xf32>
          %swap3A_349 = arith.index_cast %add3A_339 : i32 to index
          %swap3A_350 = tpu.vector_load %arg6[%swap3A_349] {strides = array<i32>} : memref<40960xf32, #tpu.memory_space<vmem>>, vector<16xf32>,
          tpu.vector_store %arg6[%swap3A_349], %max3A_348 {strides = array<i32>} : memref<40960xf32, #tpu.memory_space<vmem>>, vector<16xf32>,
          %mul3A_351 = arith.constant 128 : i32
          %mul3A_352 = arith.muli %and3A_247, %mul3A_351 : i32
          %add3A_353 = arith.constant 16 : i32
          %add3A_354 = arith.addi %mul3A_352, %add3A_353 : i32
          %get3A_355 = arith.index_cast %add3A_354 : i32 to index
          %get3A_356 = tpu.vector_load %arg6[%get3A_355] {strides = array<i32>} : memref<40960xf32, #tpu.memory_space<vmem>>, vector<16xf32>,
          %add3A_357 = arith.constant 3 : i32
          %add3A_358 = arith.addi %mul3A_231, %add3A_357 : i32
          %get3A_359 = arith.index_cast %and3A_137 : i32 to index
          %get3A_360 = arith.index_cast %add3A_358 : i32 to index
          %get3A_361 = arith.constant 16 : index
          %get3A_362 = tpu.vector_load %arg11[%get3A_359, %get3A_360, %get3A_361] {strides = array<i32>} : memref<2x16x128xf32, #tpu.memory_space<vmem>>, vector<16xf32>,
          %max3A_363 = arith.maximumf %get3A_356, %get3A_362 : vector<16xf32>
          %swap3A_364 = arith.index_cast %add3A_354 : i32 to index
          %swap3A_365 = tpu.vector_load %arg6[%swap3A_364] {strides = array<i32>} : memref<40960xf32, #tpu.memory_space<vmem>>, vector<16xf32>,
          tpu.vector_store %arg6[%swap3A_364], %max3A_363 {strides = array<i32>} : memref<40960xf32, #tpu.memory_space<vmem>>, vector<16xf32>,
          %mul3A_366 = arith.constant 128 : i32
          %mul3A_367 = arith.muli %and3A_235, %mul3A_366 : i32
          %add3A_368 = arith.constant 32 : i32
          %add3A_369 = arith.addi %mul3A_367, %add3A_368 : i32
          %get3A_370 = arith.index_cast %add3A_369 : i32 to index
          %get3A_371 = tpu.vector_load %arg6[%get3A_370] {strides = array<i32>} : memref<40960xf32, #tpu.memory_space<vmem>>, vector<16xf32>,
          %add3A_372 = arith.constant 0 : i32
          %add3A_373 = arith.addi %mul3A_231, %add3A_372 : i32
          %get3A_374 = arith.index_cast %and3A_137 : i32 to index
          %get3A_375 = arith.index_cast %add3A_373 : i32 to index
          %get3A_376 = arith.constant 32 : index
          %get3A_377 = tpu.vector_load %arg11[%get3A_374, %get3A_375, %get3A_376] {strides = array<i32>} : memref<2x16x128xf32, #tpu.memory_space<vmem>>, vector<16xf32>,
          %max3A_378 = arith.maximumf %get3A_371, %get3A_377 : vector<16xf32>
          %swap3A_379 = arith.index_cast %add3A_369 : i32 to index
          %swap3A_380 = tpu.vector_load %arg6[%swap3A_379] {strides = array<i32>} : memref<40960xf32, #tpu.memory_space<vmem>>, vector<16xf32>,
          tpu.vector_store %arg6[%swap3A_379], %max3A_378 {strides = array<i32>} : memref<40960xf32, #tpu.memory_space<vmem>>, vector<16xf32>,
          %mul3A_381 = arith.constant 128 : i32
          %mul3A_382 = arith.muli %and3A_239, %mul3A_381 : i32
          %add3A_383 = arith.constant 32 : i32
          %add3A_384 = arith.addi %mul3A_382, %add3A_383 : i32
          %get3A_385 = arith.index_cast %add3A_384 : i32 to index
          %get3A_386 = tpu.vector_load %arg6[%get3A_385] {strides = array<i32>} : memref<40960xf32, #tpu.memory_space<vmem>>, vector<16xf32>,
          %add3A_387 = arith.constant 1 : i32
          %add3A_388 = arith.addi %mul3A_231, %add3A_387 : i32
          %get3A_389 = arith.index_cast %and3A_137 : i32 to index
          %get3A_390 = arith.index_cast %add3A_388 : i32 to index
          %get3A_391 = arith.constant 32 : index
          %get3A_392 = tpu.vector_load %arg11[%get3A_389, %get3A_390, %get3A_391] {strides = array<i32>} : memref<2x16x128xf32, #tpu.memory_space<vmem>>, vector<16xf32>,
          %max3A_393 = arith.maximumf %get3A_386, %get3A_392 : vector<16xf32>
          %swap3A_394 = arith.index_cast %add3A_384 : i32 to index
          %swap3A_395 = tpu.vector_load %arg6[%swap3A_394] {strides = array<i32>} : memref<40960xf32, #tpu.memory_space<vmem>>, vector<16xf32>,
          tpu.vector_store %arg6[%swap3A_394], %max3A_393 {strides = array<i32>} : memref<40960xf32, #tpu.memory_space<vmem>>, vector<16xf32>,
          %mul3A_396 = arith.constant 128 : i32
          %mul3A_397 = arith.muli %and3A_243, %mul3A_396 : i32
          %add3A_398 = arith.constant 32 : i32
          %add3A_399 = arith.addi %mul3A_397, %add3A_398 : i32
          %get3A_400 = arith.index_cast %add3A_399 : i32 to index
          %get3A_401 = tpu.vector_load %arg6[%get3A_400] {strides = array<i32>} : memref<40960xf32, #tpu.memory_space<vmem>>, vector<16xf32>,
          %add3A_402 = arith.constant 2 : i32
          %add3A_403 = arith.addi %mul3A_231, %add3A_402 : i32
          %get3A_404 = arith.index_cast %and3A_137 : i32 to index
          %get3A_405 = arith.index_cast %add3A_403 : i32 to index
          %get3A_406 = arith.constant 32 : index
          %get3A_407 = tpu.vector_load %arg11[%get3A_404, %get3A_405, %get3A_406] {strides = array<i32>} : memref<2x16x128xf32, #tpu.memory_space<vmem>>, vector<16xf32>,
          %max3A_408 = arith.maximumf %get3A_401, %get3A_407 : vector<16xf32>
          %swap3A_409 = arith.index_cast %add3A_399 : i32 to index
          %swap3A_410 = tpu.vector_load %arg6[%swap3A_409] {strides = array<i32>} : memref<40960xf32, #tpu.memory_space<vmem>>, vector<16xf32>,
          tpu.vector_store %arg6[%swap3A_409], %max3A_408 {strides = array<i32>} : memref<40960xf32, #tpu.memory_space<vmem>>, vector<16xf32>,
          %mul3A_411 = arith.constant 128 : i32
          %mul3A_412 = arith.muli %and3A_247, %mul3A_411 : i32
          %add3A_413 = arith.constant 32 : i32
          %add3A_414 = arith.addi %mul3A_412, %add3A_413 : i32
          %get3A_415 = arith.index_cast %add3A_414 : i32 to index
          %get3A_416 = tpu.vector_load %arg6[%get3A_415] {strides = array<i32>} : memref<40960xf32, #tpu.memory_space<vmem>>, vector<16xf32>,
          %add3A_417 = arith.constant 3 : i32
          %add3A_418 = arith.addi %mul3A_231, %add3A_417 : i32
          %get3A_419 = arith.index_cast %and3A_137 : i32 to index
          %get3A_420 = arith.index_cast %add3A_418 : i32 to index
          %get3A_421 = arith.constant 32 : index
          %get3A_422 = tpu.vector_load %arg11[%get3A_419, %get3A_420, %get3A_421] {strides = array<i32>} : memref<2x16x128xf32, #tpu.memory_space<vmem>>, vector<16xf32>,
          %max3A_423 = arith.maximumf %get3A_416, %get3A_422 : vector<16xf32>
          %swap3A_424 = arith.index_cast %add3A_414 : i32 to index
          %swap3A_425 = tpu.vector_load %arg6[%swap3A_424] {strides = array<i32>} : memref<40960xf32, #tpu.memory_space<vmem>>, vector<16xf32>,
          tpu.vector_store %arg6[%swap3A_424], %max3A_423 {strides = array<i32>} : memref<40960xf32, #tpu.memory_space<vmem>>, vector<16xf32>,
          %mul3A_426 = arith.constant 128 : i32
          %mul3A_427 = arith.muli %and3A_235, %mul3A_426 : i32
          %add3A_428 = arith.constant 48 : i32
          %add3A_429 = arith.addi %mul3A_427, %add3A_428 : i32
          %get3A_430 = arith.index_cast %add3A_429 : i32 to index
          %get3A_431 = tpu.vector_load %arg6[%get3A_430] {strides = array<i32>} : memref<40960xf32, #tpu.memory_space<vmem>>, vector<16xf32>,
          %add3A_432 = arith.constant 0 : i32
          %add3A_433 = arith.addi %mul3A_231, %add3A_432 : i32
          %get3A_434 = arith.index_cast %and3A_137 : i32 to index
          %get3A_435 = arith.index_cast %add3A_433 : i32 to index
          %get3A_436 = arith.constant 48 : index
          %get3A_437 = tpu.vector_load %arg11[%get3A_434, %get3A_435, %get3A_436] {strides = array<i32>} : memref<2x16x128xf32, #tpu.memory_space<vmem>>, vector<16xf32>,
          %max3A_438 = arith.maximumf %get3A_431, %get3A_437 : vector<16xf32>
          %swap3A_439 = arith.index_cast %add3A_429 : i32 to index
          %swap3A_440 = tpu.vector_load %arg6[%swap3A_439] {strides = array<i32>} : memref<40960xf32, #tpu.memory_space<vmem>>, vector<16xf32>,
          tpu.vector_store %arg6[%swap3A_439], %max3A_438 {strides = array<i32>} : memref<40960xf32, #tpu.memory_space<vmem>>, vector<16xf32>,
          %mul3A_441 = arith.constant 128 : i32
          %mul3A_442 = arith.muli %and3A_239, %mul3A_441 : i32
          %add3A_443 = arith.constant 48 : i32
          %add3A_444 = arith.addi %mul3A_442, %add3A_443 : i32
          %get3A_445 = arith.index_cast %add3A_444 : i32 to index
          %get3A_446 = tpu.vector_load %arg6[%get3A_445] {strides = array<i32>} : memref<40960xf32, #tpu.memory_space<vmem>>, vector<16xf32>,
          %add3A_447 = arith.constant 1 : i32
          %add3A_448 = arith.addi %mul3A_231, %add3A_447 : i32
          %get3A_449 = arith.index_cast %and3A_137 : i32 to index
          %get3A_450 = arith.index_cast %add3A_448 : i32 to index
          %get3A_451 = arith.constant 48 : index
          %get3A_452 = tpu.vector_load %arg11[%get3A_449, %get3A_450, %get3A_451] {strides = array<i32>} : memref<2x16x128xf32, #tpu.memory_space<vmem>>, vector<16xf32>,
          %max3A_453 = arith.maximumf %get3A_446, %get3A_452 : vector<16xf32>
          %swap3A_454 = arith.index_cast %add3A_444 : i32 to index
          %swap3A_455 = tpu.vector_load %arg6[%swap3A_454] {strides = array<i32>} : memref<40960xf32, #tpu.memory_space<vmem>>, vector<16xf32>,
          tpu.vector_store %arg6[%swap3A_454], %max3A_453 {strides = array<i32>} : memref<40960xf32, #tpu.memory_space<vmem>>, vector<16xf32>,
          %mul3A_456 = arith.constant 128 : i32
          %mul3A_457 = arith.muli %and3A_243, %mul3A_456 : i32
          %add3A_458 = arith.constant 48 : i32
          %add3A_459 = arith.addi %mul3A_457, %add3A_458 : i32
          %get3A_460 = arith.index_cast %add3A_459 : i32 to index
          %get3A_461 = tpu.vector_load %arg6[%get3A_460] {strides = array<i32>} : memref<40960xf32, #tpu.memory_space<vmem>>, vector<16xf32>,
          %add3A_462 = arith.constant 2 : i32
          %add3A_463 = arith.addi %mul3A_231, %add3A_462 : i32
          %get3A_464 = arith.index_cast %and3A_137 : i32 to index
          %get3A_465 = arith.index_cast %add3A_463 : i32 to index
          %get3A_466 = arith.constant 48 : index
          %get3A_467 = tpu.vector_load %arg11[%get3A_464, %get3A_465, %get3A_466] {strides = array<i32>} : memref<2x16x128xf32, #tpu.memory_space<vmem>>, vector<16xf32>,
          %max3A_468 = arith.maximumf %get3A_461, %get3A_467 : vector<16xf32>
          %swap3A_469 = arith.index_cast %add3A_459 : i32 to index
          %swap3A_470 = tpu.vector_load %arg6[%swap3A_469] {strides = array<i32>} : memref<40960xf32, #tpu.memory_space<vmem>>, vector<16xf32>,
          tpu.vector_store %arg6[%swap3A_469], %max3A_468 {strides = array<i32>} : memref<40960xf32, #tpu.memory_space<vmem>>, vector<16xf32>,
          %mul3A_471 = arith.constant 128 : i32
          %mul3A_472 = arith.muli %and3A_247, %mul3A_471 : i32
          %add3A_473 = arith.constant 48 : i32
          %add3A_474 = arith.addi %mul3A_472, %add3A_473 : i32
          %get3A_475 = arith.index_cast %add3A_474 : i32 to index
          %get3A_476 = tpu.vector_load %arg6[%get3A_475] {strides = array<i32>} : memref<40960xf32, #tpu.memory_space<vmem>>, vector<16xf32>,
          %add3A_477 = arith.constant 3 : i32
          %add3A_478 = arith.addi %mul3A_231, %add3A_477 : i32
          %get3A_479 = arith.index_cast %and3A_137 : i32 to index
          %get3A_480 = arith.index_cast %add3A_478 : i32 to index
          %get3A_481 = arith.constant 48 : index
          %get3A_482 = tpu.vector_load %arg11[%get3A_479, %get3A_480, %get3A_481] {strides = array<i32>} : memref<2x16x128xf32, #tpu.memory_space<vmem>>, vector<16xf32>,
          %max3A_483 = arith.maximumf %get3A_476, %get3A_482 : vector<16xf32>
          %swap3A_484 = arith.index_cast %add3A_474 : i32 to index
          %swap3A_485 = tpu.vector_load %arg6[%swap3A_484] {strides = array<i32>} : memref<40960xf32, #tpu.memory_space<vmem>>, vector<16xf32>,
          tpu.vector_store %arg6[%swap3A_484], %max3A_483 {strides = array<i32>} : memref<40960xf32, #tpu.memory_space<vmem>>, vector<16xf32>,
          %mul3A_486 = arith.constant 128 : i32
          %mul3A_487 = arith.muli %and3A_235, %mul3A_486 : i32
          %add3A_488 = arith.constant 64 : i32
          %add3A_489 = arith.addi %mul3A_487, %add3A_488 : i32
          %get3A_490 = arith.index_cast %add3A_489 : i32 to index
          %get3A_491 = tpu.vector_load %arg6[%get3A_490] {strides = array<i32>} : memref<40960xf32, #tpu.memory_space<vmem>>, vector<16xf32>,
          %add3A_492 = arith.constant 0 : i32
          %add3A_493 = arith.addi %mul3A_231, %add3A_492 : i32
          %get3A_494 = arith.index_cast %and3A_137 : i32 to index
          %get3A_495 = arith.index_cast %add3A_493 : i32 to index
          %get3A_496 = arith.constant 64 : index
          %get3A_497 = tpu.vector_load %arg11[%get3A_494, %get3A_495, %get3A_496] {strides = array<i32>} : memref<2x16x128xf32, #tpu.memory_space<vmem>>, vector<16xf32>,
          %max3A_498 = arith.maximumf %get3A_491, %get3A_497 : vector<16xf32>
          %swap3A_499 = arith.index_cast %add3A_489 : i32 to index
          %swap3A_500 = tpu.vector_load %arg6[%swap3A_499] {strides = array<i32>} : memref<40960xf32, #tpu.memory_space<vmem>>, vector<16xf32>,
          tpu.vector_store %arg6[%swap3A_499], %max3A_498 {strides = array<i32>} : memref<40960xf32, #tpu.memory_space<vmem>>, vector<16xf32>,
          %mul3A_501 = arith.constant 128 : i32
          %mul3A_502 = arith.muli %and3A_239, %mul3A_501 : i32
          %add3A_503 = arith.constant 64 : i32
          %add3A_504 = arith.addi %mul3A_502, %add3A_503 : i32
          %get3A_505 = arith.index_cast %add3A_504 : i32 to index
          %get3A_506 = tpu.vector_load %arg6[%get3A_505] {strides = array<i32>} : memref<40960xf32, #tpu.memory_space<vmem>>, vector<16xf32>,
          %add3A_507 = arith.constant 1 : i32
          %add3A_508 = arith.addi %mul3A_231, %add3A_507 : i32
          %get3A_509 = arith.index_cast %and3A_137 : i32 to index
          %get3A_510 = arith.index_cast %add3A_508 : i32 to index
          %get3A_511 = arith.constant 64 : index
          %get3A_512 = tpu.vector_load %arg11[%get3A_509, %get3A_510, %get3A_511] {strides = array<i32>} : memref<2x16x128xf32, #tpu.memory_space<vmem>>, vector<16xf32>,
          %max3A_513 = arith.maximumf %get3A_506, %get3A_512 : vector<16xf32>
          %swap3A_514 = arith.index_cast %add3A_504 : i32 to index
          %swap3A_515 = tpu.vector_load %arg6[%swap3A_514] {strides = array<i32>} : memref<40960xf32, #tpu.memory_space<vmem>>, vector<16xf32>,
          tpu.vector_store %arg6[%swap3A_514], %max3A_513 {strides = array<i32>} : memref<40960xf32, #tpu.memory_space<vmem>>, vector<16xf32>,
          %mul3A_516 = arith.constant 128 : i32
          %mul3A_517 = arith.muli %and3A_243, %mul3A_516 : i32
          %add3A_518 = arith.constant 64 : i32
          %add3A_519 = arith.addi %mul3A_517, %add3A_518 : i32
          %get3A_520 = arith.index_cast %add3A_519 : i32 to index
          %get3A_521 = tpu.vector_load %arg6[%get3A_520] {strides = array<i32>} : memref<40960xf32, #tpu.memory_space<vmem>>, vector<16xf32>,
          %add3A_522 = arith.constant 2 : i32
          %add3A_523 = arith.addi %mul3A_231, %add3A_522 : i32
          %get3A_524 = arith.index_cast %and3A_137 : i32 to index
          %get3A_525 = arith.index_cast %add3A_523 : i32 to index
          %get3A_526 = arith.constant 64 : index
          %get3A_527 = tpu.vector_load %arg11[%get3A_524, %get3A_525, %get3A_526] {strides = array<i32>} : memref<2x16x128xf32, #tpu.memory_space<vmem>>, vector<16xf32>,
          %max3A_528 = arith.maximumf %get3A_521, %get3A_527 : vector<16xf32>
          %swap3A_529 = arith.index_cast %add3A_519 : i32 to index
          %swap3A_530 = tpu.vector_load %arg6[%swap3A_529] {strides = array<i32>} : memref<40960xf32, #tpu.memory_space<vmem>>, vector<16xf32>,
          tpu.vector_store %arg6[%swap3A_529], %max3A_528 {strides = array<i32>} : memref<40960xf32, #tpu.memory_space<vmem>>, vector<16xf32>,
          %mul3A_531 = arith.constant 128 : i32
          %mul3A_532 = arith.muli %and3A_247, %mul3A_531 : i32
          %add3A_533 = arith.constant 64 : i32
          %add3A_534 = arith.addi %mul3A_532, %add3A_533 : i32
          %get3A_535 = arith.index_cast %add3A_534 : i32 to index
          %get3A_536 = tpu.vector_load %arg6[%get3A_535] {strides = array<i32>} : memref<40960xf32, #tpu.memory_space<vmem>>, vector<16xf32>,
          %add3A_537 = arith.constant 3 : i32
          %add3A_538 = arith.addi %mul3A_231, %add3A_537 : i32
          %get3A_539 = arith.index_cast %and3A_137 : i32 to index
          %get3A_540 = arith.index_cast %add3A_538 : i32 to index
          %get3A_541 = arith.constant 64 : index
          %get3A_542 = tpu.vector_load %arg11[%get3A_539, %get3A_540, %get3A_541] {strides = array<i32>} : memref<2x16x128xf32, #tpu.memory_space<vmem>>, vector<16xf32>,
          %max3A_543 = arith.maximumf %get3A_536, %get3A_542 : vector<16xf32>
          %swap3A_544 = arith.index_cast %add3A_534 : i32 to index
          %swap3A_545 = tpu.vector_load %arg6[%swap3A_544] {strides = array<i32>} : memref<40960xf32, #tpu.memory_space<vmem>>, vector<16xf32>,
          tpu.vector_store %arg6[%swap3A_544], %max3A_543 {strides = array<i32>} : memref<40960xf32, #tpu.memory_space<vmem>>, vector<16xf32>,
          %mul3A_546 = arith.constant 128 : i32
          %mul3A_547 = arith.muli %and3A_235, %mul3A_546 : i32
          %add3A_548 = arith.constant 80 : i32
          %add3A_549 = arith.addi %mul3A_547, %add3A_548 : i32
          %get3A_550 = arith.index_cast %add3A_549 : i32 to index
          %get3A_551 = tpu.vector_load %arg6[%get3A_550] {strides = array<i32>} : memref<40960xf32, #tpu.memory_space<vmem>>, vector<16xf32>,
          %add3A_552 = arith.constant 0 : i32
          %add3A_553 = arith.addi %mul3A_231, %add3A_552 : i32
          %get3A_554 = arith.index_cast %and3A_137 : i32 to index
          %get3A_555 = arith.index_cast %add3A_553 : i32 to index
          %get3A_556 = arith.constant 80 : index
          %get3A_557 = tpu.vector_load %arg11[%get3A_554, %get3A_555, %get3A_556] {strides = array<i32>} : memref<2x16x128xf32, #tpu.memory_space<vmem>>, vector<16xf32>,
          %max3A_558 = arith.maximumf %get3A_551, %get3A_557 : vector<16xf32>
          %swap3A_559 = arith.index_cast %add3A_549 : i32 to index
          %swap3A_560 = tpu.vector_load %arg6[%swap3A_559] {strides = array<i32>} : memref<40960xf32, #tpu.memory_space<vmem>>, vector<16xf32>,
          tpu.vector_store %arg6[%swap3A_559], %max3A_558 {strides = array<i32>} : memref<40960xf32, #tpu.memory_space<vmem>>, vector<16xf32>,
          %mul3A_561 = arith.constant 128 : i32
          %mul3A_562 = arith.muli %and3A_239, %mul3A_561 : i32
          %add3A_563 = arith.constant 80 : i32
          %add3A_564 = arith.addi %mul3A_562, %add3A_563 : i32
          %get3A_565 = arith.index_cast %add3A_564 : i32 to index
          %get3A_566 = tpu.vector_load %arg6[%get3A_565] {strides = array<i32>} : memref<40960xf32, #tpu.memory_space<vmem>>, vector<16xf32>,
          %add3A_567 = arith.constant 1 : i32
          %add3A_568 = arith.addi %mul3A_231, %add3A_567 : i32
          %get3A_569 = arith.index_cast %and3A_137 : i32 to index
          %get3A_570 = arith.index_cast %add3A_568 : i32 to index
          %get3A_571 = arith.constant 80 : index
          %get3A_572 = tpu.vector_load %arg11[%get3A_569, %get3A_570, %get3A_571] {strides = array<i32>} : memref<2x16x128xf32, #tpu.memory_space<vmem>>, vector<16xf32>,
          %max3A_573 = arith.maximumf %get3A_566, %get3A_572 : vector<16xf32>
          %swap3A_574 = arith.index_cast %add3A_564 : i32 to index
          %swap3A_575 = tpu.vector_load %arg6[%swap3A_574] {strides = array<i32>} : memref<40960xf32, #tpu.memory_space<vmem>>, vector<16xf32>,
          tpu.vector_store %arg6[%swap3A_574], %max3A_573 {strides = array<i32>} : memref<40960xf32, #tpu.memory_space<vmem>>, vector<16xf32>,
          %mul3A_576 = arith.constant 128 : i32
          %mul3A_577 = arith.muli %and3A_243, %mul3A_576 : i32
          %add3A_578 = arith.constant 80 : i32
          %add3A_579 = arith.addi %mul3A_577, %add3A_578 : i32
          %get3A_580 = arith.index_cast %add3A_579 : i32 to index
          %get3A_581 = tpu.vector_load %arg6[%get3A_580] {strides = array<i32>} : memref<40960xf32, #tpu.memory_space<vmem>>, vector<16xf32>,
          %add3A_582 = arith.constant 2 : i32
          %add3A_583 = arith.addi %mul3A_231, %add3A_582 : i32
          %get3A_584 = arith.index_cast %and3A_137 : i32 to index
          %get3A_585 = arith.index_cast %add3A_583 : i32 to index
          %get3A_586 = arith.constant 80 : index
          %get3A_587 = tpu.vector_load %arg11[%get3A_584, %get3A_585, %get3A_586] {strides = array<i32>} : memref<2x16x128xf32, #tpu.memory_space<vmem>>, vector<16xf32>,
          %max3A_588 = arith.maximumf %get3A_581, %get3A_587 : vector<16xf32>
          %swap3A_589 = arith.index_cast %add3A_579 : i32 to index
          %swap3A_590 = tpu.vector_load %arg6[%swap3A_589] {strides = array<i32>} : memref<40960xf32, #tpu.memory_space<vmem>>, vector<16xf32>,
          tpu.vector_store %arg6[%swap3A_589], %max3A_588 {strides = array<i32>} : memref<40960xf32, #tpu.memory_space<vmem>>, vector<16xf32>,
          %mul3A_591 = arith.constant 128 : i32
          %mul3A_592 = arith.muli %and3A_247, %mul3A_591 : i32
          %add3A_593 = arith.constant 80 : i32
          %add3A_594 = arith.addi %mul3A_592, %add3A_593 : i32
          %get3A_595 = arith.index_cast %add3A_594 : i32 to index
          %get3A_596 = tpu.vector_load %arg6[%get3A_595] {strides = array<i32>} : memref<40960xf32, #tpu.memory_space<vmem>>, vector<16xf32>,
          %add3A_597 = arith.constant 3 : i32
          %add3A_598 = arith.addi %mul3A_231, %add3A_597 : i32
          %get3A_599 = arith.index_cast %and3A_137 : i32 to index
          %get3A_600 = arith.index_cast %add3A_598 : i32 to index
          %get3A_601 = arith.constant 80 : index
          %get3A_602 = tpu.vector_load %arg11[%get3A_599, %get3A_600, %get3A_601] {strides = array<i32>} : memref<2x16x128xf32, #tpu.memory_space<vmem>>, vector<16xf32>,
          %max3A_603 = arith.maximumf %get3A_596, %get3A_602 : vector<16xf32>
          %swap3A_604 = arith.index_cast %add3A_594 : i32 to index
          %swap3A_605 = tpu.vector_load %arg6[%swap3A_604] {strides = array<i32>} : memref<40960xf32, #tpu.memory_space<vmem>>, vector<16xf32>,
          tpu.vector_store %arg6[%swap3A_604], %max3A_603 {strides = array<i32>} : memref<40960xf32, #tpu.memory_space<vmem>>, vector<16xf32>,
          %mul3A_606 = arith.constant 128 : i32
          %mul3A_607 = arith.muli %and3A_235, %mul3A_606 : i32
          %add3A_608 = arith.constant 96 : i32
          %add3A_609 = arith.addi %mul3A_607, %add3A_608 : i32
          %get3A_610 = arith.index_cast %add3A_609 : i32 to index
          %get3A_611 = tpu.vector_load %arg6[%get3A_610] {strides = array<i32>} : memref<40960xf32, #tpu.memory_space<vmem>>, vector<16xf32>,
          %add3A_612 = arith.constant 0 : i32
          %add3A_613 = arith.addi %mul3A_231, %add3A_612 : i32
          %get3A_614 = arith.index_cast %and3A_137 : i32 to index
          %get3A_615 = arith.index_cast %add3A_613 : i32 to index
          %get3A_616 = arith.constant 96 : index
          %get3A_617 = tpu.vector_load %arg11[%get3A_614, %get3A_615, %get3A_616] {strides = array<i32>} : memref<2x16x128xf32, #tpu.memory_space<vmem>>, vector<16xf32>,
          %max3A_618 = arith.maximumf %get3A_611, %get3A_617 : vector<16xf32>
          %swap3A_619 = arith.index_cast %add3A_609 : i32 to index
          %swap3A_620 = tpu.vector_load %arg6[%swap3A_619] {strides = array<i32>} : memref<40960xf32, #tpu.memory_space<vmem>>, vector<16xf32>,
          tpu.vector_store %arg6[%swap3A_619], %max3A_618 {strides = array<i32>} : memref<40960xf32, #tpu.memory_space<vmem>>, vector<16xf32>,
          %mul3A_621 = arith.constant 128 : i32
          %mul3A_622 = arith.muli %and3A_239, %mul3A_621 : i32
          %add3A_623 = arith.constant 96 : i32
          %add3A_624 = arith.addi %mul3A_622, %add3A_623 : i32
          %get3A_625 = arith.index_cast %add3A_624 : i32 to index
          %get3A_626 = tpu.vector_load %arg6[%get3A_625] {strides = array<i32>} : memref<40960xf32, #tpu.memory_space<vmem>>, vector<16xf32>,
          %add3A_627 = arith.constant 1 : i32
          %add3A_628 = arith.addi %mul3A_231, %add3A_627 : i32
          %get3A_629 = arith.index_cast %and3A_137 : i32 to index
          %get3A_630 = arith.index_cast %add3A_628 : i32 to index
          %get3A_631 = arith.constant 96 : index
          %get3A_632 = tpu.vector_load %arg11[%get3A_629, %get3A_630, %get3A_631] {strides = array<i32>} : memref<2x16x128xf32, #tpu.memory_space<vmem>>, vector<16xf32>,
          %max3A_633 = arith.maximumf %get3A_626, %get3A_632 : vector<16xf32>
          %swap3A_634 = arith.index_cast %add3A_624 : i32 to index
          %swap3A_635 = tpu.vector_load %arg6[%swap3A_634] {strides = array<i32>} : memref<40960xf32, #tpu.memory_space<vmem>>, vector<16xf32>,
          tpu.vector_store %arg6[%swap3A_634], %max3A_633 {strides = array<i32>} : memref<40960xf32, #tpu.memory_space<vmem>>, vector<16xf32>,
          %mul3A_636 = arith.constant 128 : i32
          %mul3A_637 = arith.muli %and3A_243, %mul3A_636 : i32
          %add3A_638 = arith.constant 96 : i32
          %add3A_639 = arith.addi %mul3A_637, %add3A_638 : i32
          %get3A_640 = arith.index_cast %add3A_639 : i32 to index
          %get3A_641 = tpu.vector_load %arg6[%get3A_640] {strides = array<i32>} : memref<40960xf32, #tpu.memory_space<vmem>>, vector<16xf32>,
          %add3A_642 = arith.constant 2 : i32
          %add3A_643 = arith.addi %mul3A_231, %add3A_642 : i32
          %get3A_644 = arith.index_cast %and3A_137 : i32 to index
          %get3A_645 = arith.index_cast %add3A_643 : i32 to index
          %get3A_646 = arith.constant 96 : index
          %get3A_647 = tpu.vector_load %arg11[%get3A_644, %get3A_645, %get3A_646] {strides = array<i32>} : memref<2x16x128xf32, #tpu.memory_space<vmem>>, vector<16xf32>,
          %max3A_648 = arith.maximumf %get3A_641, %get3A_647 : vector<16xf32>
          %swap3A_649 = arith.index_cast %add3A_639 : i32 to index
          %swap3A_650 = tpu.vector_load %arg6[%swap3A_649] {strides = array<i32>} : memref<40960xf32, #tpu.memory_space<vmem>>, vector<16xf32>,
          tpu.vector_store %arg6[%swap3A_649], %max3A_648 {strides = array<i32>} : memref<40960xf32, #tpu.memory_space<vmem>>, vector<16xf32>,
          %mul3A_651 = arith.constant 128 : i32
          %mul3A_652 = arith.muli %and3A_247, %mul3A_651 : i32
          %add3A_653 = arith.constant 96 : i32
          %add3A_654 = arith.addi %mul3A_652, %add3A_653 : i32
          %get3A_655 = arith.index_cast %add3A_654 : i32 to index
          %get3A_656 = tpu.vector_load %arg6[%get3A_655] {strides = array<i32>} : memref<40960xf32, #tpu.memory_space<vmem>>, vector<16xf32>,
          %add3A_657 = arith.constant 3 : i32
          %add3A_658 = arith.addi %mul3A_231, %add3A_657 : i32
          %get3A_659 = arith.index_cast %and3A_137 : i32 to index
          %get3A_660 = arith.index_cast %add3A_658 : i32 to index
          %get3A_661 = arith.constant 96 : index
          %get3A_662 = tpu.vector_load %arg11[%get3A_659, %get3A_660, %get3A_661] {strides = array<i32>} : memref<2x16x128xf32, #tpu.memory_space<vmem>>, vector<16xf32>,
          %max3A_663 = arith.maximumf %get3A_656, %get3A_662 : vector<16xf32>
          %swap3A_664 = arith.index_cast %add3A_654 : i32 to index
          %swap3A_665 = tpu.vector_load %arg6[%swap3A_664] {strides = array<i32>} : memref<40960xf32, #tpu.memory_space<vmem>>, vector<16xf32>,
          tpu.vector_store %arg6[%swap3A_664], %max3A_663 {strides = array<i32>} : memref<40960xf32, #tpu.memory_space<vmem>>, vector<16xf32>,
          %mul3A_666 = arith.constant 128 : i32
          %mul3A_667 = arith.muli %and3A_235, %mul3A_666 : i32
          %add3A_668 = arith.constant 112 : i32
          %add3A_669 = arith.addi %mul3A_667, %add3A_668 : i32
          %get3A_670 = arith.index_cast %add3A_669 : i32 to index
          %get3A_671 = tpu.vector_load %arg6[%get3A_670] {strides = array<i32>} : memref<40960xf32, #tpu.memory_space<vmem>>, vector<16xf32>,
          %add3A_672 = arith.constant 0 : i32
          %add3A_673 = arith.addi %mul3A_231, %add3A_672 : i32
          %get3A_674 = arith.index_cast %and3A_137 : i32 to index
          %get3A_675 = arith.index_cast %add3A_673 : i32 to index
          %get3A_676 = arith.constant 112 : index
          %get3A_677 = tpu.vector_load %arg11[%get3A_674, %get3A_675, %get3A_676] {strides = array<i32>} : memref<2x16x128xf32, #tpu.memory_space<vmem>>, vector<16xf32>,
          %max3A_678 = arith.maximumf %get3A_671, %get3A_677 : vector<16xf32>
          %swap3A_679 = arith.index_cast %add3A_669 : i32 to index
          %swap3A_680 = tpu.vector_load %arg6[%swap3A_679] {strides = array<i32>} : memref<40960xf32, #tpu.memory_space<vmem>>, vector<16xf32>,
          tpu.vector_store %arg6[%swap3A_679], %max3A_678 {strides = array<i32>} : memref<40960xf32, #tpu.memory_space<vmem>>, vector<16xf32>,
          %mul3A_681 = arith.constant 128 : i32
          %mul3A_682 = arith.muli %and3A_239, %mul3A_681 : i32
          %add3A_683 = arith.constant 112 : i32
          %add3A_684 = arith.addi %mul3A_682, %add3A_683 : i32
          %get3A_685 = arith.index_cast %add3A_684 : i32 to index
          %get3A_686 = tpu.vector_load %arg6[%get3A_685] {strides = array<i32>} : memref<40960xf32, #tpu.memory_space<vmem>>, vector<16xf32>,
          %add3A_687 = arith.constant 1 : i32
          %add3A_688 = arith.addi %mul3A_231, %add3A_687 : i32
          %get3A_689 = arith.index_cast %and3A_137 : i32 to index
          %get3A_690 = arith.index_cast %add3A_688 : i32 to index
          %get3A_691 = arith.constant 112 : index
          %get3A_692 = tpu.vector_load %arg11[%get3A_689, %get3A_690, %get3A_691] {strides = array<i32>} : memref<2x16x128xf32, #tpu.memory_space<vmem>>, vector<16xf32>,
          %max3A_693 = arith.maximumf %get3A_686, %get3A_692 : vector<16xf32>
          %swap3A_694 = arith.index_cast %add3A_684 : i32 to index
          %swap3A_695 = tpu.vector_load %arg6[%swap3A_694] {strides = array<i32>} : memref<40960xf32, #tpu.memory_space<vmem>>, vector<16xf32>,
          tpu.vector_store %arg6[%swap3A_694], %max3A_693 {strides = array<i32>} : memref<40960xf32, #tpu.memory_space<vmem>>, vector<16xf32>,
          %mul3A_696 = arith.constant 128 : i32
          %mul3A_697 = arith.muli %and3A_243, %mul3A_696 : i32
          %add3A_698 = arith.constant 112 : i32
          %add3A_699 = arith.addi %mul3A_697, %add3A_698 : i32
          %get3A_700 = arith.index_cast %add3A_699 : i32 to index
          %get3A_701 = tpu.vector_load %arg6[%get3A_700] {strides = array<i32>} : memref<40960xf32, #tpu.memory_space<vmem>>, vector<16xf32>,
          %add3A_702 = arith.constant 2 : i32
          %add3A_703 = arith.addi %mul3A_231, %add3A_702 : i32
          %get3A_704 = arith.index_cast %and3A_137 : i32 to index
          %get3A_705 = arith.index_cast %add3A_703 : i32 to index
          %get3A_706 = arith.constant 112 : index
          %get3A_707 = tpu.vector_load %arg11[%get3A_704, %get3A_705, %get3A_706] {strides = array<i32>} : memref<2x16x128xf32, #tpu.memory_space<vmem>>, vector<16xf32>,
          %max3A_708 = arith.maximumf %get3A_701, %get3A_707 : vector<16xf32>
          %swap3A_709 = arith.index_cast %add3A_699 : i32 to index
          %swap3A_710 = tpu.vector_load %arg6[%swap3A_709] {strides = array<i32>} : memref<40960xf32, #tpu.memory_space<vmem>>, vector<16xf32>,
          tpu.vector_store %arg6[%swap3A_709], %max3A_708 {strides = array<i32>} : memref<40960xf32, #tpu.memory_space<vmem>>, vector<16xf32>,
          %mul3A_711 = arith.constant 128 : i32
          %mul3A_712 = arith.muli %and3A_247, %mul3A_711 : i32
          %add3A_713 = arith.constant 112 : i32
          %add3A_714 = arith.addi %mul3A_712, %add3A_713 : i32
          %get3A_715 = arith.index_cast %add3A_714 : i32 to index
          %get3A_716 = tpu.vector_load %arg6[%get3A_715] {strides = array<i32>} : memref<40960xf32, #tpu.memory_space<vmem>>, vector<16xf32>,
          %add3A_717 = arith.constant 3 : i32
          %add3A_718 = arith.addi %mul3A_231, %add3A_717 : i32
          %get3A_719 = arith.index_cast %and3A_137 : i32 to index
          %get3A_720 = arith.index_cast %add3A_718 : i32 to index
          %get3A_721 = arith.constant 112 : index
          %get3A_722 = tpu.vector_load %arg11[%get3A_719, %get3A_720, %get3A_721] {strides = array<i32>} : memref<2x16x128xf32, #tpu.memory_space<vmem>>, vector<16xf32>,
          %max3A_723 = arith.maximumf %get3A_716, %get3A_722 : vector<16xf32>
          %swap3A_724 = arith.index_cast %add3A_714 : i32 to index
          %swap3A_725 = tpu.vector_load %arg6[%swap3A_724] {strides = array<i32>} : memref<40960xf32, #tpu.memory_space<vmem>>, vector<16xf32>,
          tpu.vector_store %arg6[%swap3A_724], %max3A_723 {strides = array<i32>} : memref<40960xf32, #tpu.memory_space<vmem>>, vector<16xf32>,
        }
        %jit3A_194 = arith.constant 4 : i32
        %div3A_195 = arith.divsi %min3A_159, %jit3A_194 : i32
        %sign3A_196 = arith.constant 0 : i32
        %sign3A_197 = arith.cmpi sgt, %min3A_159, %sign3A_196 : i32
        %sign3A_198 = arith.extui %sign3A_197 : i1 to i32
        %sign3A_199 = arith.constant 0 : i32
        %sign3A_200 = arith.cmpi slt, %min3A_159, %sign3A_199 : i32
        %sign3A_201 = arith.extui %sign3A_200 : i1 to i32
        %sign3A_202 = arith.subi %sign3A_198, %sign3A_201 : i32
        %sign3A_203 = arith.constant 0 : i32
        %sign3A_204 = arith.cmpi sgt, %jit3A_194, %sign3A_203 : i32
        %sign3A_205 = arith.extui %sign3A_204 : i1 to i32
        %sign3A_206 = arith.constant 0 : i32
        %sign3A_207 = arith.cmpi slt, %jit3A_194, %sign3A_206 : i32
        %sign3A_208 = arith.extui %sign3A_207 : i1 to i32
        %sign3A_209 = arith.subi %sign3A_205, %sign3A_208 : i32
        %ne3A_210 = arith.cmpi ne, %sign3A_202, %sign3A_209 : i32
        %rem3A_211 = arith.remsi %min3A_159, %jit3A_194 : i32
        %ne3A_212 = arith.constant 0 : i32
        %ne3A_213 = arith.cmpi ne, %rem3A_211, %ne3A_212 : i32
        %and3A_214 = arith.andi %ne3A_210, %ne3A_213 : i1
        %sub3A_215 = arith.constant 1 : i32
        %sub3A_216 = arith.subi %div3A_195, %sub3A_215 : i32
        %select_n3A_217 = arith.select %and3A_214, %sub3A_216, %div3A_195 : i32
        %mul3A_218 = arith.constant 4 : i32
        %mul3A_219 = arith.muli %select_n3A_217, %mul3A_218 : i32
        %while3A_220 = arith.constant 0 : i32
        %while3A_221 = arith.subi %min3A_159, %mul3A_219 : i32
        %while3A_222 = arith.addi %mul3A_219, %while3A_221 : i32
        %while3A_223 = arith.constant 1 : i32
        %while3A_224 = arith.divsi %while3A_221, %while3A_223 : i32
        %while3A_225 = arith.muli %while3A_224, %while3A_223 : i32
        %while3A_226 = arith.addi %mul3A_219, %while3A_225 : i32
        %while3A_227 = arith.constant 1 : i32
        scf.for %while3A_229 = %mul3A_219 to %while3A_226 step %while3A_227  : i32 {
          %add3A_230 = arith.addi %mul3A_157, %while3A_229 : i32
          %get3A = arith.index_cast %add3A_230 : i32 to index
          %get3A_231 = tpu.vector_load %arg9[%get3A] {strides = array<i32>} : memref<816xi32, #tpu.memory_space<vmem>>, vector<16xi32>,
          %slice3A = vector.extract_strided_slice %get3A_231 {offsets = [0], sizes = [1], strides = [1]} : vector<16xi32> to vector<1xi32>
          %squeeze3A = vector.extract %slice3A[0] : i32 from vector<1xi32>
          %and3A_232 = arith.constant 511 : i32
          %and3A_233 = arith.andi %squeeze3A, %and3A_232 : i32
          %mul3A_234 = arith.constant 128 : i32
          %mul3A_235 = arith.muli %and3A_233, %mul3A_234 : i32
          %add3A_236 = arith.constant 0 : i32
          %add3A_237 = arith.addi %mul3A_235, %add3A_236 : i32
          %get3A_238 = arith.index_cast %add3A_237 : i32 to index
          %get3A_239 = tpu.vector_load %arg6[%get3A_238] {strides = array<i32>} : memref<40960xf32, #tpu.memory_space<vmem>>, vector<16xf32>,
          %get3A_240 = arith.index_cast %and3A_137 : i32 to index
          %get3A_241 = arith.index_cast %while3A_229 : i32 to index
          %get3A_242 = arith.constant 0 : index
          %get3A_243 = tpu.vector_load %arg11[%get3A_240, %get3A_241, %get3A_242] {strides = array<i32>} : memref<2x16x128xf32, #tpu.memory_space<vmem>>, vector<16xf32>,
          %max3A = arith.maximumf %get3A_239, %get3A_243 : vector<16xf32>
          %swap3A = arith.index_cast %add3A_237 : i32 to index
          %swap3A_244 = tpu.vector_load %arg6[%swap3A] {strides = array<i32>} : memref<40960xf32, #tpu.memory_space<vmem>>, vector<16xf32>,
          tpu.vector_store %arg6[%swap3A], %max3A {strides = array<i32>} : memref<40960xf32, #tpu.memory_space<vmem>>, vector<16xf32>,
          %mul3A_245 = arith.constant 128 : i32
          %mul3A_246 = arith.muli %and3A_233, %mul3A_245 : i32
          %add3A_247 = arith.constant 16 : i32
          %add3A_248 = arith.addi %mul3A_246, %add3A_247 : i32
          %get3A_249 = arith.index_cast %add3A_248 : i32 to index
          %get3A_250 = tpu.vector_load %arg6[%get3A_249] {strides = array<i32>} : memref<40960xf32, #tpu.memory_space<vmem>>, vector<16xf32>,
          %get3A_251 = arith.index_cast %and3A_137 : i32 to index
          %get3A_252 = arith.index_cast %while3A_229 : i32 to index
          %get3A_253 = arith.constant 16 : index
          %get3A_254 = tpu.vector_load %arg11[%get3A_251, %get3A_252, %get3A_253] {strides = array<i32>} : memref<2x16x128xf32, #tpu.memory_space<vmem>>, vector<16xf32>,
          %max3A_255 = arith.maximumf %get3A_250, %get3A_254 : vector<16xf32>
          %swap3A_256 = arith.index_cast %add3A_248 : i32 to index
          %swap3A_257 = tpu.vector_load %arg6[%swap3A_256] {strides = array<i32>} : memref<40960xf32, #tpu.memory_space<vmem>>, vector<16xf32>,
          tpu.vector_store %arg6[%swap3A_256], %max3A_255 {strides = array<i32>} : memref<40960xf32, #tpu.memory_space<vmem>>, vector<16xf32>,
          %mul3A_258 = arith.constant 128 : i32
          %mul3A_259 = arith.muli %and3A_233, %mul3A_258 : i32
          %add3A_260 = arith.constant 32 : i32
          %add3A_261 = arith.addi %mul3A_259, %add3A_260 : i32
          %get3A_262 = arith.index_cast %add3A_261 : i32 to index
          %get3A_263 = tpu.vector_load %arg6[%get3A_262] {strides = array<i32>} : memref<40960xf32, #tpu.memory_space<vmem>>, vector<16xf32>,
          %get3A_264 = arith.index_cast %and3A_137 : i32 to index
          %get3A_265 = arith.index_cast %while3A_229 : i32 to index
          %get3A_266 = arith.constant 32 : index
          %get3A_267 = tpu.vector_load %arg11[%get3A_264, %get3A_265, %get3A_266] {strides = array<i32>} : memref<2x16x128xf32, #tpu.memory_space<vmem>>, vector<16xf32>,
          %max3A_268 = arith.maximumf %get3A_263, %get3A_267 : vector<16xf32>
          %swap3A_269 = arith.index_cast %add3A_261 : i32 to index
          %swap3A_270 = tpu.vector_load %arg6[%swap3A_269] {strides = array<i32>} : memref<40960xf32, #tpu.memory_space<vmem>>, vector<16xf32>,
          tpu.vector_store %arg6[%swap3A_269], %max3A_268 {strides = array<i32>} : memref<40960xf32, #tpu.memory_space<vmem>>, vector<16xf32>,
          %mul3A_271 = arith.constant 128 : i32
          %mul3A_272 = arith.muli %and3A_233, %mul3A_271 : i32
          %add3A_273 = arith.constant 48 : i32
          %add3A_274 = arith.addi %mul3A_272, %add3A_273 : i32
          %get3A_275 = arith.index_cast %add3A_274 : i32 to index
          %get3A_276 = tpu.vector_load %arg6[%get3A_275] {strides = array<i32>} : memref<40960xf32, #tpu.memory_space<vmem>>, vector<16xf32>,
          %get3A_277 = arith.index_cast %and3A_137 : i32 to index
          %get3A_278 = arith.index_cast %while3A_229 : i32 to index
          %get3A_279 = arith.constant 48 : index
          %get3A_280 = tpu.vector_load %arg11[%get3A_277, %get3A_278, %get3A_279] {strides = array<i32>} : memref<2x16x128xf32, #tpu.memory_space<vmem>>, vector<16xf32>,
          %max3A_281 = arith.maximumf %get3A_276, %get3A_280 : vector<16xf32>
          %swap3A_282 = arith.index_cast %add3A_274 : i32 to index
          %swap3A_283 = tpu.vector_load %arg6[%swap3A_282] {strides = array<i32>} : memref<40960xf32, #tpu.memory_space<vmem>>, vector<16xf32>,
          tpu.vector_store %arg6[%swap3A_282], %max3A_281 {strides = array<i32>} : memref<40960xf32, #tpu.memory_space<vmem>>, vector<16xf32>,
          %mul3A_284 = arith.constant 128 : i32
          %mul3A_285 = arith.muli %and3A_233, %mul3A_284 : i32
          %add3A_286 = arith.constant 64 : i32
          %add3A_287 = arith.addi %mul3A_285, %add3A_286 : i32
          %get3A_288 = arith.index_cast %add3A_287 : i32 to index
          %get3A_289 = tpu.vector_load %arg6[%get3A_288] {strides = array<i32>} : memref<40960xf32, #tpu.memory_space<vmem>>, vector<16xf32>,
          %get3A_290 = arith.index_cast %and3A_137 : i32 to index
          %get3A_291 = arith.index_cast %while3A_229 : i32 to index
          %get3A_292 = arith.constant 64 : index
          %get3A_293 = tpu.vector_load %arg11[%get3A_290, %get3A_291, %get3A_292] {strides = array<i32>} : memref<2x16x128xf32, #tpu.memory_space<vmem>>, vector<16xf32>,
          %max3A_294 = arith.maximumf %get3A_289, %get3A_293 : vector<16xf32>
          %swap3A_295 = arith.index_cast %add3A_287 : i32 to index
          %swap3A_296 = tpu.vector_load %arg6[%swap3A_295] {strides = array<i32>} : memref<40960xf32, #tpu.memory_space<vmem>>, vector<16xf32>,
          tpu.vector_store %arg6[%swap3A_295], %max3A_294 {strides = array<i32>} : memref<40960xf32, #tpu.memory_space<vmem>>, vector<16xf32>,
          %mul3A_297 = arith.constant 128 : i32
          %mul3A_298 = arith.muli %and3A_233, %mul3A_297 : i32
          %add3A_299 = arith.constant 80 : i32
          %add3A_300 = arith.addi %mul3A_298, %add3A_299 : i32
          %get3A_301 = arith.index_cast %add3A_300 : i32 to index
          %get3A_302 = tpu.vector_load %arg6[%get3A_301] {strides = array<i32>} : memref<40960xf32, #tpu.memory_space<vmem>>, vector<16xf32>,
          %get3A_303 = arith.index_cast %and3A_137 : i32 to index
          %get3A_304 = arith.index_cast %while3A_229 : i32 to index
          %get3A_305 = arith.constant 80 : index
          %get3A_306 = tpu.vector_load %arg11[%get3A_303, %get3A_304, %get3A_305] {strides = array<i32>} : memref<2x16x128xf32, #tpu.memory_space<vmem>>, vector<16xf32>,
          %max3A_307 = arith.maximumf %get3A_302, %get3A_306 : vector<16xf32>
          %swap3A_308 = arith.index_cast %add3A_300 : i32 to index
          %swap3A_309 = tpu.vector_load %arg6[%swap3A_308] {strides = array<i32>} : memref<40960xf32, #tpu.memory_space<vmem>>, vector<16xf32>,
          tpu.vector_store %arg6[%swap3A_308], %max3A_307 {strides = array<i32>} : memref<40960xf32, #tpu.memory_space<vmem>>, vector<16xf32>,
          %mul3A_310 = arith.constant 128 : i32
          %mul3A_311 = arith.muli %and3A_233, %mul3A_310 : i32
          %add3A_312 = arith.constant 96 : i32
          %add3A_313 = arith.addi %mul3A_311, %add3A_312 : i32
          %get3A_314 = arith.index_cast %add3A_313 : i32 to index
          %get3A_315 = tpu.vector_load %arg6[%get3A_314] {strides = array<i32>} : memref<40960xf32, #tpu.memory_space<vmem>>, vector<16xf32>,
          %get3A_316 = arith.index_cast %and3A_137 : i32 to index
          %get3A_317 = arith.index_cast %while3A_229 : i32 to index
          %get3A_318 = arith.constant 96 : index
          %get3A_319 = tpu.vector_load %arg11[%get3A_316, %get3A_317, %get3A_318] {strides = array<i32>} : memref<2x16x128xf32, #tpu.memory_space<vmem>>, vector<16xf32>,
          %max3A_320 = arith.maximumf %get3A_315, %get3A_319 : vector<16xf32>
          %swap3A_321 = arith.index_cast %add3A_313 : i32 to index
          %swap3A_322 = tpu.vector_load %arg6[%swap3A_321] {strides = array<i32>} : memref<40960xf32, #tpu.memory_space<vmem>>, vector<16xf32>,
          tpu.vector_store %arg6[%swap3A_321], %max3A_320 {strides = array<i32>} : memref<40960xf32, #tpu.memory_space<vmem>>, vector<16xf32>,
          %mul3A_323 = arith.constant 128 : i32
          %mul3A_324 = arith.muli %and3A_233, %mul3A_323 : i32
          %add3A_325 = arith.constant 112 : i32
          %add3A_326 = arith.addi %mul3A_324, %add3A_325 : i32
          %get3A_327 = arith.index_cast %add3A_326 : i32 to index
          %get3A_328 = tpu.vector_load %arg6[%get3A_327] {strides = array<i32>} : memref<40960xf32, #tpu.memory_space<vmem>>, vector<16xf32>,
          %get3A_329 = arith.index_cast %and3A_137 : i32 to index
          %get3A_330 = arith.index_cast %while3A_229 : i32 to index
          %get3A_331 = arith.constant 112 : index
          %get3A_332 = tpu.vector_load %arg11[%get3A_329, %get3A_330, %get3A_331] {strides = array<i32>} : memref<2x16x128xf32, #tpu.memory_space<vmem>>, vector<16xf32>,
          %max3A_333 = arith.maximumf %get3A_328, %get3A_332 : vector<16xf32>
          %swap3A_334 = arith.index_cast %add3A_326 : i32 to index
          %swap3A_335 = tpu.vector_load %arg6[%swap3A_334] {strides = array<i32>} : memref<40960xf32, #tpu.memory_space<vmem>>, vector<16xf32>,
          tpu.vector_store %arg6[%swap3A_334], %max3A_333 {strides = array<i32>} : memref<40960xf32, #tpu.memory_space<vmem>>, vector<16xf32>,
        }
        %while3A_228 = arith.constant 1 : i32
        scf.for %while3A_229 = %while3A_226 to %while3A_222 step %while3A_228  : i32 {
          %add3A_230 = arith.addi %mul3A_157, %while3A_229 : i32
          %get3A = arith.index_cast %add3A_230 : i32 to index
          %get3A_231 = tpu.vector_load %arg9[%get3A] {strides = array<i32>} : memref<816xi32, #tpu.memory_space<vmem>>, vector<16xi32>,
          %slice3A = vector.extract_strided_slice %get3A_231 {offsets = [0], sizes = [1], strides = [1]} : vector<16xi32> to vector<1xi32>
          %squeeze3A = vector.extract %slice3A[0] : i32 from vector<1xi32>
          %and3A_232 = arith.constant 511 : i32
          %and3A_233 = arith.andi %squeeze3A, %and3A_232 : i32
          %mul3A_234 = arith.constant 128 : i32
          %mul3A_235 = arith.muli %and3A_233, %mul3A_234 : i32
          %add3A_236 = arith.constant 0 : i32
          %add3A_237 = arith.addi %mul3A_235, %add3A_236 : i32
          %get3A_238 = arith.index_cast %add3A_237 : i32 to index
          %get3A_239 = tpu.vector_load %arg6[%get3A_238] {strides = array<i32>} : memref<40960xf32, #tpu.memory_space<vmem>>, vector<16xf32>,
          %get3A_240 = arith.index_cast %and3A_137 : i32 to index
          %get3A_241 = arith.index_cast %while3A_229 : i32 to index
          %get3A_242 = arith.constant 0 : index
          %get3A_243 = tpu.vector_load %arg11[%get3A_240, %get3A_241, %get3A_242] {strides = array<i32>} : memref<2x16x128xf32, #tpu.memory_space<vmem>>, vector<16xf32>,
          %max3A = arith.maximumf %get3A_239, %get3A_243 : vector<16xf32>
          %swap3A = arith.index_cast %add3A_237 : i32 to index
          %swap3A_244 = tpu.vector_load %arg6[%swap3A] {strides = array<i32>} : memref<40960xf32, #tpu.memory_space<vmem>>, vector<16xf32>,
          tpu.vector_store %arg6[%swap3A], %max3A {strides = array<i32>} : memref<40960xf32, #tpu.memory_space<vmem>>, vector<16xf32>,
          %mul3A_245 = arith.constant 128 : i32
          %mul3A_246 = arith.muli %and3A_233, %mul3A_245 : i32
          %add3A_247 = arith.constant 16 : i32
          %add3A_248 = arith.addi %mul3A_246, %add3A_247 : i32
          %get3A_249 = arith.index_cast %add3A_248 : i32 to index
          %get3A_250 = tpu.vector_load %arg6[%get3A_249] {strides = array<i32>} : memref<40960xf32, #tpu.memory_space<vmem>>, vector<16xf32>,
          %get3A_251 = arith.index_cast %and3A_137 : i32 to index
          %get3A_252 = arith.index_cast %while3A_229 : i32 to index
          %get3A_253 = arith.constant 16 : index
          %get3A_254 = tpu.vector_load %arg11[%get3A_251, %get3A_252, %get3A_253] {strides = array<i32>} : memref<2x16x128xf32, #tpu.memory_space<vmem>>, vector<16xf32>,
          %max3A_255 = arith.maximumf %get3A_250, %get3A_254 : vector<16xf32>
          %swap3A_256 = arith.index_cast %add3A_248 : i32 to index
          %swap3A_257 = tpu.vector_load %arg6[%swap3A_256] {strides = array<i32>} : memref<40960xf32, #tpu.memory_space<vmem>>, vector<16xf32>,
          tpu.vector_store %arg6[%swap3A_256], %max3A_255 {strides = array<i32>} : memref<40960xf32, #tpu.memory_space<vmem>>, vector<16xf32>,
          %mul3A_258 = arith.constant 128 : i32
          %mul3A_259 = arith.muli %and3A_233, %mul3A_258 : i32
          %add3A_260 = arith.constant 32 : i32
          %add3A_261 = arith.addi %mul3A_259, %add3A_260 : i32
          %get3A_262 = arith.index_cast %add3A_261 : i32 to index
          %get3A_263 = tpu.vector_load %arg6[%get3A_262] {strides = array<i32>} : memref<40960xf32, #tpu.memory_space<vmem>>, vector<16xf32>,
          %get3A_264 = arith.index_cast %and3A_137 : i32 to index
          %get3A_265 = arith.index_cast %while3A_229 : i32 to index
          %get3A_266 = arith.constant 32 : index
          %get3A_267 = tpu.vector_load %arg11[%get3A_264, %get3A_265, %get3A_266] {strides = array<i32>} : memref<2x16x128xf32, #tpu.memory_space<vmem>>, vector<16xf32>,
          %max3A_268 = arith.maximumf %get3A_263, %get3A_267 : vector<16xf32>
          %swap3A_269 = arith.index_cast %add3A_261 : i32 to index
          %swap3A_270 = tpu.vector_load %arg6[%swap3A_269] {strides = array<i32>} : memref<40960xf32, #tpu.memory_space<vmem>>, vector<16xf32>,
          tpu.vector_store %arg6[%swap3A_269], %max3A_268 {strides = array<i32>} : memref<40960xf32, #tpu.memory_space<vmem>>, vector<16xf32>,
          %mul3A_271 = arith.constant 128 : i32
          %mul3A_272 = arith.muli %and3A_233, %mul3A_271 : i32
          %add3A_273 = arith.constant 48 : i32
          %add3A_274 = arith.addi %mul3A_272, %add3A_273 : i32
          %get3A_275 = arith.index_cast %add3A_274 : i32 to index
          %get3A_276 = tpu.vector_load %arg6[%get3A_275] {strides = array<i32>} : memref<40960xf32, #tpu.memory_space<vmem>>, vector<16xf32>,
          %get3A_277 = arith.index_cast %and3A_137 : i32 to index
          %get3A_278 = arith.index_cast %while3A_229 : i32 to index
          %get3A_279 = arith.constant 48 : index
          %get3A_280 = tpu.vector_load %arg11[%get3A_277, %get3A_278, %get3A_279] {strides = array<i32>} : memref<2x16x128xf32, #tpu.memory_space<vmem>>, vector<16xf32>,
          %max3A_281 = arith.maximumf %get3A_276, %get3A_280 : vector<16xf32>
          %swap3A_282 = arith.index_cast %add3A_274 : i32 to index
          %swap3A_283 = tpu.vector_load %arg6[%swap3A_282] {strides = array<i32>} : memref<40960xf32, #tpu.memory_space<vmem>>, vector<16xf32>,
          tpu.vector_store %arg6[%swap3A_282], %max3A_281 {strides = array<i32>} : memref<40960xf32, #tpu.memory_space<vmem>>, vector<16xf32>,
          %mul3A_284 = arith.constant 128 : i32
          %mul3A_285 = arith.muli %and3A_233, %mul3A_284 : i32
          %add3A_286 = arith.constant 64 : i32
          %add3A_287 = arith.addi %mul3A_285, %add3A_286 : i32
          %get3A_288 = arith.index_cast %add3A_287 : i32 to index
          %get3A_289 = tpu.vector_load %arg6[%get3A_288] {strides = array<i32>} : memref<40960xf32, #tpu.memory_space<vmem>>, vector<16xf32>,
          %get3A_290 = arith.index_cast %and3A_137 : i32 to index
          %get3A_291 = arith.index_cast %while3A_229 : i32 to index
          %get3A_292 = arith.constant 64 : index
          %get3A_293 = tpu.vector_load %arg11[%get3A_290, %get3A_291, %get3A_292] {strides = array<i32>} : memref<2x16x128xf32, #tpu.memory_space<vmem>>, vector<16xf32>,
          %max3A_294 = arith.maximumf %get3A_289, %get3A_293 : vector<16xf32>
          %swap3A_295 = arith.index_cast %add3A_287 : i32 to index
          %swap3A_296 = tpu.vector_load %arg6[%swap3A_295] {strides = array<i32>} : memref<40960xf32, #tpu.memory_space<vmem>>, vector<16xf32>,
          tpu.vector_store %arg6[%swap3A_295], %max3A_294 {strides = array<i32>} : memref<40960xf32, #tpu.memory_space<vmem>>, vector<16xf32>,
          %mul3A_297 = arith.constant 128 : i32
          %mul3A_298 = arith.muli %and3A_233, %mul3A_297 : i32
          %add3A_299 = arith.constant 80 : i32
          %add3A_300 = arith.addi %mul3A_298, %add3A_299 : i32
          %get3A_301 = arith.index_cast %add3A_300 : i32 to index
          %get3A_302 = tpu.vector_load %arg6[%get3A_301] {strides = array<i32>} : memref<40960xf32, #tpu.memory_space<vmem>>, vector<16xf32>,
          %get3A_303 = arith.index_cast %and3A_137 : i32 to index
          %get3A_304 = arith.index_cast %while3A_229 : i32 to index
          %get3A_305 = arith.constant 80 : index
          %get3A_306 = tpu.vector_load %arg11[%get3A_303, %get3A_304, %get3A_305] {strides = array<i32>} : memref<2x16x128xf32, #tpu.memory_space<vmem>>, vector<16xf32>,
          %max3A_307 = arith.maximumf %get3A_302, %get3A_306 : vector<16xf32>
          %swap3A_308 = arith.index_cast %add3A_300 : i32 to index
          %swap3A_309 = tpu.vector_load %arg6[%swap3A_308] {strides = array<i32>} : memref<40960xf32, #tpu.memory_space<vmem>>, vector<16xf32>,
          tpu.vector_store %arg6[%swap3A_308], %max3A_307 {strides = array<i32>} : memref<40960xf32, #tpu.memory_space<vmem>>, vector<16xf32>,
          %mul3A_310 = arith.constant 128 : i32
          %mul3A_311 = arith.muli %and3A_233, %mul3A_310 : i32
          %add3A_312 = arith.constant 96 : i32
          %add3A_313 = arith.addi %mul3A_311, %add3A_312 : i32
          %get3A_314 = arith.index_cast %add3A_313 : i32 to index
          %get3A_315 = tpu.vector_load %arg6[%get3A_314] {strides = array<i32>} : memref<40960xf32, #tpu.memory_space<vmem>>, vector<16xf32>,
          %get3A_316 = arith.index_cast %and3A_137 : i32 to index
          %get3A_317 = arith.index_cast %while3A_229 : i32 to index
          %get3A_318 = arith.constant 96 : index
          %get3A_319 = tpu.vector_load %arg11[%get3A_316, %get3A_317, %get3A_318] {strides = array<i32>} : memref<2x16x128xf32, #tpu.memory_space<vmem>>, vector<16xf32>,
          %max3A_320 = arith.maximumf %get3A_315, %get3A_319 : vector<16xf32>
          %swap3A_321 = arith.index_cast %add3A_313 : i32 to index
          %swap3A_322 = tpu.vector_load %arg6[%swap3A_321] {strides = array<i32>} : memref<40960xf32, #tpu.memory_space<vmem>>, vector<16xf32>,
          tpu.vector_store %arg6[%swap3A_321], %max3A_320 {strides = array<i32>} : memref<40960xf32, #tpu.memory_space<vmem>>, vector<16xf32>,
          %mul3A_323 = arith.constant 128 : i32
          %mul3A_324 = arith.muli %and3A_233, %mul3A_323 : i32
          %add3A_325 = arith.constant 112 : i32
          %add3A_326 = arith.addi %mul3A_324, %add3A_325 : i32
          %get3A_327 = arith.index_cast %add3A_326 : i32 to index
          %get3A_328 = tpu.vector_load %arg6[%get3A_327] {strides = array<i32>} : memref<40960xf32, #tpu.memory_space<vmem>>, vector<16xf32>,
          %get3A_329 = arith.index_cast %and3A_137 : i32 to index
          %get3A_330 = arith.index_cast %while3A_229 : i32 to index
          %get3A_331 = arith.constant 112 : index
          %get3A_332 = tpu.vector_load %arg11[%get3A_329, %get3A_330, %get3A_331] {strides = array<i32>} : memref<2x16x128xf32, #tpu.memory_space<vmem>>, vector<16xf32>,
          %max3A_333 = arith.maximumf %get3A_328, %get3A_332 : vector<16xf32>
          %swap3A_334 = arith.index_cast %add3A_326 : i32 to index
          %swap3A_335 = tpu.vector_load %arg6[%swap3A_334] {strides = array<i32>} : memref<40960xf32, #tpu.memory_space<vmem>>, vector<16xf32>,
          tpu.vector_store %arg6[%swap3A_334], %max3A_333 {strides = array<i32>} : memref<40960xf32, #tpu.memory_space<vmem>>, vector<16xf32>,
        }
      }
    }
    %scan3A_47 = arith.constant 400 : i32
    %mul3A_48 = arith.constant 128 : i32
    %mul3A_49 = arith.muli %mul3A_2, %mul3A_48 : i32
    "tpu.region"() ({
      %run_scoped3A = tpu.sem_alloc : memref<!tpu.dma_semaphore, #tpu.memory_space<semaphore_mem>>
      %dma_start3A_50 = tpu.memref_slice %arg5[%mul3A_49] : memref<1310720xf32, #tpu.memory_space<hbm>> -> memref<40960xf32, #tpu.memory_space<hbm>>
      %dma_start3A_51 = tpu.memref_slice %arg5[%mul3A_49] : memref<1310720xf32, #tpu.memory_space<hbm>> -> memref<40960xf32, #tpu.memory_space<hbm>>
      tpu.enqueue_dma source(%arg6 : memref<40960xf32, #tpu.memory_space<vmem>>) target(%dma_start3A_51 : memref<40960xf32, #tpu.memory_space<hbm>>) target_semaphore(%run_scoped3A : memref<!tpu.dma_semaphore, #tpu.memory_space<semaphore_mem>>)
      %dma_wait3A = tpu.memref_slice %arg5[%mul3A_49] : memref<1310720xf32, #tpu.memory_space<hbm>> -> memref<40960xf32, #tpu.memory_space<hbm>>
      %dma_wait3A_52 = tpu.memref_slice %arg5[%mul3A_49] : memref<1310720xf32, #tpu.memory_space<hbm>> -> memref<40960xf32, #tpu.memory_space<hbm>>
      tpu.wait_dma2 semaphore(%run_scoped3A : memref<!tpu.dma_semaphore, #tpu.memory_space<semaphore_mem>>) src(%arg6 : memref<40960xf32, #tpu.memory_space<vmem>>) dst(%dma_wait3A_52 : memref<40960xf32, #tpu.memory_space<hbm>>)
      tpu.yield
    }) : () -> ()
    return
  }
}

module attributes {stable_mosaic.version = 14 : i64} {
  func.func @body(%arg0: i32, %arg1: memref<2000x128xf32, #tpu.memory_space<vmem>>, %arg2: memref<2000x128xf32, #tpu.memory_space<vmem>>, %arg3: memref<256x128xf32, #tpu.memory_space<vmem>>, %arg4: memref<1x128xf32, #tpu.memory_space<vmem>>, %arg5: memref<2000x128xf32, #tpu.memory_space<vmem>>) attributes {dimension_semantics = [#tpu.dimension_semantics<arbitrary>], iteration_bounds = array<i64: 5>, scalar_prefetch = 0 : i64, scratch_operands = 0 : i64, tpu.core_type = #tpu.core_type<tc>, window_params = [{transform_indices = @transform_0, window_bounds = array<i64: 2000, 128>}, {transform_indices = @transform_1, window_bounds = array<i64: 2000, 128>}, {pipeline_mode = #tpu.pipeline_mode<synchronous>, transform_indices = @transform_2, window_bounds = array<i64: 256, 128>}, {pipeline_mode = #tpu.pipeline_mode<synchronous>, transform_indices = @transform_3, window_bounds = array<i64: 1, 128>}, {transform_indices = @transform_4, window_bounds = array<i64: 2000, 128>}]} {
    %get3A = arith.constant 0 : index
    %get3A_0 = arith.constant 0 : index
    %get3A_1 = vector.load %arg1[%get3A, %get3A_0] : memref<2000x128xf32, #tpu.memory_space<vmem>>, vector<2000x128xf32>
    %get3A_2 = arith.constant 0 : index
    %get3A_3 = arith.constant 0 : index
    %get3A_4 = vector.load %arg2[%get3A_2, %get3A_3] : memref<2000x128xf32, #tpu.memory_space<vmem>>, vector<2000x128xf32>
    %is_finite3A = tpu.weird %get3A_4 : vector<2000x128xf32> -> vector<2000x128xi1>
    %is_finite3A_5 = arith.constant dense<true> : vector<2000x128xi1>
    %is_finite3A_6 = arith.xori %is_finite3A, %is_finite3A_5 : vector<2000x128xi1>
    %sub3A = arith.subf %get3A_4, %get3A_1 : vector<2000x128xf32>
    %jit3A = arith.constant 0.000000e+00 : f32
    %broadcast_in_dim3A = vector.broadcast %jit3A : f32 to vector<2000x128xf32>
    %select_n3A = arith.select %is_finite3A_6, %sub3A, %broadcast_in_dim3A : vector<2000x128xi1>, vector<2000x128xf32>
    %concatenate3A = tpu.concatenate %get3A_1, %select_n3A in 1 : vector<2000x128xf32>, vector<2000x128xf32> -> vector<2000x256xf32>
    %get3A_7 = arith.constant 0 : index
    %get3A_8 = arith.constant 0 : index
    %get3A_9 = vector.load %arg3[%get3A_7, %get3A_8] : memref<256x128xf32, #tpu.memory_space<vmem>>, vector<256x128xf32>
    %dot_general3A = arith.constant dense<0.000000e+00> : vector<2000x128xf32>
    %dot_general3A_10 = tpu.matmul %concatenate3A, %get3A_9, %dot_general3A {dimension_numbers = #tpu.dot_dimension_numbers<[1], [0], [0], [1], [0, 0, 1, 1], [], []>, transpose_lhs_hint = false} : vector<2000x256xf32>, vector<256x128xf32>, vector<2000x128xf32> -> vector<2000x128xf32>
    %get3A_11 = arith.constant 0 : index
    %get3A_12 = arith.constant 0 : index
    %get3A_13 = vector.load %arg4[%get3A_11, %get3A_12] : memref<1x128xf32, #tpu.memory_space<vmem>>, vector<1x128xf32>
    %add3A = vector.broadcast %get3A_13 : vector<1x128xf32> to vector<2000x128xf32>
    %add3A_14 = arith.addf %dot_general3A_10, %add3A : vector<2000x128xf32>
    %max3A = arith.constant 0.000000e+00 : f32
    %max3A_15 = vector.broadcast %max3A : f32 to vector<2000x128xf32>
    %max3A_16 = arith.maximumf %add3A_14, %max3A_15 : vector<2000x128xf32>
    %swap3A = arith.constant 0 : index
    %swap3A_17 = arith.constant 0 : index
    %swap3A_18 = vector.load %arg5[%swap3A, %swap3A_17] : memref<2000x128xf32, #tpu.memory_space<vmem>>, vector<2000x128xf32>
    tpu.vector_store %arg5[%swap3A, %swap3A_17], %max3A_16 {strides = array<i32>} : memref<2000x128xf32, #tpu.memory_space<vmem>>, vector<2000x128xf32>,
    return
  }
  func.func @transform_0(%arg0: i32) -> (i32, i32) {
    %c0_i32 = arith.constant 0 : i32
    %c0_i32_0 = arith.constant 0 : i32
    return %arg0, %c0_i32 : i32, i32
  }
  func.func @transform_1(%arg0: i32) -> (i32, i32) {
    %c0_i32 = arith.constant 0 : i32
    %c0_i32_0 = arith.constant 0 : i32
    return %arg0, %c0_i32 : i32, i32
  }
  func.func @transform_2(%arg0: i32) -> (i32, i32) {
    %c0_i32 = arith.constant 0 : i32
    %c0_i32_0 = arith.constant 0 : i32
    %c0_i32_1 = arith.constant 0 : i32
    return %c0_i32, %c0_i32_0 : i32, i32
  }
  func.func @transform_3(%arg0: i32) -> (i32, i32) {
    %c0_i32 = arith.constant 0 : i32
    %c0_i32_0 = arith.constant 0 : i32
    %c0_i32_1 = arith.constant 0 : i32
    return %c0_i32, %c0_i32_0 : i32, i32
  }
  func.func @transform_4(%arg0: i32) -> (i32, i32) {
    %c0_i32 = arith.constant 0 : i32
    %c0_i32_0 = arith.constant 0 : i32
    return %arg0, %c0_i32 : i32, i32
  }
}

</mosaic_0001>

<sc_bundles>
// kernel: kernel.4.cloned.1.call-start
scs
__scs_entry_jumppad:
0x0: {  	(pc) =	sbr.rel $0x88, $3  }
0x1: {  	(tag) =	ssettag $0x0;
	lr =	simm.s32 $0x1  }
0x2: {  	[smem:$0x3F9D] =	sst lr;
	_ =	strace $0xD0000000  }
0x3: {  	_ = 	snop  }
0x4: {  	_ = 	snop  }
0x5: {  	_ = 	snop  }
0x6: {  	_ = 	snop  }
0x7: {  	_ = 	snop  }
__scs_overlays_trampoline_lowered:
0x8: {  	[smem:$0x3FAC] =	sst s0  }
0x9: {  	[smem:$0x3FAD] =	sst s1  }
0xa: {  	[smem:$0x3FAE] =	sst s2  }
0xb: {  	[smem:$0x3FAF] =	sst s3  }
0xc: {  	[smem:$0x3FB0] =	sst s4  }
0xd: {  	[smem:$0x3FB1] =	sst s5  }
0xe: {  	[smem:$0x3FB2] =	sst s6  }
0xf: {  	[smem:$0x3FB3] =	sst s7  }
0x10: {  	[smem:$0x3FB4] =	sst s8  }
0x11: {  	[smem:$0x3FB5] =	sst s9;
	s0 =	simm.s32 @!p0 $0x0  }
0x12: {  	s1 =	sld [smem:$0x3F9B];
	s0 =	simm.s32 @p0 $0x1  }
0x13: {  	[smem:$0x3FB6] =	sst s0;
	s0 =	simm.s32 @!p1 $0x0  }
0x14: {  	s2 =	sld [smem:$0x3F9A];
	s0 =	simm.s32 @p1 $0x1  }
0x15: {  	[smem:$0x3FB7] =	sst s0;
	s0 =	simm.s32 @!p2 $0x0  }
0x16: {  	s3 =	sld [smem:$0x3FDB];
	s0 =	simm.s32 @p2 $0x1  }
0x17: {  	s4 =	simm.s32 $0x1BF5;
	[smem:$0x3FB9] =	sst s0  }
0x18: {  	s0 =	sld [smem:$0x3F9C];
	_ =	swait.ge [sflag:s4], $0x0  }
0x19: {  	s7 =	sld [smem:$0x3F9D]  }
0x1a: {  	s8 =	sadd.s32 $0xFFFFE003, lr  }
0x1b: {  	s9 =	sadd.s32 $0xFFFFFEF7, lr;
	s5 =	simm.s32 $0xFFFFFFFF;
	p2 =	slt.u32 s8, $0xFFFFF086  }
0x1c: {  	p1 =	slt.u32 s9, $0xF7A;
	s5 =	simm.s32 @!p2 $0x0  }
0x1d: {  	s5 =	simm.s32 @p1 $0x1;
	p0 =	seq.s32 s7, s2  }
0x1e: {  	s7 =	smul.u32 @!p0 $0xF7A, s2;
	p2 =	seq.s32 @!p0 s5, $0x0  }
0x1f: {  	s9 =	smul.u32 $0xF7A, s1;
	s8 =	simm.s32 @!p0 $0x1BF5;
	p2 =	por !p2, p0  }
0x20: {  	[sflag:s8] =	ssyncset.s32 @!p0 $0xFFFFF086;
	s6 =	sadd.s32 @!p0 s3, s7;
	s7 =	simm.s32 @!p0 $0x108  }
0x21: {  	s3 =	sadd.s32 s3, s9;
	s6 =	sadd.s32 @!p0 $0x88, s6;
	s7 =	simm.s32 @p2 $0x1082  }
0x22: {  	[simem:s7], [sflag:s8] =	dma.local @!p0 [hbm:s6], $0xF7A  }
0x23: {  	s9 =	sor.u32 $0xD0000000, s2;
	s6 =	simm.s32 $0x108;
	_ =	swait.ge @!p0 [sflag:s8], $0x0  }
0x24: {  	s3 =	sadd.s32 $0x88, s3;
	s6 =	simm.s32 @!p1 $0x1082;
	[sflag:s4] =	ssyncset.s32 $0xFFFFF086  }
0x25: {  	[simem:s6], [sflag:s4] =	dma.local [hbm:s3], $0xF7A  }
0x26: {  	[smem:$0x3F9D] =	sst s1;
	(tag) =	ssettag s2;
	_ =	strace s9  }
0x27: {  	s1 =	sld [smem:$0x3FAD]  }
0x28: {  	s2 =	sld [smem:$0x3FAE]  }
0x29: {  	s4 =	sld [smem:$0x3FB0]  }
0x2a: {  	p0 =	seq.s32 s5, $0x0;
	s5 =	sld [smem:$0x3FB1]  }
0x2b: {  	s6 =	sld [smem:$0x3FB2]  }
0x2c: {  	s7 =	sld [smem:$0x3FB3]  }
0x2d: {  	s3 =	simm.s32 $0x108;
	s8 =	sld [smem:$0x3FB4]  }
0x2e: {  	s3 =	simm.s32 @!p0 $0x1082;
	s9 =	sld [smem:$0x3FB5]  }
0x2f: {  	lr =	sadd.s32 s0, s3;
	s0 =	sld [smem:$0x3FAC]  }
0x30: {  	s3 =	sld [smem:$0x3FAF]  }
0x31: {  	[smem:$0x3FB8] =	sst s10  }
0x32: {  	s10 =	sld [smem:$0x3FB6];
	_ =	sdelay $0x3  }
0x33: {  	p0 =	seq.s32 s10, $0x1;
	s10 =	sld [smem:$0x3FB8];
	_ =	sdelay $0x3  }
0x34: {  	[smem:$0x3FB8] =	sst s10  }
0x35: {  	s10 =	sld [smem:$0x3FB7];
	_ =	sdelay $0x3  }
0x36: {  	p1 =	seq.s32 s10, $0x1;
	s10 =	sld [smem:$0x3FB8];
	_ =	sdelay $0x3  }
0x37: {  	[smem:$0x3FB8] =	sst s10  }
0x38: {  	s10 =	sld [smem:$0x3FB9]  }
0x39: {  	_ = 	snop;
	(pc) =	sbr.ind lr, $3  }
0x3a: {  	_ = 	snop  }
0x3b: {  	_ = 	snop  }
0x3c: {  	p2 =	seq.s32 s10, $0x1;
	s10 =	sld [smem:$0x3FB8]  }
0x3d: {  	_ =	shalt  }
0x3e: {  	_ =	shalt  }
0x3f: {  	_ =	shalt  }
0x40: {  	_ =	shalt  }
0x41: {  	_ =	shalt  }
0x42: {  	_ =	shalt  }
0x43: {  	_ =	shalt  }
0x44: {  	_ =	shalt  }
0x45: {  	_ =	shalt  }
0x46: {  	_ =	shalt  }
0x47: {  	_ =	shalt  }
0x48: {  	_ =	shalt  }
0x49: {  	_ =	shalt  }
0x4a: {  	_ =	shalt  }
0x4b: {  	_ =	shalt  }
0x4c: {  	_ =	shalt  }
0x4d: {  	_ =	shalt  }
0x4e: {  	_ =	shalt  }
0x4f: {  	_ =	shalt  }
0x50: {  	_ =	shalt  }
0x51: {  	_ =	shalt  }
0x52: {  	_ =	shalt  }
0x53: {  	_ =	shalt  }
0x54: {  	_ =	shalt  }
0x55: {  	_ =	shalt  }
0x56: {  	_ =	shalt  }
0x57: {  	_ =	shalt  }
0x58: {  	_ =	shalt  }
0x59: {  	_ =	shalt  }
0x5a: {  	_ =	shalt  }
0x5b: {  	_ =	shalt  }
0x5c: {  	_ =	shalt  }
0x5d: {  	_ =	shalt  }
0x5e: {  	_ =	shalt  }
0x5f: {  	_ =	shalt  }
0x60: {  	_ =	shalt  }
0x61: {  	_ =	shalt  }
0x62: {  	_ =	shalt  }
0x63: {  	_ =	shalt  }
0x64: {  	_ =	shalt  }
0x65: {  	_ =	shalt  }
0x66: {  	_ =	shalt  }
0x67: {  	_ =	shalt  }
0x68: {  	_ =	shalt  }
0x69: {  	_ =	shalt  }
0x6a: {  	_ =	shalt  }
0x6b: {  	_ =	shalt  }
0x6c: {  	_ =	shalt  }
0x6d: {  	_ =	shalt  }
0x6e: {  	_ =	shalt  }
0x6f: {  	_ =	shalt  }
0x70: {  	_ =	shalt  }
0x71: {  	_ =	shalt  }
0x72: {  	_ =	shalt  }
0x73: {  	_ =	shalt  }
0x74: {  	_ =	shalt  }
0x75: {  	_ =	shalt  }
0x76: {  	_ =	shalt  }
0x77: {  	_ =	shalt  }
0x78: {  	_ =	shalt  }
0x79: {  	_ =	shalt  }
0x7a: {  	_ =	shalt  }
0x7b: {  	_ =	shalt  }
0x7c: {  	_ =	shalt  }
0x7d: {  	_ =	shalt  }
0x7e: {  	_ =	shalt  }
0x7f: {  	_ =	shalt  }
0x80: {  	_ =	shalt  }
0x81: {  	_ =	shalt  }
0x82: {  	_ =	shalt  }
0x83: {  	_ =	shalt  }
0x84: {  	_ =	shalt  }
0x85: {  	_ =	shalt  }
0x86: {  	_ =	shalt  }
0x87: {  	_ =	shalt  }
.Lfunc_end0:
.L_simem_size_0:
called_computation_lowered:
.L_overlay_start_0:
0x88: {  	s2 =	sld [smem:$0x3FD9]  }
0x89: {  	s3 =	sld [smem:$0x3FFE];
	_ =	sdelay $0x1  }
0x8a: {  	s1 =	srdreg.scid  }
0x8b: {  	s0 =	sand.u32 $0x1, s1  }
0x8c: {  	s17 =	sshll.u32 s0, $0xA;
	s2 =	sadd.s32 s3, s2  }
0x8d: {  	s2 =	sadd.s32 s2, s17  }
0x8e: {  	[smem:$0x3FC4] =	sst s2  }
0x8f: {  	_ = 	snop  }
0x90: {  	s2 =	sld [smem:$0x3FC9]  }
0x91: {  	s18 =	sld [smem:$0x3FD0];
	(tm) =	ssettm $0x1  }
0x92: {  	s4 =	sld [smem:$0x3FFB];
	_ =	sdelay $0x3  }
0x93: {  	_ =	strace s4  }
0x94: {  	s4 =	sld [smem:$0x3FFC];
	_ =	sdelay $0x3  }
0x95: {  	_ =	strace s4  }
0x96: {  	s4 =	sld [smem:$0x3FFD];
	_ =	sdelay $0x3  }
0x97: {  	_ =	strace s4  }
0x98: {  	_ =	strace $0x8FFFFFFF  }
0x99: {  	s19 =	sld [smem:$0x3FDB];
	_ =	sdelay $0x1  }
0x9a: {  	s5 =	simm.s32 $_scs_section_size  }
0x9b: {  	s6 =	simm.s32 $_size__tile_overlayer_lowered;
	s7 =	simm.s32 $_tile_overlayer_lowered  }
0x9c: {  	s22 =	simm.s32 $0x1BFF;
	s21 =	sshll.u32 s7, $0x1;
	s4 =	sadd.s32 s5, s19  }
0x9d: {  	s8 =	simm.s32 $0x0;
	s20 =	sshll.u32 s6, $0x1;
	s6 =	sadd.s32 s21, s4  }
0x9e: {  	[timem:s8], [sflag:s22] =	dma.local [hbm:s6], s20  }
0x9f: {  	_ =	swait.ge [sflag:s22], s20  }
0xa0: {  	s5 =	ssub.s32 $0x0, s20;
	[sflag:s22] =	ssyncset.done $0x0  }
0xa1: {  	[sflag:s22] =	ssyncadd.s32 s5;
	_ =	sdelay $0x1  }
0xa2: {  	s23 =	simm.s32 $0x1B8B  }
0xa3: {  	_ =	swait.ge [sflag:s23], $0x1  }
0xa4: {  	[sflag:s23] =	ssyncset.done $0x0  }
0xa5: {  	s25 =	simm.s32 $0x1B8E;
	s24 =	sld [smem:$0x3FFE];
	[sflag:s23] =	ssyncadd.s32 $0xFFFFFFFF  }
0xa6: {  	s26 =	simm.s32 $execute0_lowered;
	[smem:$0x3FD2] =	sst s25  }
0xa7: {  	s6 =	sshll.u32 s26, $0x1;
	_ =	strace $0x80000046;
	[dreg:$0x1] =	wrdreg $0xFFFFFFFF  }
0xa8: {  	s28 =	simm.s32 $_size_execute0_lowered;
	s4 =	sadd.s32 s4, s6;
	[dreg:$0x0] =	wrdreg $0x0  }
0xa9: {  	s6 =	sshll.u32 s28, $0x1;
	[dreg:$0x2] =	wrdreg s4  }
0xaa: {  	[dreg:$0x3] =	wrdreg s6  }
0xab: {  	[dreg:$0x4] =	wrdreg $0xC0  }
0xac: {  	_ =	task [dreg:s8], $0x5FFFF  }
0xad: {  	[dreg:$0x1] =	wrdreg $0xFFFFFFFF  }
0xae: {  	[dreg:$0x0] =	wrdreg $0x60  }
0xaf: {  	[dreg:$0x2] =	wrdreg s2  }
0xb0: {  	[dreg:$0x3] =	wrdreg s24  }
0xb1: {  	[dreg:$0x4] =	wrdreg s18  }
0xb2: {  	[dreg:$0x5] =	wrdreg $0xC1800  }
0xb3: {  	[dreg:$0x6] =	wrdreg $0x9  }
0xb4: {  	_ =	task.clear_ibuf [dreg:s8], $0x7FFFF;
	_ =	strace $0x90000046  }
0xb5: {  	s29 =	simm.s32 $0x9;
	_ =	strace $0x80000048  }
0xb6: {  	_ =	swait.ge [sflag:s29], $0x1  }
0xb7: {  	[sflag:s29] =	ssyncadd.s32 $0xFFFFFFFF  }
0xb8: {  	_ =	strace $0x90000048  }
0xb9: {  	_ =	sfence  }
0xba: {  	s30 =	sld [smem:$0x0];
	_ =	sdelay $0x2  }
0xbb: {  	s31 =	sshll.u32 s1, $0xD;
	s1 =	sshrl.u32 s1, $0x2  }
0xbc: {  	s3 =	sand.u32 $0x4000, s31;
	s1 =	sadd.s32 s1, s30  }
0xbd: {  	s0 =	sor.u32 s3, s0;
	s1 =	sshll.u32 s1, $0x11  }
0xbe: {  	s0 =	sor.u32 s1, s0  }
0xbf: {  	s0 =	sadd.s32 $0x8F2B, s0  }
0xc0: {  	[sflag:s0] =	ssyncadd.remote.s32 $0x1  }
0xc1: {  	_ =	sfence.sel $0xFFFF  }
0xc2: {  	[dreg:$0x0] =	wrdreg $0xFFFFFFFF;
	(pc) =	sbr.abs _section_cstart, $3  }
0xc3: {  	[dreg:$0x1] =	wrdreg $0xFFFFFFFF  }
0xc4: {  	_ =	task.clear_ibuf [dreg:s8], $0x2FFFF;
	_ =	strace $0x9FFFFFFF  }
0xc5: {  	(tm) =	ssettm $0x7FFFFFFF  }
tec
execute0_lowered:
.L_overlay_start_1:
0x0: {  	(tag) =	ssettag $0x1  }
0x1: {  	s0 =	rddreg [dreg:$0x0]  }
0x2: {  	s1 =	rddreg [dreg:$0x1]  }
0x3: {  	s2 =	rddreg [dreg:$0x2];
	s4 =	srdreg.scid  }
0x4: {  	s11 =	stileid.u32;
	s3 =	rddreg [dreg:$0x3];
	s7 =	simm.s32 $0x0  }
0x5: {  	s15 =	simm.s32 $0xAD00;
	s16 =	simm.s32 $0x10;
	s17 =	simm.s32 $0xB080  }
0x6: {  	s18 =	simm.s32 $0xB180;
	s19 =	simm.s32 $0x7;
	s20 =	simm.s32 $0x0  }
0x7: {  	s4 =	sand.u32 $0x1, s4;
	s5 =	sshll.u32 s11, $0x1;
	s8 =	smul.u32 $0x4F000, s11  }
0x8: {  	[smem:$0x7FF] =	sst s7;
	s10 =	smul.u32 $0x2780, s11;
	p0 =	seq.s32 s11, $0xF  }
0x9: {  	s6 =	sor.u32 s4, s5;
	_ =	strace $0x80000047;
	s4 =	ssub.s32 $0x2, s4  }
0xa: {  	s5 =	sadd.s32 $0x800, s1;
	s28 =	smul.u32 $0x1400, s6;
	s9 =	sshrl.u32 s4, $0x1  }
0xb: {  	s29 =	sshrl.u32 s8, $0x2;
	s6 =	smul.u32 $0x140, s6;
	s30 =	sadd.s32 s0, s10  }
.Ltmp0:
0xc: {  	s10 =	sadd.s32 $0x128400, s3;
	s0 =	sadd.s32 $0x25080, s0;
	(pc) =	sbr.rel .LBB2_1-.Ltmp0, $4  }
0xd: {  	s4 =	ssub.s32 s4, s9;
	s7 =	sadd.s32 s29, s3;
	[dreg:$0x5] =	wrdreg s30  }
0xe: {  	[dreg:$0x6] =	wrdreg s0;
	s10 =	sshrl.u32 @p0 s10, $0x3;
	s1 =	sadd.s32 s28, s1  }
0xf: {  	v2 =	vimm.f32 $-Inf;
	s31 =	sadd.s32 $0x140, s6;
	s8 =	sadd.s32 $0xA600, s1;
	s1 =	sshll.u32 @!p0 s11, $0x6  }
0x10: {  	v3 =	vimm.s32 $0x0;
	s9 =	smax.u32 s4, $0x1;
	s12 =	sshrl.u32 @!p0 s7, $0x3;
	v0 =	vmov s6;
	v1 =	vmov s31;
	s11 =	sor.u32 @!p0 $0x1C07, s1  }
.LBB2_22:
0x11: {  	s20 =	sadd.s32 $0x1, s20  }
0x12: {  	p1 =	sne.s32 s20, s9  }
.Ltmp1:
0x13: {  	s0 =	simm.s32 $0x0;
	(pc) =	sbr.rel @!p1 .LBB2_23-.Ltmp1, $4  }
0x14: {  	[hbm4b:s8+s0] =	stream.linear.scatter [tilespmem:s0], [sflag:$0x7], $0xA000, $0x38;
	[tilespmem:$0x1FA00] =	vst v63  }
0x15: {  	_ =	swait.ge [sflag:s19], $0xA000  }
0x16: {  	[sflag:s19] =	ssyncset.done $0x0  }
0x17: {  	[sflag:s19] =	ssyncadd.s32 $0xFFFF6000  }
.LBB2_1:
0x18: {  	s0 =	simm.s32 @p0 $0x1FC7;
	s1 =	rddreg [dreg:$0x6]  }
0x19: {  	[spmem:s10], [sflag:s0] =	dma.local @p0 [hbm:s1], $0x2080  }
0x1a: {  	s0 =	simm.s32 @p0 $0x7  }
0x1b: {  	_ =	swait.ge @p0 [sflag:s0], $0x2080  }
0x1c: {  	[sflag:s0] =	ssyncset.done @p0 $0x0  }
0x1d: {  	[sflag:s0] =	ssyncadd.s32 @p0 $0xFFFFDF80;
	s0 =	rddreg [dreg:$0x5]  }
0x1e: {  	[spmem:s12], [sflag:s11] =	dma.local @!p0 [hbm:s0], $0x2780  }
0x1f: {  	s0 =	simm.s32 @!p0 $0x7  }
0x20: {  	_ =	swait.ge @!p0 [sflag:s0], $0x2780  }
0x21: {  	[sflag:s0] =	ssyncset.done @!p0 $0x0  }
0x22: {  	s1 =	simm.s32 $0x0;
	[sflag:s0] =	ssyncadd.s32 @!p0 $0xFFFFD880;
	s0 =	simm.s32 $0x40  }
.LBB2_2:
0x23: {  	p1 =	sne.s32 s0, $0x27FC0;
	[tilespmem:s1+$0x0] =	vst v2;
	s1 =	smov.u32 s0;
	s0 =	sadd.s32 $0x40, s0  }
.Ltmp2:
0x24: {  	(pc) =	sbr.rel @p1 .LBB2_2-.Ltmp2, $2  }
0x25: {  	_ =	sdelay $0x2  }
0x26: {  	s1 =	sshra.s32 s1, $0x2  }
0x27: {  	[tilespmem:s1+$0x0] =	vst v2;
	s21 =	simm.s32 $0x0;
	s0 =	simm.s32 $0xA000  }
0x28: {  	[tilespmem:s0], [sflag:$0x1] =	stream.linear.gather [hbm4b:s5+s21], $0x320, $0x38;
	[tilespmem:$0x1FA00] =	vst v63  }
.Ltmp3:
0x29: {  	_ = 	snop;
	(pc) =	sbr.rel .LBB2_5-.Ltmp3, $4  }
0x2a: {  	s31 =	simm.s32 $0xA680  }
0x2b: {  	[tilespmem:s31], [sflag:$0x3] =	stream.linear.gather [hbm4b:s2+s21], $0x320, $0x38;
	[tilespmem:$0x1FA00] =	vst v63  }
0x2c: {  	[bflag:$0x0] =	sbarrier.arrive $0xFFFF  }
0x2d: {  	p1 =	por $0x0, $0x0  }
.LBB2_4:
0x2e: {  	p2 =	seq.s32 s21, $0x190  }
.Ltmp4:
0x2f: {  	_ = 	snop;
	(pc) =	sbr.rel @p2 .LBB2_22-.Ltmp4, $2  }
0x30: {  	_ =	sdelay $0x2  }
0x31: {  	p1 =	por !p1, !p1  }
.LBB2_5:
0x32: {  	s0 =	sand.u32 $0x1, s21;
	s1 =	simm.s32 $0x1;
	p2 =	seq.s32 s21, $0x18F  }
0x33: {  	s21 =	sadd.s32 $0x1, s21;
	s4 =	sadd.s32 $0x1, s0;
	s1 =	simm.s32 @!p1 $0x0  }
0x34: {  	s29 =	simm.s32 $0x0;
	_ =	swait.ge [sflag:s4], $0x320;
	s1 =	smul.u32 $0xC80, s1  }
0x35: {  	s28 =	sadd.s32 $0x3, s0;
	s0 =	sxor.u32 @!p2 $0x1, s0;
	[sflag:s4] =	ssyncset.done $0x0  }
0x36: {  	s7 =	smul.u32 @!p2 $0x64, s21;
	[sflag:s4] =	ssyncadd.s32 $0xFFFFFCE0;
	s1 =	sshrl.u32 s1, $0x2  }
0x37: {  	s6 =	smul.u32 @!p2 $0x320, s0;
	_ =	swait.ge [sflag:s28], $0x320;
	s13 =	sadd.s32 $0xA680, s1  }
0x38: {  	s23 =	simm.s32 @!p2 $0x0;
	s14 =	sadd.s32 @!p2 $0x1, s0;
	[sflag:s28] =	ssyncset.done $0x0;
	v4 =	vmov s13  }
0x39: {  	s22 =	sadd.s32 @!p2 s5, s7;
	s4 =	sor.u32 @!p2 $0xA000, s6;
	[sflag:s28] =	ssyncadd.s32 $0xFFFFFCE0  }
0x3a: {  	[tilespmem:s4], [sflag:s14] =	stream.linear.gather @!p2 [hbm4b:s22+s23], $0x320, $0x38;
	[tilespmem:$0x1FA00] =	vst v63  }
0x3b: {  	s0 =	sadd.s32 @!p2 $0x3, s0;
	s4 =	sadd.s32 @!p2 $0xA680, s6;
	s6 =	sadd.s32 @!p2 s2, s7  }
0x3c: {  	[tilespmem:s4], [sflag:s0] =	stream.linear.gather @!p2 [hbm4b:s6+s23], $0x320, $0x38;
	[tilespmem:$0x1FA00] =	vst v63  }
0x3d: {  	v6 =	vld.idx.msk [tilespmem:v4+s29+$0x0 ss:$0x1], $0xffff;
	_ =	sdelay $0x4  }
0x3e: {  	vm0 =	vge.s32 v6, v0;
	vm1 =	vlt.s32 v6, v1  }
0x3f: {  	vm0 =	vmand vm0, vm1  }
0x40: {  	s30 =	sor.u32 $0xA000, s1;
	v7 =	vsel vm0, $0x1, v3  }
0x41: {  	v5 =	vmov s30;
	(xrf0) =	vadd.scan.msk.s32 $0xffff, v7;
	_ =	sdelay $0x4  }
0x42: {  	v7 =	vld.idx.msk [tilespmem:v5+s29+$0x0 ss:$0x1], $0xffff  }
0x43: {  	s31 =	simm.s32 $0xFFFFFFFF;
	v8, _, _ =	vpop (xrf0)  }
0x44: {  	v9 =	vadd.s32 s31, v8;
	(v2sf) =	vpush v8, $0xF;
	_ =	sdelay $0x2  }
0x45: {  	v6 =	vsub.s32 v6, v0;
	v7 =	vshll.u32 v7, $0x9  }
0x46: {  	s7 =	simm.s32 $0x10;
	s4 =	sadd.s32 $0xA8D0, s1;
	v6 =	vor.u32 v6, v7  }
0x47: {  	s1 =	sadd.s32 $0xA250, s1;
	s6 =	simm.s32 $0x80;
	s0 =	simm.s32 $0x0;
	[tilespmem:v9+s15+$0x0] =	vst.idx.msk vm0, v6  }
.LBB2_6:
0x48: {  	p2 =	sne.s32 s6, $0x900;
	v6 =	vld.idx.msk [tilespmem:v4+s7+$0x0 ss:$0x1], $0xffff;
	_ =	sdelay $0x5  }
0x49: {  	vm0 =	vge.s32 v6, v0;
	vm1 =	vlt.s32 v6, v1;
	v6 =	vsub.s32 v6, v0  }
0x4a: {  	vm0 =	vmand vm0, vm1  }
0x4b: {  	v7 =	vsel vm0, $0x1, v3  }
0x4c: {  	(xrf0) =	vadd.scan.msk.s32 $0xffff, v7;
	s13 =	spop (v2sf)  }
0x4d: {  	s0 =	sadd.s32 s0, s13  }
0x4e: {  	s13 =	sadd.s32 $0xFFFFFFFF, s0;
	_ =	sdelay $0x1  }
0x4f: {  	v7 =	vld.idx.msk [tilespmem:v5+s7+$0x0 ss:$0x1], $0xffff;
	_ =	sdelay $0x1  }
0x50: {  	v8, _, _ =	vpop (xrf0)  }
0x51: {  	v9 =	vadd.s32 s13, v8;
	(v2sf) =	vpush v8, $0xF  }
.Ltmp5:
0x52: {  	(pc) =	sbr.rel @p2 .LBB2_6-.Ltmp5, $4  }
0x53: {  	_ = 	snop  }
0x54: {  	v7 =	vshll.u32 v7, $0x9  }
0x55: {  	v6 =	vor.u32 v6, v7  }
0x56: {  	s7 =	sshra.s32 s6, $0x2;
	s6 =	sadd.s32 $0x40, s6;
	[tilespmem:v9+s15+$0x0] =	vst.idx.msk vm0, v6  }
0x57: {  	_ =	sdelay $0x3  }
0x58: {  	v4 =	vld.idx.msk [tilespmem:v4+s7+$0x0 ss:$0x1], $0xffff;
	_ =	sdelay $0x4  }
0x59: {  	vm0 =	vge.s32 v4, v0;
	vm1 =	vlt.s32 v4, v1  }
0x5a: {  	vm0 =	vmand vm0, vm1  }
0x5b: {  	v6 =	vsel vm0, $0x1, v3  }
0x5c: {  	(xrf0) =	vadd.scan.msk.s32 $0xffff, v6;
	_ =	sdelay $0x5  }
0x5d: {  	v6, _, _ =	vpop (xrf0)  }
0x5e: {  	(v2sf) =	vpush v6, $0xF;
	_ =	sdelay $0x8  }
0x5f: {  	s6 =	spop (v2sf)  }
0x60: {  	v5 =	vld.idx.msk [tilespmem:v5+s7+$0x0 ss:$0x1], $0xffff;
	s0 =	sadd.s32 s0, s6  }
0x61: {  	s6 =	sadd.s32 $0xFFFFFFFF, s0  }
0x62: {  	v6 =	vadd.s32 s6, v6;
	_ =	sdelay $0x2  }
0x63: {  	v4 =	vsub.s32 v4, v0;
	v5 =	vshll.u32 v5, $0x9;
	s29 =	spop (v2sf)  }
0x64: {  	v4 =	vor.u32 v4, v5;
	s0 =	sadd.s32 s0, s29  }
0x65: {  	[tilespmem:v6+s15+$0x0] =	vst.idx.msk vm0, v4;
	p2 =	slt.s32 s0, $0x10  }
0x66: {  	v4 =	vld @!p2 [tilespmem:$0xAD00];
	_ =	sdelay $0x3  }
0x67: {  	v5 =	vmov s4  }
0x68: {  	v4 =	vshrl.u32 @!p2 v4, $0x9  }
0x69: {  	s30 =	simm.s32 $0x0;
	v4 =	vmin.u32 @!p2 v4, $0x270F  }
0x6a: {  	s4 =	simm.s32 @!p2 $0x10;
	s6 =	simm.s32 @!p2 $0xB080;
	s7 =	simm.s32 @!p2 $0xB180;
	[tilespmem:$0xB080] =	vst @!p2 v4  }
0x6b: {  	[tilespmem:s7], [sflag:$0x5] =	stream.indirect.gather @!p2 [spmem:s3], $0x80, s6, s4, $0xb8;
	[tilespmem:$0x1FA00] =	vst v63  }
0x6c: {  	v6 =	vld.idx.msk [tilespmem:v5+s30+$0x0 ss:$0x1], $0xffff;
	_ =	sdelay $0x4  }
0x6d: {  	vm14 =	vge.s32 v6, v0;
	vm15 =	vlt.s32 v6, v1  }
0x6e: {  	vm0 =	vmand vm14, vm15  }
0x6f: {  	v7 =	vsel vm0, $0x1, v3  }
0x70: {  	v4 =	vmov s1;
	(xrf0) =	vadd.scan.msk.s32 $0xffff, v7;
	_ =	sdelay $0x4  }
0x71: {  	v7 =	vld.idx.msk [tilespmem:v4+s30+$0x0 ss:$0x1], $0xffff  }
0x72: {  	s31 =	sadd.s32 $0xFFFFFFFF, s0;
	v8, _, _ =	vpop (xrf0)  }
0x73: {  	v9 =	vadd.s32 s31, v8;
	(v2sf) =	vpush v8, $0xF;
	_ =	sdelay $0x2  }
0x74: {  	v6 =	vsub.s32 v6, v0;
	v7 =	vshll.u32 v7, $0x9  }
0x75: {  	v6 =	vor.u32 v6, v7  }
0x76: {  	s1 =	smov.u32 s0;
	s4 =	simm.s32 $0x10;
	s6 =	simm.s32 $0x80;
	[tilespmem:v9+s15+$0x0] =	vst.idx.msk vm0, v6  }
.LBB2_8:
0x77: {  	p2 =	sne.s32 s6, $0x300;
	v6 =	vld.idx.msk [tilespmem:v5+s4+$0x0 ss:$0x1], $0xffff;
	_ =	sdelay $0x5  }
0x78: {  	vm0 =	vge.s32 v6, v0;
	vm1 =	vlt.s32 v6, v1;
	v6 =	vsub.s32 v6, v0  }
0x79: {  	vm0 =	vmand vm0, vm1  }
0x7a: {  	v7 =	vsel vm0, $0x1, v3  }
0x7b: {  	(xrf0) =	vadd.scan.msk.s32 $0xffff, v7;
	s7 =	spop (v2sf)  }
0x7c: {  	s1 =	sadd.s32 s1, s7  }
0x7d: {  	s7 =	sadd.s32 $0xFFFFFFFF, s1;
	_ =	sdelay $0x1  }
0x7e: {  	v7 =	vld.idx.msk [tilespmem:v4+s4+$0x0 ss:$0x1], $0xffff;
	_ =	sdelay $0x1  }
0x7f: {  	v8, _, _ =	vpop (xrf0)  }
0x80: {  	v9 =	vadd.s32 s7, v8;
	(v2sf) =	vpush v8, $0xF  }
.Ltmp6:
0x81: {  	(pc) =	sbr.rel @p2 .LBB2_8-.Ltmp6, $4  }
0x82: {  	_ = 	snop  }
0x83: {  	v7 =	vshll.u32 v7, $0x9  }
0x84: {  	v6 =	vor.u32 v6, v7  }
0x85: {  	s4 =	sshra.s32 s6, $0x2;
	s6 =	sadd.s32 $0x40, s6;
	[tilespmem:v9+s15+$0x0] =	vst.idx.msk vm0, v6  }
0x86: {  	_ =	sdelay $0x3  }
0x87: {  	v5 =	vld.idx.msk [tilespmem:v5+s4+$0x0 ss:$0x1], $0xffff;
	_ =	sdelay $0x4  }
0x88: {  	vm0 =	vge.s32 v5, v0;
	vm1 =	vlt.s32 v5, v1  }
0x89: {  	vm0 =	vmand vm0, vm1  }
0x8a: {  	v6 =	vsel vm0, $0x1, v3  }
0x8b: {  	(xrf0) =	vadd.scan.msk.s32 $0xffff, v6;
	_ =	sdelay $0x5  }
0x8c: {  	v6, _, _ =	vpop (xrf0)  }
0x8d: {  	(v2sf) =	vpush v6, $0xF;
	_ =	sdelay $0xd  }
0x8e: {  	s6 =	spop (v2sf)  }
0x8f: {  	s1 =	sadd.s32 s1, s6;
	s29 =	spop (v2sf)  }
0x90: {  	s22 =	sadd.s32 s1, s29  }
0x91: {  	s6 =	sadd.s32 $0xF, s22  }
0x92: {  	s7 =	sand.u32 $0xF, s6  }
0x93: {  	s30 =	sshra.s32 s6, $0x1F;
	p3 =	slt.s32 s6, $0x1;
	p2 =	sne.s32 s7, $0x0  }
0x94: {  	v4 =	vld.idx.msk [tilespmem:v4+s4+$0x0 ss:$0x1], $0xffff;
	s1 =	sadd.s32 $0xFFFFFFFF, s1;
	s4 =	sshrl.u32 s30, $0x1C;
	p2 =	por !p3, !p2  }
0x95: {  	s31 =	sadd.s32 s4, s6;
	s4 =	simm.s32 $0x1;
	p2 =	por !p2, !p2  }
0x96: {  	v6 =	vadd.s32 s1, v6;
	s1 =	sshra.s32 s31, $0x4;
	s4 =	simm.s32 @!p2 $0x0  }
0x97: {  	p2 =	sgt.s32 s0, $0xF;
	s23 =	ssub.s32 s1, s4  }
0x98: {  	p3 =	slt.s32 @!p2 s23, $0x1  }
0x99: {  	p2 =	por p2, p3  }
.Ltmp7:
0x9a: {  	_ = 	snop;
	(pc) =	sbr.rel @p2 .LBB2_11-.Ltmp7, $4  }
0x9b: {  	_ = 	snop  }
0x9c: {  	v5 =	vsub.s32 v5, v0;
	v4 =	vshll.u32 v4, $0x9  }
0x9d: {  	v4 =	vor.u32 v5, v4  }
0x9e: {  	[tilespmem:v6+s15+$0x0] =	vst.idx.msk vm0, v4  }
0x9f: {  	v4 =	vld [tilespmem:$0xAD00];
	_ =	sdelay $0x3  }
.Ltmp8:
0xa0: {  	_ = 	snop;
	(pc) =	sbr.rel .LBB2_12-.Ltmp8, $4  }
0xa1: {  	v4 =	vshrl.u32 v4, $0x9  }
0xa2: {  	v4 =	vmin.u32 v4, $0x270F  }
0xa3: {  	[tilespmem:$0xB080] =	vst v4  }
0xa4: {  	[tilespmem:s18], [sflag:$0x5] =	stream.indirect.gather [spmem:s3], $0x80, s17, s16, $0xb8;
	[tilespmem:$0x1FA00] =	vst v63  }
.LBB2_11:
0xa5: {  	p2 =	slt.s32 s23, $0x1  }
.Ltmp9:
0xa6: {  	_ = 	snop;
	(pc) =	sbr.rel @p2 .LBB2_4-.Ltmp9, $1  }
0xa7: {  	_ =	sdelay $0x3  }
.LBB2_12:
.Ltmp10:
0xa8: {  	(pc) =	sbr.rel .LBB2_14-.Ltmp10, $3  }
0xa9: {  	_ =	sdelay $0x1  }
0xaa: {  	s26 =	simm.s32 $0x0  }
0xab: {  	s6 =	simm.s32 $0xAD00;
	p2 =	por $0x0, $0x0;
	s25 =	smov.u32 s22  }
.LBB2_21:
0xac: {  	[tilespmem:s4+$0x70] =	vst v4  }
.LBB2_13:
0xad: {  	p3 =	seq.s32 s26, s23  }
.Ltmp11:
0xae: {  	_ = 	snop;
	(pc) =	sbr.rel @p3 .LBB2_4-.Ltmp11, $2  }
0xaf: {  	_ =	sdelay $0x2  }
0xb0: {  	s25 =	sadd.s32 $0xFFFFFFF0, s25;
	s6 =	sadd.s32 $0x10, s6;
	p2 =	por !p2, !p2  }
.LBB2_14:
0xb1: {  	s1 =	sand.u32 $0x1, s26  }
0xb2: {  	s0 =	smov.u32 s26;
	s26 =	sadd.s32 $0x1, s26;
	s4 =	sadd.s32 $0x5, s1  }
0xb3: {  	p3 =	sge.s32 s26, s23;
	_ =	swait.ge [sflag:s4], $0x800  }
0xb4: {  	s7 =	sshll.u32 @!p3 s26, $0x6;
	[sflag:s4] =	ssyncset.done $0x0  }
0xb5: {  	[sflag:s4] =	ssyncadd.s32 $0xFFFFF800;
	s4 =	sshra.s32 @!p3 s7, $0x2  }
0xb6: {  	v4 =	vld @!p3 [tilespmem:s4+$0xAD00];
	_ =	sdelay $0x3  }
0xb7: {  	s0 =	sshll.u32 s0, $0x4  }
0xb8: {  	s1 =	sxor.u32 @!p3 $0x1, s1;
	s28 =	ssub.s32 s22, s0;
	v4 =	vshrl.u32 @!p3 v4, $0x9  }
0xb9: {  	s13 =	sshll.u32 @!p3 s1, $0xB;
	s4 =	sshll.u32 @!p3 s1, $0x7;
	s1 =	sadd.s32 @!p3 $0x5, s1;
	v4 =	vmin.u32 @!p3 v4, $0x270F  }
0xba: {  	s7 =	sadd.s32 @!p3 $0xB080, s4;
	[tilespmem:s4+$0xB080] =	vst @!p3 v4;
	s4 =	sor.u32 @!p3 $0xB180, s13;
	s13 =	simm.s32 @!p3 $0x10  }
0xbb: {  	[tilespmem:s4], [sflag:s1] =	stream.indirect.gather @!p3 [spmem:s3], $0x80, s7, s13, $0xb8;
	[tilespmem:$0x1FA00] =	vst v63  }
0xbc: {  	p4 =	sne.s32 s22, s0;
	s0 =	simm.s32 $0x1;
	p3 =	slt.s32 s28, $0x10  }
0xbd: {  	s0 =	simm.s32 @!p4 $0x0;
	s13 =	sshra.s32 s28, $0x1F;
	s28 =	simm.s32 @!p3 $0x10  }
0xbe: {  	s0 =	sor.u32 s0, s13;
	s14 =	sand.u32 $0x3, s28  }
0xbf: {  	s24 =	sshra.s32 s28, $0x1F;
	p5 =	sne.s32 s0, $0x1;
	p6 =	sne.s32 s14, $0x0  }
0xc0: {  	s31 =	sshrl.u32 s24, $0x1E;
	p3 =	por !p5, !p6  }
0xc1: {  	s1 =	simm.s32 $0x1;
	s0 =	sadd.s32 s31, s28;
	p3 =	por !p3, !p3  }
0xc2: {  	s0 =	sshra.s32 s0, $0x2;
	s1 =	simm.s32 @!p3 $0x0  }
0xc3: {  	s29 =	ssub.s32 s0, s1  }
0xc4: {  	p3 =	slt.s32 s29, $0x1  }
.Ltmp12:
0xc5: {  	_ = 	snop;
	(pc) =	sbr.rel @p3 .LBB2_18-.Ltmp12, $4  }
0xc6: {  	_ = 	snop  }
0xc7: {  	s4 =	simm.s32 $0x1  }
0xc8: {  	s4 =	simm.s32 @!p2 $0x0  }
0xc9: {  	s30 =	sshll.u32 s4, $0xD  }
0xca: {  	v4 =	vld [tilespmem:s6+$0x0];
	_ =	sdelay $0x4  }
0xcb: {  	v4 =	vshll.u32 v4, $0x7  }
0xcc: {  	(v2sf) =	vpush v4, $0x0;
	_ =	sdelay $0x6  }
0xcd: {  	(v2sf) =	vpush v4, $0x1;
	_ =	sdelay $0x6  }
0xce: {  	s0 =	sshrl.u32 s30, $0x2  }
0xcf: {  	s7 =	sor.u32 $0xB280, s0;
	(v2sf) =	vpush v4, $0x2;
	s13 =	spop (v2sf)  }
0xd0: {  	v5 =	vld [tilespmem:s7+$0xFFFFFF00];
	s1 =	sand.u32 $0xFF80, s13  }
0xd1: {  	v6 =	vld [tilespmem:s1+$0x0];
	_ =	sdelay $0x4  }
0xd2: {  	s14 =	spop (v2sf);
	v5 =	vmax.f32 v6, v5  }
0xd3: {  	(v2sf) =	vpush v4, $0x3;
	s0 =	sand.u32 $0xFF80, s14;
	[tilespmem:s1+$0x0] =	vst v5  }
0xd4: {  	v4 =	vld [tilespmem:s0+$0x0]  }
0xd5: {  	v5 =	vld [tilespmem:s7+$0xFFFFFF80];
	_ =	sdelay $0x4  }
0xd6: {  	s4 =	spop (v2sf);
	v4 =	vmax.f32 v4, v5  }
0xd7: {  	s13 =	sand.u32 $0xFF80, s4;
	[tilespmem:s0+$0x0] =	vst v4  }
0xd8: {  	v4 =	vld [tilespmem:s13+$0x0]  }
0xd9: {  	v5 =	vld [tilespmem:s7+$0x0];
	_ =	sdelay $0x4  }
0xda: {  	s24 =	spop (v2sf);
	v4 =	vmax.f32 v4, v5  }
0xdb: {  	s14 =	sand.u32 $0xFF80, s24;
	[tilespmem:s13+$0x0] =	vst v4  }
0xdc: {  	v4 =	vld [tilespmem:s14+$0x0]  }
0xdd: {  	v5 =	vld [tilespmem:s7+$0x80];
	_ =	sdelay $0x4  }
0xde: {  	v4 =	vmax.f32 v4, v5  }
0xdf: {  	[tilespmem:s14+$0x0] =	vst v4  }
0xe0: {  	v4 =	vld [tilespmem:s1+$0x10]  }
0xe1: {  	v5 =	vld [tilespmem:s7+$0xFFFFFF10];
	_ =	sdelay $0x4  }
0xe2: {  	v4 =	vmax.f32 v4, v5  }
0xe3: {  	[tilespmem:s1+$0x10] =	vst v4  }
0xe4: {  	v4 =	vld [tilespmem:s0+$0x10]  }
0xe5: {  	v5 =	vld [tilespmem:s7+$0xFFFFFF90];
	_ =	sdelay $0x4  }
0xe6: {  	v4 =	vmax.f32 v4, v5  }
0xe7: {  	[tilespmem:s0+$0x10] =	vst v4  }
0xe8: {  	v4 =	vld [tilespmem:s13+$0x10]  }
0xe9: {  	v5 =	vld [tilespmem:s7+$0x10];
	_ =	sdelay $0x4  }
0xea: {  	v4 =	vmax.f32 v4, v5  }
0xeb: {  	[tilespmem:s13+$0x10] =	vst v4  }
0xec: {  	v4 =	vld [tilespmem:s14+$0x10]  }
0xed: {  	v5 =	vld [tilespmem:s7+$0x90];
	_ =	sdelay $0x4  }
0xee: {  	v4 =	vmax.f32 v4, v5  }
0xef: {  	[tilespmem:s14+$0x10] =	vst v4  }
0xf0: {  	v4 =	vld [tilespmem:s1+$0x20]  }
0xf1: {  	v5 =	vld [tilespmem:s7+$0xFFFFFF20];
	_ =	sdelay $0x4  }
0xf2: {  	v4 =	vmax.f32 v4, v5  }
0xf3: {  	[tilespmem:s1+$0x20] =	vst v4  }
0xf4: {  	v4 =	vld [tilespmem:s0+$0x20]  }
0xf5: {  	v5 =	vld [tilespmem:s7+$0xFFFFFFA0];
	_ =	sdelay $0x4  }
0xf6: {  	v4 =	vmax.f32 v4, v5  }
0xf7: {  	[tilespmem:s0+$0x20] =	vst v4  }
0xf8: {  	v4 =	vld [tilespmem:s13+$0x20]  }
0xf9: {  	v5 =	vld [tilespmem:s7+$0x20];
	_ =	sdelay $0x4  }
0xfa: {  	v4 =	vmax.f32 v4, v5  }
0xfb: {  	[tilespmem:s13+$0x20] =	vst v4  }
0xfc: {  	v4 =	vld [tilespmem:s14+$0x20]  }
0xfd: {  	v5 =	vld [tilespmem:s7+$0xA0];
	_ =	sdelay $0x4  }
0xfe: {  	v4 =	vmax.f32 v4, v5  }
0xff: {  	[tilespmem:s14+$0x20] =	vst v4  }
0x100: {  	v4 =	vld [tilespmem:s1+$0x30]  }
0x101: {  	v5 =	vld [tilespmem:s7+$0xFFFFFF30];
	_ =	sdelay $0x4  }
0x102: {  	v4 =	vmax.f32 v4, v5  }
0x103: {  	[tilespmem:s1+$0x30] =	vst v4  }
0x104: {  	v4 =	vld [tilespmem:s0+$0x30]  }
0x105: {  	v5 =	vld [tilespmem:s7+$0xFFFFFFB0];
	_ =	sdelay $0x4  }
0x106: {  	v4 =	vmax.f32 v4, v5  }
0x107: {  	[tilespmem:s0+$0x30] =	vst v4  }
0x108: {  	v4 =	vld [tilespmem:s13+$0x30]  }
0x109: {  	v5 =	vld [tilespmem:s7+$0x30];
	_ =	sdelay $0x4  }
0x10a: {  	v4 =	vmax.f32 v4, v5  }
0x10b: {  	[tilespmem:s13+$0x30] =	vst v4  }
0x10c: {  	v4 =	vld [tilespmem:s14+$0x30]  }
0x10d: {  	v5 =	vld [tilespmem:s7+$0xB0];
	_ =	sdelay $0x4  }
0x10e: {  	v4 =	vmax.f32 v4, v5  }
0x10f: {  	[tilespmem:s14+$0x30] =	vst v4  }
0x110: {  	v4 =	vld [tilespmem:s1+$0x40]  }
0x111: {  	v5 =	vld [tilespmem:s7+$0xFFFFFF40];
	_ =	sdelay $0x4  }
0x112: {  	v4 =	vmax.f32 v4, v5  }
0x113: {  	[tilespmem:s1+$0x40] =	vst v4  }
0x114: {  	v4 =	vld [tilespmem:s0+$0x40]  }
0x115: {  	v5 =	vld [tilespmem:s7+$0xFFFFFFC0];
	_ =	sdelay $0x4  }
0x116: {  	v4 =	vmax.f32 v4, v5  }
0x117: {  	[tilespmem:s0+$0x40] =	vst v4  }
0x118: {  	v4 =	vld [tilespmem:s13+$0x40]  }
0x119: {  	v5 =	vld [tilespmem:s7+$0x40];
	_ =	sdelay $0x4  }
0x11a: {  	v4 =	vmax.f32 v4, v5  }
0x11b: {  	[tilespmem:s13+$0x40] =	vst v4  }
0x11c: {  	v4 =	vld [tilespmem:s14+$0x40]  }
0x11d: {  	v5 =	vld [tilespmem:s7+$0xC0];
	_ =	sdelay $0x4  }
0x11e: {  	v4 =	vmax.f32 v4, v5  }
0x11f: {  	[tilespmem:s14+$0x40] =	vst v4  }
0x120: {  	v4 =	vld [tilespmem:s1+$0x50]  }
0x121: {  	v5 =	vld [tilespmem:s7+$0xFFFFFF50];
	_ =	sdelay $0x4  }
0x122: {  	v4 =	vmax.f32 v4, v5  }
0x123: {  	[tilespmem:s1+$0x50] =	vst v4  }
0x124: {  	v4 =	vld [tilespmem:s0+$0x50]  }
0x125: {  	v5 =	vld [tilespmem:s7+$0xFFFFFFD0];
	_ =	sdelay $0x4  }
0x126: {  	v4 =	vmax.f32 v4, v5  }
0x127: {  	[tilespmem:s0+$0x50] =	vst v4  }
0x128: {  	v4 =	vld [tilespmem:s13+$0x50]  }
0x129: {  	v5 =	vld [tilespmem:s7+$0x50];
	_ =	sdelay $0x4  }
0x12a: {  	v4 =	vmax.f32 v4, v5  }
0x12b: {  	[tilespmem:s13+$0x50] =	vst v4  }
0x12c: {  	v4 =	vld [tilespmem:s14+$0x50]  }
0x12d: {  	v5 =	vld [tilespmem:s7+$0xD0];
	_ =	sdelay $0x4  }
0x12e: {  	v4 =	vmax.f32 v4, v5  }
0x12f: {  	[tilespmem:s14+$0x50] =	vst v4  }
0x130: {  	v4 =	vld [tilespmem:s1+$0x60]  }
0x131: {  	v5 =	vld [tilespmem:s7+$0xFFFFFF60];
	_ =	sdelay $0x4  }
0x132: {  	v4 =	vmax.f32 v4, v5  }
0x133: {  	[tilespmem:s1+$0x60] =	vst v4  }
0x134: {  	v4 =	vld [tilespmem:s0+$0x60]  }
0x135: {  	v5 =	vld [tilespmem:s7+$0xFFFFFFE0];
	_ =	sdelay $0x4  }
0x136: {  	v4 =	vmax.f32 v4, v5  }
0x137: {  	[tilespmem:s0+$0x60] =	vst v4  }
0x138: {  	v4 =	vld [tilespmem:s13+$0x60]  }
0x139: {  	v5 =	vld [tilespmem:s7+$0x60];
	_ =	sdelay $0x4  }
0x13a: {  	v4 =	vmax.f32 v4, v5  }
0x13b: {  	[tilespmem:s13+$0x60] =	vst v4  }
0x13c: {  	v4 =	vld [tilespmem:s14+$0x60]  }
0x13d: {  	v5 =	vld [tilespmem:s7+$0xE0]  }
0x13e: {  	p3 =	sne.s32 s29, $0x1  }
.Ltmp13:
0x13f: {  	_ = 	snop;
	(pc) =	sbr.rel @!p3 .LBB2_17-.Ltmp13, $3  }
0x140: {  	_ =	sdelay $0x1  }
0x141: {  	v4 =	vmax.f32 v4, v5  }
0x142: {  	s31 =	smov.u32 s7;
	s4 =	sadd.s32 $0xFFFFFFFF, s29;
	s24 =	smov.u32 s6;
	[tilespmem:s14+$0x60] =	vst v4  }
.LBB2_16:
0x143: {  	p3 =	sne.s32 s4, $0x1;
	v4 =	vld [tilespmem:s1+$0x70];
	s24 =	sadd.s32 $0x4, s24;
	s31 =	sadd.s32 $0x200, s31  }
0x144: {  	s4 =	sadd.s32 $0xFFFFFFFF, s4;
	v5 =	vld [tilespmem:s7+$0xFFFFFF70];
	_ =	sdelay $0x4  }
0x145: {  	v4 =	vmax.f32 v4, v5  }
0x146: {  	[tilespmem:s1+$0x70] =	vst v4  }
0x147: {  	v4 =	vld [tilespmem:s0+$0x70]  }
0x148: {  	v5 =	vld [tilespmem:s7+$0xFFFFFFF0];
	_ =	sdelay $0x4  }
0x149: {  	v4 =	vmax.f32 v4, v5  }
0x14a: {  	[tilespmem:s0+$0x70] =	vst v4  }
0x14b: {  	v4 =	vld [tilespmem:s13+$0x70]  }
0x14c: {  	v5 =	vld [tilespmem:s7+$0x70];
	_ =	sdelay $0x4  }
0x14d: {  	v4 =	vmax.f32 v4, v5  }
0x14e: {  	[tilespmem:s13+$0x70] =	vst v4  }
0x14f: {  	v4 =	vld [tilespmem:s14+$0x70]  }
0x150: {  	v5 =	vld [tilespmem:s7+$0xF0];
	s7 =	smov.u32 s31;
	_ =	sdelay $0x4  }
0x151: {  	v4 =	vmax.f32 v4, v5  }
0x152: {  	[tilespmem:s14+$0x70] =	vst v4  }
0x153: {  	v4 =	vld [tilespmem:s24+$0x0];
	_ =	sdelay $0x4  }
0x154: {  	v4 =	vshll.u32 v4, $0x7  }
0x155: {  	(v2sf) =	vpush v4, $0x0  }
0x156: {  	(v2sf) =	vpush v4, $0x1  }
0x157: {  	(v2sf) =	vpush v4, $0x2  }
0x158: {  	(v2sf) =	vpush v4, $0x3;
	_ =	sdelay $0xb  }
0x159: {  	s0 =	spop (v2sf)  }
0x15a: {  	s1 =	sand.u32 $0xFF80, s0;
	v4 =	vld [tilespmem:s31+$0xFFFFFF00];
	s0 =	spop (v2sf)  }
0x15b: {  	v5 =	vld [tilespmem:s1+$0x0];
	s13 =	spop (v2sf)  }
0x15c: {  	s14 =	spop (v2sf);
	_ =	sdelay $0x3  }
0x15d: {  	v4 =	vmax.f32 v5, v4  }
0x15e: {  	s0 =	sand.u32 $0xFF80, s0;
	[tilespmem:s1+$0x0] =	vst v4  }
0x15f: {  	v4 =	vld [tilespmem:s0+$0x0]  }
0x160: {  	v5 =	vld [tilespmem:s31+$0xFFFFFF80];
	_ =	sdelay $0x4  }
0x161: {  	v4 =	vmax.f32 v4, v5  }
0x162: {  	s13 =	sand.u32 $0xFF80, s13;
	[tilespmem:s0+$0x0] =	vst v4  }
0x163: {  	v4 =	vld [tilespmem:s13+$0x0]  }
0x164: {  	v5 =	vld [tilespmem:s31+$0x0];
	_ =	sdelay $0x4  }
0x165: {  	v4 =	vmax.f32 v4, v5  }
0x166: {  	s14 =	sand.u32 $0xFF80, s14;
	[tilespmem:s13+$0x0] =	vst v4  }
0x167: {  	v4 =	vld [tilespmem:s14+$0x0]  }
0x168: {  	v5 =	vld [tilespmem:s31+$0x80];
	_ =	sdelay $0x4  }
0x169: {  	v4 =	vmax.f32 v4, v5  }
0x16a: {  	[tilespmem:s14+$0x0] =	vst v4  }
0x16b: {  	v4 =	vld [tilespmem:s1+$0x10]  }
0x16c: {  	v5 =	vld [tilespmem:s31+$0xFFFFFF10];
	_ =	sdelay $0x4  }
0x16d: {  	v4 =	vmax.f32 v4, v5  }
0x16e: {  	[tilespmem:s1+$0x10] =	vst v4  }
0x16f: {  	v4 =	vld [tilespmem:s0+$0x10]  }
0x170: {  	v5 =	vld [tilespmem:s31+$0xFFFFFF90];
	_ =	sdelay $0x4  }
0x171: {  	v4 =	vmax.f32 v4, v5  }
0x172: {  	[tilespmem:s0+$0x10] =	vst v4  }
0x173: {  	v4 =	vld [tilespmem:s13+$0x10]  }
0x174: {  	v5 =	vld [tilespmem:s31+$0x10];
	_ =	sdelay $0x4  }
0x175: {  	v4 =	vmax.f32 v4, v5  }
0x176: {  	[tilespmem:s13+$0x10] =	vst v4  }
0x177: {  	v4 =	vld [tilespmem:s14+$0x10]  }
0x178: {  	v5 =	vld [tilespmem:s31+$0x90];
	_ =	sdelay $0x4  }
0x179: {  	v4 =	vmax.f32 v4, v5  }
0x17a: {  	[tilespmem:s14+$0x10] =	vst v4  }
0x17b: {  	v4 =	vld [tilespmem:s1+$0x20]  }
0x17c: {  	v5 =	vld [tilespmem:s31+$0xFFFFFF20];
	_ =	sdelay $0x4  }
0x17d: {  	v4 =	vmax.f32 v4, v5  }
0x17e: {  	[tilespmem:s1+$0x20] =	vst v4  }
0x17f: {  	v4 =	vld [tilespmem:s0+$0x20]  }
0x180: {  	v5 =	vld [tilespmem:s31+$0xFFFFFFA0];
	_ =	sdelay $0x4  }
0x181: {  	v4 =	vmax.f32 v4, v5  }
0x182: {  	[tilespmem:s0+$0x20] =	vst v4  }
0x183: {  	v4 =	vld [tilespmem:s13+$0x20]  }
0x184: {  	v5 =	vld [tilespmem:s31+$0x20];
	_ =	sdelay $0x4  }
0x185: {  	v4 =	vmax.f32 v4, v5  }
0x186: {  	[tilespmem:s13+$0x20] =	vst v4  }
0x187: {  	v4 =	vld [tilespmem:s14+$0x20]  }
0x188: {  	v5 =	vld [tilespmem:s31+$0xA0];
	_ =	sdelay $0x4  }
0x189: {  	v4 =	vmax.f32 v4, v5  }
0x18a: {  	[tilespmem:s14+$0x20] =	vst v4  }
0x18b: {  	v4 =	vld [tilespmem:s1+$0x30]  }
0x18c: {  	v5 =	vld [tilespmem:s31+$0xFFFFFF30];
	_ =	sdelay $0x4  }
0x18d: {  	v4 =	vmax.f32 v4, v5  }
0x18e: {  	[tilespmem:s1+$0x30] =	vst v4  }
0x18f: {  	v4 =	vld [tilespmem:s0+$0x30]  }
0x190: {  	v5 =	vld [tilespmem:s31+$0xFFFFFFB0];
	_ =	sdelay $0x4  }
0x191: {  	v4 =	vmax.f32 v4, v5  }
0x192: {  	[tilespmem:s0+$0x30] =	vst v4  }
0x193: {  	v4 =	vld [tilespmem:s13+$0x30]  }
0x194: {  	v5 =	vld [tilespmem:s31+$0x30];
	_ =	sdelay $0x4  }
0x195: {  	v4 =	vmax.f32 v4, v5  }
0x196: {  	[tilespmem:s13+$0x30] =	vst v4  }
0x197: {  	v4 =	vld [tilespmem:s14+$0x30]  }
0x198: {  	v5 =	vld [tilespmem:s31+$0xB0];
	_ =	sdelay $0x4  }
0x199: {  	v4 =	vmax.f32 v4, v5  }
0x19a: {  	[tilespmem:s14+$0x30] =	vst v4  }
0x19b: {  	v4 =	vld [tilespmem:s1+$0x40]  }
0x19c: {  	v5 =	vld [tilespmem:s31+$0xFFFFFF40];
	_ =	sdelay $0x4  }
0x19d: {  	v4 =	vmax.f32 v4, v5  }
0x19e: {  	[tilespmem:s1+$0x40] =	vst v4  }
0x19f: {  	v4 =	vld [tilespmem:s0+$0x40]  }
0x1a0: {  	v5 =	vld [tilespmem:s31+$0xFFFFFFC0];
	_ =	sdelay $0x4  }
0x1a1: {  	v4 =	vmax.f32 v4, v5  }
0x1a2: {  	[tilespmem:s0+$0x40] =	vst v4  }
0x1a3: {  	v4 =	vld [tilespmem:s13+$0x40]  }
0x1a4: {  	v5 =	vld [tilespmem:s31+$0x40];
	_ =	sdelay $0x4  }
0x1a5: {  	v4 =	vmax.f32 v4, v5  }
0x1a6: {  	[tilespmem:s13+$0x40] =	vst v4  }
0x1a7: {  	v4 =	vld [tilespmem:s14+$0x40]  }
0x1a8: {  	v5 =	vld [tilespmem:s31+$0xC0];
	_ =	sdelay $0x4  }
0x1a9: {  	v4 =	vmax.f32 v4, v5  }
0x1aa: {  	[tilespmem:s14+$0x40] =	vst v4  }
0x1ab: {  	v4 =	vld [tilespmem:s1+$0x50]  }
0x1ac: {  	v5 =	vld [tilespmem:s31+$0xFFFFFF50];
	_ =	sdelay $0x4  }
0x1ad: {  	v4 =	vmax.f32 v4, v5  }
0x1ae: {  	[tilespmem:s1+$0x50] =	vst v4  }
0x1af: {  	v4 =	vld [tilespmem:s0+$0x50]  }
0x1b0: {  	v5 =	vld [tilespmem:s31+$0xFFFFFFD0];
	_ =	sdelay $0x4  }
0x1b1: {  	v4 =	vmax.f32 v4, v5  }
0x1b2: {  	[tilespmem:s0+$0x50] =	vst v4  }
0x1b3: {  	v4 =	vld [tilespmem:s13+$0x50]  }
0x1b4: {  	v5 =	vld [tilespmem:s31+$0x50];
	_ =	sdelay $0x4  }
0x1b5: {  	v4 =	vmax.f32 v4, v5  }
0x1b6: {  	[tilespmem:s13+$0x50] =	vst v4  }
0x1b7: {  	v4 =	vld [tilespmem:s14+$0x50]  }
0x1b8: {  	v5 =	vld [tilespmem:s31+$0xD0];
	_ =	sdelay $0x4  }
0x1b9: {  	v4 =	vmax.f32 v4, v5  }
0x1ba: {  	[tilespmem:s14+$0x50] =	vst v4  }
0x1bb: {  	v4 =	vld [tilespmem:s1+$0x60]  }
0x1bc: {  	v5 =	vld [tilespmem:s31+$0xFFFFFF60];
	_ =	sdelay $0x4  }
0x1bd: {  	v4 =	vmax.f32 v4, v5  }
0x1be: {  	[tilespmem:s1+$0x60] =	vst v4  }
0x1bf: {  	v4 =	vld [tilespmem:s0+$0x60]  }
0x1c0: {  	v5 =	vld [tilespmem:s31+$0xFFFFFFE0];
	_ =	sdelay $0x4  }
0x1c1: {  	v4 =	vmax.f32 v4, v5  }
0x1c2: {  	[tilespmem:s0+$0x60] =	vst v4  }
0x1c3: {  	v4 =	vld [tilespmem:s13+$0x60]  }
0x1c4: {  	v5 =	vld [tilespmem:s31+$0x60];
	_ =	sdelay $0x4  }
0x1c5: {  	v4 =	vmax.f32 v4, v5  }
0x1c6: {  	[tilespmem:s13+$0x60] =	vst v4  }
0x1c7: {  	v4 =	vld [tilespmem:s14+$0x60]  }
0x1c8: {  	v5 =	vld [tilespmem:s31+$0xE0];
	_ =	sdelay $0x1  }
.Ltmp14:
0x1c9: {  	(pc) =	sbr.rel @p3 .LBB2_16-.Ltmp14, $3  }
0x1ca: {  	_ =	sdelay $0x1  }
0x1cb: {  	v4 =	vmax.f32 v4, v5  }
0x1cc: {  	[tilespmem:s14+$0x60] =	vst v4  }
.LBB2_17:
0x1cd: {  	v4 =	vld [tilespmem:s1+$0x70]  }
0x1ce: {  	v5 =	vld [tilespmem:s7+$0xFFFFFF70];
	_ =	sdelay $0x4  }
0x1cf: {  	v4 =	vmax.f32 v4, v5  }
0x1d0: {  	[tilespmem:s1+$0x70] =	vst v4  }
0x1d1: {  	v4 =	vld [tilespmem:s0+$0x70]  }
0x1d2: {  	v5 =	vld [tilespmem:s7+$0xFFFFFFF0];
	_ =	sdelay $0x4  }
0x1d3: {  	v4 =	vmax.f32 v4, v5  }
0x1d4: {  	[tilespmem:s0+$0x70] =	vst v4  }
0x1d5: {  	v4 =	vld [tilespmem:s13+$0x70]  }
0x1d6: {  	v5 =	vld [tilespmem:s7+$0x70];
	_ =	sdelay $0x4  }
0x1d7: {  	v4 =	vmax.f32 v4, v5  }
0x1d8: {  	[tilespmem:s13+$0x70] =	vst v4  }
0x1d9: {  	v4 =	vld [tilespmem:s14+$0x70]  }
0x1da: {  	v5 =	vld [tilespmem:s7+$0xF0];
	_ =	sdelay $0x4  }
0x1db: {  	v4 =	vmax.f32 v4, v5  }
0x1dc: {  	[tilespmem:s14+$0x70] =	vst v4  }
.LBB2_18:
0x1dd: {  	s7 =	sshll.u32 s29, $0x2  }
0x1de: {  	p3 =	sge.s32 s7, s28  }
.Ltmp15:
0x1df: {  	_ = 	snop;
	(pc) =	sbr.rel @p3 .LBB2_13-.Ltmp15, $1  }
0x1e0: {  	_ =	sdelay $0x3  }
0x1e1: {  	s0 =	sshll.u32 s29, $0x4  }
0x1e2: {  	s0 =	sshra.s32 s0, $0x2  }
0x1e3: {  	s0 =	sadd.s32 s0, s6  }
0x1e4: {  	v4 =	vld [tilespmem:s0+$0x0];
	_ =	sdelay $0x4  }
0x1e5: {  	(v2sf) =	vpush v4, $0x0;
	_ =	sdelay $0xc  }
0x1e6: {  	s1 =	sshll.u32 s29, $0xB  }
0x1e7: {  	s1 =	sadd.s32 s1, s30  }
0x1e8: {  	s1 =	sshra.s32 s1, $0x2;
	s4 =	spop (v2sf)  }
0x1e9: {  	s1 =	sadd.s32 $0xB1C0, s1;
	s4 =	sshll.u32 s4, $0x7  }
0x1ea: {  	v4 =	vld [tilespmem:s1+$0xFFFFFFC0];
	s4 =	sand.u32 $0xFF80, s4  }
0x1eb: {  	v5 =	vld [tilespmem:s4+$0x0];
	_ =	sdelay $0x4  }
0x1ec: {  	v4 =	vmax.f32 v5, v4  }
0x1ed: {  	[tilespmem:s4+$0x0] =	vst v4;
	v4 =	vld [tilespmem:s4+$0x10]  }
0x1ee: {  	v5 =	vld [tilespmem:s1+$0xFFFFFFD0];
	_ =	sdelay $0x4  }
0x1ef: {  	v4 =	vmax.f32 v4, v5  }
0x1f0: {  	[tilespmem:s4+$0x10] =	vst v4;
	v4 =	vld [tilespmem:s4+$0x20]  }
0x1f1: {  	v5 =	vld [tilespmem:s1+$0xFFFFFFE0];
	_ =	sdelay $0x4  }
0x1f2: {  	v4 =	vmax.f32 v4, v5  }
0x1f3: {  	[tilespmem:s4+$0x20] =	vst v4;
	v4 =	vld [tilespmem:s4+$0x30]  }
0x1f4: {  	v5 =	vld [tilespmem:s1+$0xFFFFFFF0];
	_ =	sdelay $0x4  }
0x1f5: {  	v4 =	vmax.f32 v4, v5  }
0x1f6: {  	[tilespmem:s4+$0x30] =	vst v4;
	v4 =	vld [tilespmem:s4+$0x40]  }
0x1f7: {  	v5 =	vld [tilespmem:s1+$0x0];
	_ =	sdelay $0x4  }
0x1f8: {  	v4 =	vmax.f32 v4, v5  }
0x1f9: {  	[tilespmem:s4+$0x40] =	vst v4;
	v4 =	vld [tilespmem:s4+$0x50]  }
0x1fa: {  	v5 =	vld [tilespmem:s1+$0x10];
	_ =	sdelay $0x4  }
0x1fb: {  	v4 =	vmax.f32 v4, v5  }
0x1fc: {  	[tilespmem:s4+$0x50] =	vst v4;
	v4 =	vld [tilespmem:s4+$0x60]  }
0x1fd: {  	v5 =	vld [tilespmem:s1+$0x20];
	_ =	sdelay $0x3  }
0x1fe: {  	p3 =	slt.s32 s25, $0x10;
	s13 =	smov.u32 s25  }
0x1ff: {  	s13 =	simm.s32 @!p3 $0x10;
	v4 =	vmax.f32 v4, v5  }
0x200: {  	s7 =	ssub.s32 s13, s7;
	[tilespmem:s4+$0x60] =	vst v4;
	v4 =	vld [tilespmem:s4+$0x70]  }
0x201: {  	p3 =	seq.s32 s7, $0x1;
	v5 =	vld [tilespmem:s1+$0x30]  }
.Ltmp16:
0x202: {  	_ = 	snop;
	(pc) =	sbr.rel @p3 .LBB2_21-.Ltmp16, $2  }
0x203: {  	_ =	sdelay $0x2  }
0x204: {  	s7 =	sadd.s32 $0xFFFFFFFF, s7;
	v4 =	vmax.f32 v4, v5  }
.LBB2_20:
0x205: {  	p3 =	seq.s32 s7, $0x1;
	[tilespmem:s4+$0x70] =	vst v4;
	s0 =	sadd.s32 $0x1, s0;
	s1 =	sadd.s32 $0x80, s1  }
0x206: {  	s7 =	sadd.s32 $0xFFFFFFFF, s7;
	v4 =	vld [tilespmem:s0+$0x0];
	_ =	sdelay $0x4  }
0x207: {  	(v2sf) =	vpush v4, $0x0;
	_ =	sdelay $0xe  }
0x208: {  	s4 =	spop (v2sf)  }
0x209: {  	s4 =	sshll.u32 s4, $0x7  }
0x20a: {  	s4 =	sand.u32 $0xFF80, s4;
	v4 =	vld [tilespmem:s1+$0xFFFFFFC0]  }
0x20b: {  	v5 =	vld [tilespmem:s4+$0x0];
	_ =	sdelay $0x4  }
0x20c: {  	v4 =	vmax.f32 v5, v4  }
0x20d: {  	[tilespmem:s4+$0x0] =	vst v4;
	v4 =	vld [tilespmem:s4+$0x10]  }
0x20e: {  	v5 =	vld [tilespmem:s1+$0xFFFFFFD0];
	_ =	sdelay $0x4  }
0x20f: {  	v4 =	vmax.f32 v4, v5  }
0x210: {  	[tilespmem:s4+$0x10] =	vst v4;
	v4 =	vld [tilespmem:s4+$0x20]  }
0x211: {  	v5 =	vld [tilespmem:s1+$0xFFFFFFE0];
	_ =	sdelay $0x4  }
0x212: {  	v4 =	vmax.f32 v4, v5  }
0x213: {  	[tilespmem:s4+$0x20] =	vst v4;
	v4 =	vld [tilespmem:s4+$0x30]  }
0x214: {  	v5 =	vld [tilespmem:s1+$0xFFFFFFF0];
	_ =	sdelay $0x4  }
0x215: {  	v4 =	vmax.f32 v4, v5  }
0x216: {  	[tilespmem:s4+$0x30] =	vst v4;
	v4 =	vld [tilespmem:s4+$0x40]  }
0x217: {  	v5 =	vld [tilespmem:s1+$0x0];
	_ =	sdelay $0x4  }
0x218: {  	v4 =	vmax.f32 v4, v5  }
0x219: {  	[tilespmem:s4+$0x40] =	vst v4;
	v4 =	vld [tilespmem:s4+$0x50]  }
0x21a: {  	v5 =	vld [tilespmem:s1+$0x10];
	_ =	sdelay $0x4  }
0x21b: {  	v4 =	vmax.f32 v4, v5  }
0x21c: {  	[tilespmem:s4+$0x50] =	vst v4;
	v4 =	vld [tilespmem:s4+$0x60]  }
0x21d: {  	v5 =	vld [tilespmem:s1+$0x20];
	_ =	sdelay $0x4  }
0x21e: {  	v4 =	vmax.f32 v4, v5  }
0x21f: {  	[tilespmem:s4+$0x60] =	vst v4;
	v4 =	vld [tilespmem:s4+$0x70]  }
0x220: {  	v5 =	vld [tilespmem:s1+$0x30]  }
.Ltmp17:
0x221: {  	(pc) =	sbr.rel @!p3 .LBB2_20-.Ltmp17, $2  }
0x222: {  	_ =	sdelay $0x2  }
0x223: {  	v4 =	vmax.f32 v4, v5  }
.Ltmp18:
0x224: {  	_ = 	snop;
	(pc) =	sbr.rel .LBB2_21-.Ltmp18, $1  }
0x225: {  	_ =	sdelay $0x3  }
.LBB2_23:
0x226: {  	_ =	sfence.sel $0x180000  }
0x227: {  	[bflag:$0x0] =	sbarrier.arrive $0xFFFF  }
0x228: {  	_ =	strace $0x90000047  }
0x229: {  	s0 =	stileid.u32;
	[bflag:$0x2] =	sbarrier.arrive $0xFFFF  }
0x22a: {  	p0 =	sne.s32 s0, $0x0;
	s0 =	rddreg [dreg:$0x4]  }
0x22b: {  	s0 =	sadd.s32 @!p0 $0x100000, s0  }
0x22c: {  	[sflag:s0] =	ssyncadd.tile.s32 @!p0 $0x1;
	_ =	shalt  }
.Lfunc_end2:
_tile_overlayer_lowered:
.L_overlay_start_2:
0x22d: {  	(tag) =	ssettag $0x2  }
0x22e: {  	s0 =	rddreg [dreg:$0x0];
	s2 =	stileid.u32  }
0x22f: {  	s1 =	rddreg [dreg:$0x1];
	p0 =	sne.s32 s2, $0x0  }
0x230: {  	s3 =	rddreg [dreg:$0x2];
	[bflag:$0x3] =	sbarrier.arrive $0xFFFF;
	s2 =	simm.s32 @!p0 $0x1C07  }
0x231: {  	[timem:s3], [sflag:s2] =	dma.local @!p0 [hbm:s0], s1  }
0x232: {  	s0 =	simm.s32 @!p0 $0x7  }
0x233: {  	_ =	swait.ge @!p0 [sflag:s0], s1  }
0x234: {  	s1 =	ssub.s32 @!p0 $0x0, s1;
	[sflag:s0] =	ssyncset.done @!p0 $0x0  }
0x235: {  	[sflag:s0] =	ssyncadd.s32 @!p0 s1  }
0x236: {  	[bflag:$0x3] =	sbarrier.arrive $0xFFFF  }
0x237: {  	_ =	shalt  }

</sc_bundles>
